<compile_context>
chip_gen: v7x
topology: tpu7x:2x2x1
jax: 0.10.2.dev20260603
libtpu: 0.0.44.dev20260713+nightly
codegen_flags: <defaults>
</compile_context>

<pallas_src>
import functools

import jax
import jax.numpy as jnp
from jax import lax
from jax.experimental import pallas as pl
from jax.experimental.pallas import tpu as pltpu
from jax.experimental.pallas import tpu_sc as plsc

N = 10000
D = 128
E = 320000
NC = 2
NS = 16
NW = NC * NS
EPW = E // NW
CH = 80
NCHUNK = EPW // CH
BR = 80
NB = N // BR
CCH = 80
CNCH = EPW // CCH
CNB = N // CCH

_mesh = plsc.VectorSubcoreMesh(core_axis_name="c", subcore_axis_name="s")


def _agg_body(x_hbm, src_hbm, dst_hbm, sum_hbm, acc,
              rows0, rows1, rows2, srcbig, dstv0, dstv1, dstv2,
              g0, g1, g2, s0, s1, s2, d0, d1, d2, isem):
    c = lax.axis_index("c")
    s = lax.axis_index("s")
    wid = c * NS + s
    base = wid * EPW

    pltpu.async_copy(src_hbm.at[pl.ds(base, EPW)], srcbig, isem)

    @pl.loop(0, CH)
    def _(i):
        @pl.loop(0, D, step=16)
        def _(j):
            rows0[i, pl.ds(j, 16)] = jnp.zeros((16,), jnp.float32)

    @pl.loop(s, NB, step=NS)
    def _(bk):
        pltpu.sync_copy(rows0, acc.at[pl.ds(bk * BR, BR)])

    pltpu.make_async_copy(src_hbm.at[pl.ds(base, EPW)], srcbig, isem).wait()

    plsc.subcore_barrier()

    def dld(i, buf, sem):
        pltpu.async_copy(dst_hbm.at[pl.ds(base + i * CH, CH)], buf, sem)

    def dld_wait(i, buf, sem):
        pltpu.make_async_copy(dst_hbm.at[pl.ds(base + i * CH, CH)],
                              buf, sem).wait()

    def gat(i, buf, sem):
        pltpu.async_copy(x_hbm.at[srcbig.at[pl.ds(i * CH, CH)]], buf, sem)

    def gat_wait(i, buf, sem):
        pltpu.make_async_copy(x_hbm.at[srcbig.at[pl.ds(i * CH, CH)]],
                              buf, sem).wait()

    slots = ((0, rows0, dstv0, g0, s0, d0),
             (1, rows1, dstv1, g1, s1, d1),
             (2, rows2, dstv2, g2, s2, d2))
    for (o, rb, db, gs, ss, ds_) in slots:
        dld(o, db, ds_)
        gat(o, rb, gs)

    @pl.loop(0, (NCHUNK - 2) // 3)
    def _(k):
        i = 3 * k
        for (o, rb, db, gs, ss, ds_) in slots:
            gat_wait(i + o, rb, gs)
            dld_wait(i + o, db, ds_)
            pltpu.async_copy(rb, acc.at[db], ss, add=True)

        for (o, rb, db, gs, ss, ds_) in slots:
            pltpu.make_async_copy(rb, acc.at[db], ss).wait()

            @pl.when(i + 3 + o < NCHUNK)
            def _():
                dld(i + 3 + o, db, ds_)
                gat(i + 3 + o, rb, gs)

    for (o, rb, db, gs, ss, ds_) in ((NCHUNK - 2, rows0, dstv0, g0, s0, d0),
                                     (NCHUNK - 1, rows1, dstv1, g1, s1, d1)):
        gat_wait(o, rb, gs)
        dld_wait(o, db, ds_)
        pltpu.sync_copy(rb, acc.at[db], add=True)

    plsc.subcore_barrier()

    @pl.loop(s, NB, step=NS)
    def _(bk):
        pltpu.sync_copy(acc.at[pl.ds(bk * BR, BR)], rows0)
        pltpu.sync_copy(rows0, sum_hbm.at[c, pl.ds(bk * BR, BR)])


_agg = pl.kernel(
    _agg_body,
    out_type=jax.ShapeDtypeStruct((NC, N, D), jnp.float32),
    mesh=_mesh,
    scratch_types=[
        pltpu.VMEM_SHARED((N, D), jnp.float32),
        pltpu.VMEM((CH, D), jnp.float32),
        pltpu.VMEM((CH, D), jnp.float32),
        pltpu.VMEM((CH, D), jnp.float32),
        pltpu.VMEM((EPW,), jnp.int32),
        pltpu.VMEM((CH,), jnp.int32),
        pltpu.VMEM((CH,), jnp.int32),
        pltpu.VMEM((CH,), jnp.int32),
        pltpu.SemaphoreType.DMA,
        pltpu.SemaphoreType.DMA,
        pltpu.SemaphoreType.DMA,
        pltpu.SemaphoreType.DMA,
        pltpu.SemaphoreType.DMA,
        pltpu.SemaphoreType.DMA,
        pltpu.SemaphoreType.DMA,
        pltpu.SemaphoreType.DMA,
        pltpu.SemaphoreType.DMA,
        pltpu.SemaphoreType.DMA,
    ],
)


def _cnt_body(dst_hbm, cnt_hbm, cacc, ones,
              dstv0, dstv1, dstv2, d0, d1, d2, s0, s1, s2):
    c = lax.axis_index("c")
    s = lax.axis_index("s")
    wid = c * NS + s
    base = wid * EPW

    @pl.loop(0, CCH)
    def _(i):
        @pl.loop(0, D, step=16)
        def _(j):
            ones[i, pl.ds(j, 16)] = jnp.zeros((16,), jnp.float32)

    @pl.loop(s, CNB, step=NS)
    def _(bk):
        pltpu.sync_copy(ones, cacc.at[pl.ds(bk * CCH, CCH)])

    @pl.loop(0, CCH)
    def _(i):
        @pl.loop(0, D, step=16)
        def _(j):
            ones[i, pl.ds(j, 16)] = jnp.ones((16,), jnp.float32)

    plsc.subcore_barrier()

    def dld(i, buf, sem):
        pltpu.async_copy(dst_hbm.at[pl.ds(base + i * CCH, CCH)], buf, sem)

    def dld_wait(i, buf, sem):
        pltpu.make_async_copy(dst_hbm.at[pl.ds(base + i * CCH, CCH)],
                              buf, sem).wait()

    dld(0, dstv0, d0)
    dld(1, dstv1, d1)
    dld(2, dstv2, d2)

    @pl.loop(0, (CNCH - 2) // 3)
    def _(k):
        i = 3 * k
        for (o, db, ds_, ss) in ((0, dstv0, d0, s0),
                                 (1, dstv1, d1, s1),
                                 (2, dstv2, d2, s2)):
            dld_wait(i + o, db, ds_)
            pltpu.async_copy(ones, cacc.at[db], ss, add=True)

        for (o, db, ds_, ss) in ((0, dstv0, d0, s0),
                                 (1, dstv1, d1, s1),
                                 (2, dstv2, d2, s2)):
            pltpu.make_async_copy(ones, cacc.at[db], ss).wait()

            @pl.when(i + 3 + o < CNCH)
            def _():
                dld(i + 3 + o, db, ds_)

    for (o, db, ds_) in ((CNCH - 2, dstv0, d0), (CNCH - 1, dstv1, d1)):
        dld_wait(o, db, ds_)
        pltpu.sync_copy(ones, cacc.at[db], add=True)

    plsc.subcore_barrier()

    @pl.loop(s, CNB, step=NS)
    def _(bk):
        pltpu.sync_copy(cacc.at[pl.ds(bk * CCH, CCH)], ones)
        pltpu.sync_copy(ones, cnt_hbm.at[c, pl.ds(bk * CCH, CCH)])


_cnt = pl.kernel(
    _cnt_body,
    out_type=jax.ShapeDtypeStruct((NC, N, D), jnp.float32),
    mesh=_mesh,
    scratch_types=[
        pltpu.VMEM_SHARED((N, D), jnp.float32),
        pltpu.VMEM((CCH, D), jnp.float32),
        pltpu.VMEM((CCH,), jnp.int32),
        pltpu.VMEM((CCH,), jnp.int32),
        pltpu.VMEM((CCH,), jnp.int32),
        pltpu.SemaphoreType.DMA,
        pltpu.SemaphoreType.DMA,
        pltpu.SemaphoreType.DMA,
        pltpu.SemaphoreType.DMA,
        pltpu.SemaphoreType.DMA,
        pltpu.SemaphoreType.DMA,
    ],
)

RB = 1000


def _combine_body(relu, p_ref, c_ref, x_ref, wl_ref, b_ref, wr_ref, o_ref):
    psum = p_ref[0] + p_ref[1]
    cnt = c_ref[0, :, 0:1] + c_ref[1, :, 0:1]
    mean = psum / jnp.maximum(cnt, 1.0)
    h = (jnp.dot(mean, wl_ref[...], preferred_element_type=jnp.float32)
         + b_ref[...]
         + jnp.dot(x_ref[...], wr_ref[...], preferred_element_type=jnp.float32))
    if relu:
        h = jnp.maximum(h, 0.0)
    o_ref[...] = h


def _combine(relu, p, cnt, x, wl_t, b, wr_t):
    return pl.pallas_call(
        functools.partial(_combine_body, relu),
        out_shape=jax.ShapeDtypeStruct((N, D), jnp.float32),
        grid=(N // RB,),
        in_specs=[
            pl.BlockSpec((NC, RB, D), lambda i: (0, i, 0)),
            pl.BlockSpec((NC, RB, D), lambda i: (0, i, 0)),
            pl.BlockSpec((RB, D), lambda i: (i, 0)),
            pl.BlockSpec((D, D), lambda i: (0, 0)),
            pl.BlockSpec((1, D), lambda i: (0, 0)),
            pl.BlockSpec((D, D), lambda i: (0, 0)),
        ],
        out_specs=pl.BlockSpec((RB, D), lambda i: (i, 0)),
    )(p, cnt, x, wl_t, b, wr_t)


def kernel(x, edge_index, W_l0, b_l0, W_r0, W_l1, b_l1, W_r1, W_l2, b_l2, W_r2):
    src = edge_index[0]
    dst = edge_index[1]

    cnt = _cnt(dst)
    p = _agg(x, src, dst)
    h = _combine(True, p, cnt, x, W_l0.T, b_l0.reshape(1, D), W_r0.T)
    p = _agg(h, src, dst)
    h = _combine(True, p, cnt, h, W_l1.T, b_l1.reshape(1, D), W_r1.T)
    p = _agg(h, src, dst)
    h = _combine(False, p, cnt, h, W_l2.T, b_l2.reshape(1, D), W_r2.T)
    return h

# --- scband reference (transcript-rebuilt; emitter-appended) ---
"""Pipeline reference for scband-graph-sagebackbone-26731876451057 (READ-ONLY COPY).

The authoritative reference and input builder live on the scoring server;
editing this copy changes nothing except your own understanding.
"""

import jax, jax.numpy as jnp
import numpy as np

N = 10000
E = 320000
D = 128
NUM_LAYERS = 3


def setup_inputs(seed: int = 0) -> dict:
    key = jax.random.key(seed)
    ks = jax.random.split(key, 2 + 2 * NUM_LAYERS)
    inp = {
        "x": jax.random.normal(ks[0], (N, D), dtype=jnp.float32),
        "edge_index": jax.random.randint(ks[1], (2, E), 0, N, dtype=jnp.int32),
    }
    scale = 1.0 / np.sqrt(D)
    for i in range(NUM_LAYERS):
        inp[f"W_l{i}"] = jax.random.normal(ks[2 + 2 * i], (D, D), dtype=jnp.float32) * scale
        inp[f"b_l{i}"] = jnp.zeros((D,), dtype=jnp.float32)
        inp[f"W_r{i}"] = jax.random.normal(ks[3 + 2 * i], (D, D), dtype=jnp.float32) * scale
    return inp


def _sage_conv(x, edge_index, W_l, b_l, W_r):
    # PyG SAGEConv with mean aggregation:
    #   out = lin_l(mean_{j in N(i)} x_j) + lin_r(x_i)
    src = edge_index[0]
    dst = edge_index[1]
    msg = jnp.take(x, src, axis=0)                      # gather  [E, D]
    s = jax.ops.segment_sum(msg, dst, num_segments=x.shape[0])   # scatter-add
    cnt = jax.ops.segment_sum(
        jnp.ones((msg.shape[0], 1), dtype=x.dtype), dst, num_segments=x.shape[0]
    )
    mean = s / jnp.clip(cnt, 1.0)
    return mean @ W_l.T + b_l + x @ W_r.T


def reference(x, edge_index, W_l0, b_l0, W_r0, W_l1, b_l1, W_r1, W_l2, b_l2, W_r2):
    h = jax.nn.relu(_sage_conv(x, edge_index, W_l0, b_l0, W_r0))
    h = jax.nn.relu(_sage_conv(h, edge_index, W_l1, b_l1, W_r1))
    h = _sage_conv(h, edge_index, W_l2, b_l2, W_r2)
    return h

if __name__ == "__main__":
    import jax
    _d = setup_inputs()
    print(jax.jit(kernel)(*tuple(_d.values())))

</pallas_src>

<mosaic_0001>
#map = affine_map<(d0, d1) -> (0)>
#map1 = affine_map<(d0, d1) -> (0, 0, 0)>
module attributes {stable_mosaic.version = 14 : i64} {
  func.func @_cnt_body(%arg0: i32, %arg1: i32, %arg2: memref<320000xi32, #tpu.memory_space<hbm>>, %arg3: memref<2x10000x128xf32, #tpu.memory_space<hbm>>, %arg4: memref<10000x128xf32, #tpu.memory_space<vmem_shared>>, %arg5: memref<80x128xf32, #tpu.memory_space<vmem>>, %arg6: memref<80xi32, #tpu.memory_space<vmem>>, %arg7: memref<80xi32, #tpu.memory_space<vmem>>, %arg8: memref<80xi32, #tpu.memory_space<vmem>>, %arg9: memref<!tpu.dma_semaphore, #tpu.memory_space<semaphore_mem>>, %arg10: memref<!tpu.dma_semaphore, #tpu.memory_space<semaphore_mem>>, %arg11: memref<!tpu.dma_semaphore, #tpu.memory_space<semaphore_mem>>, %arg12: memref<!tpu.dma_semaphore, #tpu.memory_space<semaphore_mem>>, %arg13: memref<!tpu.dma_semaphore, #tpu.memory_space<semaphore_mem>>, %arg14: memref<!tpu.dma_semaphore, #tpu.memory_space<semaphore_mem>>) attributes {dimension_semantics = [#tpu.dimension_semantics<core_parallel>, #tpu.dimension_semantics<subcore_parallel>], iteration_bounds = array<i64: 2, 16>, scalar_prefetch = 0 : i64, scratch_operands = 11 : i64, tpu.core_type = #tpu.core_type<sc_vector_subcore>, window_params = [{transform_indices = #map}, {transform_indices = #map1}]} {
    %mul3A = arith.constant 16 : i32
    %mul3A_0 = arith.muli %arg0, %mul3A : i32
    %add3A = arith.addi %mul3A_0, %arg1 : i32
    %mul3A_1 = arith.constant 10000 : i32
    %mul3A_2 = arith.muli %add3A, %mul3A_1 : i32
    %scan3A = arith.constant 0 : i32
    %scan3A_3 = arith.constant 80 : i32
    %scan3A_4 = arith.addi %scan3A, %scan3A_3 : i32
    %scan3A_5 = arith.constant 1 : i32
    scf.for %scan3A_69 = %scan3A to %scan3A_4 step %scan3A_5  : i32 {
      %mul3A_70 = arith.constant 1 : i32
      %mul3A_71 = arith.muli %scan3A_69, %mul3A_70 : i32
      %add3A_72 = arith.constant 0 : i32
      %add3A_73 = arith.addi %add3A_72, %mul3A_71 : i32
      %scan3A_74 = arith.constant 0 : i32
      %scan3A_75 = arith.constant 8 : i32
      %scan3A_76 = arith.addi %scan3A_74, %scan3A_75 : i32
      %scan3A_77 = arith.constant 1 : i32
      scf.for %scan3A_79 = %scan3A_74 to %scan3A_76 step %scan3A_77  : i32 {
        %mul3A_80 = arith.constant 16 : i32
        %mul3A_81 = arith.muli %scan3A_79, %mul3A_80 : i32
        %add3A_82 = arith.constant 0 : i32
        %add3A_83 = arith.addi %add3A_82, %mul3A_81 : i32
        %broadcast_in_dim3A = arith.constant 0.000000e+00 : f32
        %broadcast_in_dim3A_84 = vector.broadcast %broadcast_in_dim3A : f32 to vector<16xf32>
        %swap3A = arith.index_cast %add3A_73 : i32 to index
        %swap3A_85 = arith.index_cast %add3A_83 : i32 to index
        %swap3A_86 = tpu.vector_load %arg5[%swap3A, %swap3A_85] {strides = array<i32>} : memref<80x128xf32, #tpu.memory_space<vmem>>, vector<1x16xf32>,
        %swap3A_87 = vector.shape_cast %swap3A_86 : vector<1x16xf32> to vector<16xf32>
        %swap3A_88 = vector.shape_cast %broadcast_in_dim3A_84 : vector<16xf32> to vector<1x16xf32>
        tpu.vector_store %arg5[%swap3A, %swap3A_85], %swap3A_88 {strides = array<i32>} : memref<80x128xf32, #tpu.memory_space<vmem>>, vector<1x16xf32>,
      }
      %scan3A_78 = arith.constant 8 : i32
    }
    %scan3A_6 = arith.constant 80 : i32
    %sub3A = arith.constant 125 : i32
    %sub3A_7 = arith.subi %sub3A, %arg1 : i32
    %sub3A_8 = arith.constant 16 : i32
    %sub3A_9 = arith.constant 1 : i32
    %sub3A_10 = arith.subi %sub3A_8, %sub3A_9 : i32
    %add3A_11 = arith.addi %sub3A_7, %sub3A_10 : i32
    %div3A = arith.constant 16 : i32
    %div3A_12 = arith.divsi %add3A_11, %div3A : i32
    %while3A = arith.constant 16 : i32
    %while3A_13 = arith.constant 0 : i32
    %while3A_14 = arith.subi %div3A_12, %while3A_13 : i32
    %while3A_15 = arith.addi %while3A_13, %while3A_14 : i32
    %while3A_16 = arith.constant 1 : i32
    %while3A_17 = arith.divsi %while3A_14, %while3A_16 : i32
    %while3A_18 = arith.muli %while3A_17, %while3A_16 : i32
    %while3A_19 = arith.addi %while3A_13, %while3A_18 : i32
    %while3A_20 = arith.constant 1 : i32
    scf.for %while3A_69 = %while3A_13 to %while3A_19 step %while3A_20  : i32 {
      %mul3A_70 = arith.muli %while3A_69, %while3A : i32
      %add3A_71 = arith.addi %arg1, %mul3A_70 : i32
      %mul3A_72 = arith.constant 80 : i32
      %mul3A_73 = arith.muli %add3A_71, %mul3A_72 : i32
      "tpu.region"() ({
        %run_scoped3A = tpu.sem_alloc : memref<!tpu.dma_semaphore, #tpu.memory_space<semaphore_mem>>
        %dma_start3A_74 = arith.constant 0 : i32
        %dma_start3A_75 = tpu.memref_slice %arg4[%mul3A_73, %dma_start3A_74] : memref<10000x128xf32, #tpu.memory_space<vmem_shared>> -> memref<80x128xf32, #tpu.memory_space<vmem_shared>>
        %dma_start3A_76 = arith.constant 0 : i32
        %dma_start3A_77 = tpu.memref_slice %arg4[%mul3A_73, %dma_start3A_76] : memref<10000x128xf32, #tpu.memory_space<vmem_shared>> -> memref<80x128xf32, #tpu.memory_space<vmem_shared>>
        tpu.enqueue_dma source(%arg5 : memref<80x128xf32, #tpu.memory_space<vmem>>) target(%dma_start3A_77 : memref<80x128xf32, #tpu.memory_space<vmem_shared>>) target_semaphore(%run_scoped3A : memref<!tpu.dma_semaphore, #tpu.memory_space<semaphore_mem>>)
        %dma_wait3A_78 = arith.constant 0 : i32
        %dma_wait3A_79 = tpu.memref_slice %arg4[%mul3A_73, %dma_wait3A_78] : memref<10000x128xf32, #tpu.memory_space<vmem_shared>> -> memref<80x128xf32, #tpu.memory_space<vmem_shared>>
        %dma_wait3A_80 = arith.constant 0 : i32
        %dma_wait3A_81 = tpu.memref_slice %arg4[%mul3A_73, %dma_wait3A_80] : memref<10000x128xf32, #tpu.memory_space<vmem_shared>> -> memref<80x128xf32, #tpu.memory_space<vmem_shared>>
        tpu.wait_dma2 semaphore(%run_scoped3A : memref<!tpu.dma_semaphore, #tpu.memory_space<semaphore_mem>>) src(%arg5 : memref<80x128xf32, #tpu.memory_space<vmem>>) dst(%dma_wait3A_81 : memref<80x128xf32, #tpu.memory_space<vmem_shared>>)
        tpu.yield
      }) : () -> ()
    }
    %while3A_21 = arith.constant 1 : i32
    scf.for %while3A_69 = %while3A_19 to %while3A_15 step %while3A_21  : i32 {
      %mul3A_70 = arith.muli %while3A_69, %while3A : i32
      %add3A_71 = arith.addi %arg1, %mul3A_70 : i32
      %mul3A_72 = arith.constant 80 : i32
      %mul3A_73 = arith.muli %add3A_71, %mul3A_72 : i32
      "tpu.region"() ({
        %run_scoped3A = tpu.sem_alloc : memref<!tpu.dma_semaphore, #tpu.memory_space<semaphore_mem>>
        %dma_start3A_74 = arith.constant 0 : i32
        %dma_start3A_75 = tpu.memref_slice %arg4[%mul3A_73, %dma_start3A_74] : memref<10000x128xf32, #tpu.memory_space<vmem_shared>> -> memref<80x128xf32, #tpu.memory_space<vmem_shared>>
        %dma_start3A_76 = arith.constant 0 : i32
        %dma_start3A_77 = tpu.memref_slice %arg4[%mul3A_73, %dma_start3A_76] : memref<10000x128xf32, #tpu.memory_space<vmem_shared>> -> memref<80x128xf32, #tpu.memory_space<vmem_shared>>
        tpu.enqueue_dma source(%arg5 : memref<80x128xf32, #tpu.memory_space<vmem>>) target(%dma_start3A_77 : memref<80x128xf32, #tpu.memory_space<vmem_shared>>) target_semaphore(%run_scoped3A : memref<!tpu.dma_semaphore, #tpu.memory_space<semaphore_mem>>)
        %dma_wait3A_78 = arith.constant 0 : i32
        %dma_wait3A_79 = tpu.memref_slice %arg4[%mul3A_73, %dma_wait3A_78] : memref<10000x128xf32, #tpu.memory_space<vmem_shared>> -> memref<80x128xf32, #tpu.memory_space<vmem_shared>>
        %dma_wait3A_80 = arith.constant 0 : i32
        %dma_wait3A_81 = tpu.memref_slice %arg4[%mul3A_73, %dma_wait3A_80] : memref<10000x128xf32, #tpu.memory_space<vmem_shared>> -> memref<80x128xf32, #tpu.memory_space<vmem_shared>>
        tpu.wait_dma2 semaphore(%run_scoped3A : memref<!tpu.dma_semaphore, #tpu.memory_space<semaphore_mem>>) src(%arg5 : memref<80x128xf32, #tpu.memory_space<vmem>>) dst(%dma_wait3A_81 : memref<80x128xf32, #tpu.memory_space<vmem_shared>>)
        tpu.yield
      }) : () -> ()
    }
    %scan3A_22 = arith.constant 0 : i32
    %scan3A_23 = arith.constant 80 : i32
    %scan3A_24 = arith.addi %scan3A_22, %scan3A_23 : i32
    %scan3A_25 = arith.constant 1 : i32
    scf.for %scan3A_69 = %scan3A_22 to %scan3A_24 step %scan3A_25  : i32 {
      %mul3A_70 = arith.constant 1 : i32
      %mul3A_71 = arith.muli %scan3A_69, %mul3A_70 : i32
      %add3A_72 = arith.constant 0 : i32
      %add3A_73 = arith.addi %add3A_72, %mul3A_71 : i32
      %scan3A_74 = arith.constant 0 : i32
      %scan3A_75 = arith.constant 8 : i32
      %scan3A_76 = arith.addi %scan3A_74, %scan3A_75 : i32
      %scan3A_77 = arith.constant 1 : i32
      scf.for %scan3A_79 = %scan3A_74 to %scan3A_76 step %scan3A_77  : i32 {
        %mul3A_80 = arith.constant 16 : i32
        %mul3A_81 = arith.muli %scan3A_79, %mul3A_80 : i32
        %add3A_82 = arith.constant 0 : i32
        %add3A_83 = arith.addi %add3A_82, %mul3A_81 : i32
        %broadcast_in_dim3A = arith.constant 1.000000e+00 : f32
        %broadcast_in_dim3A_84 = vector.broadcast %broadcast_in_dim3A : f32 to vector<16xf32>
        %swap3A = arith.index_cast %add3A_73 : i32 to index
        %swap3A_85 = arith.index_cast %add3A_83 : i32 to index
        %swap3A_86 = tpu.vector_load %arg5[%swap3A, %swap3A_85] {strides = array<i32>} : memref<80x128xf32, #tpu.memory_space<vmem>>, vector<1x16xf32>,
        %swap3A_87 = vector.shape_cast %swap3A_86 : vector<1x16xf32> to vector<16xf32>
        %swap3A_88 = vector.shape_cast %broadcast_in_dim3A_84 : vector<16xf32> to vector<1x16xf32>
        tpu.vector_store %arg5[%swap3A, %swap3A_85], %swap3A_88 {strides = array<i32>} : memref<80x128xf32, #tpu.memory_space<vmem>>, vector<1x16xf32>,
      }
      %scan3A_78 = arith.constant 8 : i32
    }
    %scan3A_26 = arith.constant 80 : i32
    %barrier3A = arith.constant 0 : index
    tpu.barrier barrier_id(%barrier3A)
    %add3A_27 = arith.constant 0 : i32
    %add3A_28 = arith.addi %mul3A_2, %add3A_27 : i32
    %dma_start3A = tpu.memref_slice %arg2[%add3A_28] : memref<320000xi32, #tpu.memory_space<hbm>> -> memref<80xi32, #tpu.memory_space<hbm>>
    %dma_start3A_29 = tpu.memref_slice %arg2[%add3A_28] : memref<320000xi32, #tpu.memory_space<hbm>> -> memref<80xi32, #tpu.memory_space<hbm>>
    tpu.enqueue_dma source(%dma_start3A_29 : memref<80xi32, #tpu.memory_space<hbm>>) target(%arg6 : memref<80xi32, #tpu.memory_space<vmem>>) target_semaphore(%arg9 : memref<!tpu.dma_semaphore, #tpu.memory_space<semaphore_mem>>)
    %add3A_30 = arith.constant 80 : i32
    %add3A_31 = arith.addi %mul3A_2, %add3A_30 : i32
    %dma_start3A_32 = tpu.memref_slice %arg2[%add3A_31] : memref<320000xi32, #tpu.memory_space<hbm>> -> memref<80xi32, #tpu.memory_space<hbm>>
    %dma_start3A_33 = tpu.memref_slice %arg2[%add3A_31] : memref<320000xi32, #tpu.memory_space<hbm>> -> memref<80xi32, #tpu.memory_space<hbm>>
    tpu.enqueue_dma source(%dma_start3A_33 : memref<80xi32, #tpu.memory_space<hbm>>) target(%arg7 : memref<80xi32, #tpu.memory_space<vmem>>) target_semaphore(%arg10 : memref<!tpu.dma_semaphore, #tpu.memory_space<semaphore_mem>>)
    %add3A_34 = arith.constant 160 : i32
    %add3A_35 = arith.addi %mul3A_2, %add3A_34 : i32
    %dma_start3A_36 = tpu.memref_slice %arg2[%add3A_35] : memref<320000xi32, #tpu.memory_space<hbm>> -> memref<80xi32, #tpu.memory_space<hbm>>
    %dma_start3A_37 = tpu.memref_slice %arg2[%add3A_35] : memref<320000xi32, #tpu.memory_space<hbm>> -> memref<80xi32, #tpu.memory_space<hbm>>
    tpu.enqueue_dma source(%dma_start3A_37 : memref<80xi32, #tpu.memory_space<hbm>>) target(%arg8 : memref<80xi32, #tpu.memory_space<vmem>>) target_semaphore(%arg11 : memref<!tpu.dma_semaphore, #tpu.memory_space<semaphore_mem>>)
    %scan3A_38 = arith.constant 0 : i32
    %scan3A_39 = arith.constant 41 : i32
    %scan3A_40 = arith.addi %scan3A_38, %scan3A_39 : i32
    %scan3A_41 = arith.constant 1 : i32
    scf.for %scan3A_69 = %scan3A_38 to %scan3A_40 step %scan3A_41  : i32 {
      %mul3A_70 = arith.constant 1 : i32
      %mul3A_71 = arith.muli %scan3A_69, %mul3A_70 : i32
      %add3A_72 = arith.constant 0 : i32
      %add3A_73 = arith.addi %add3A_72, %mul3A_71 : i32
      %mul3A_74 = arith.constant 3 : i32
      %mul3A_75 = arith.muli %mul3A_74, %add3A_73 : i32
      %add3A_76 = arith.constant 0 : i32
      %add3A_77 = arith.addi %mul3A_75, %add3A_76 : i32
      %mul3A_78 = arith.constant 80 : i32
      %mul3A_79 = arith.muli %add3A_77, %mul3A_78 : i32
      %add3A_80 = arith.addi %mul3A_2, %mul3A_79 : i32
      %dma_wait3A_81 = tpu.memref_slice %arg2[%add3A_80] : memref<320000xi32, #tpu.memory_space<hbm>> -> memref<80xi32, #tpu.memory_space<hbm>>
      %dma_wait3A_82 = tpu.memref_slice %arg2[%add3A_80] : memref<320000xi32, #tpu.memory_space<hbm>> -> memref<80xi32, #tpu.memory_space<hbm>>
      tpu.wait_dma2 semaphore(%arg9 : memref<!tpu.dma_semaphore, #tpu.memory_space<semaphore_mem>>) src(%dma_wait3A_82 : memref<80xi32, #tpu.memory_space<hbm>>) dst(%arg6 : memref<80xi32, #tpu.memory_space<vmem>>)
      %dma_start3A_83 = arith.constant 0 : i32
      %dma_start3A_84 = arith.constant 0 : i32
      %dma_start3A_85 = tpu.memref_slice %arg4[%dma_start3A_83, %dma_start3A_84] : memref<10000x128xf32, #tpu.memory_space<vmem_shared>> -> memref<10000x128xf32, #tpu.memory_space<vmem_shared>>
      tpu.enqueue_indirect_dma source(%arg5 : memref<80x128xf32, #tpu.memory_space<vmem>>) target(%dma_start3A_85 : memref<10000x128xf32, #tpu.memory_space<vmem_shared>>) offsets(%arg6 : memref<80xi32, #tpu.memory_space<vmem>>) semaphore(%arg12 : memref<!tpu.dma_semaphore, #tpu.memory_space<semaphore_mem>>) {add = true}
      %add3A_86 = arith.constant 1 : i32
      %add3A_87 = arith.addi %mul3A_75, %add3A_86 : i32
      %mul3A_88 = arith.constant 80 : i32
      %mul3A_89 = arith.muli %add3A_87, %mul3A_88 : i32
      %add3A_90 = arith.addi %mul3A_2, %mul3A_89 : i32
      %dma_wait3A_91 = tpu.memref_slice %arg2[%add3A_90] : memref<320000xi32, #tpu.memory_space<hbm>> -> memref<80xi32, #tpu.memory_space<hbm>>
      %dma_wait3A_92 = tpu.memref_slice %arg2[%add3A_90] : memref<320000xi32, #tpu.memory_space<hbm>> -> memref<80xi32, #tpu.memory_space<hbm>>
      tpu.wait_dma2 semaphore(%arg10 : memref<!tpu.dma_semaphore, #tpu.memory_space<semaphore_mem>>) src(%dma_wait3A_92 : memref<80xi32, #tpu.memory_space<hbm>>) dst(%arg7 : memref<80xi32, #tpu.memory_space<vmem>>)
      %dma_start3A_93 = arith.constant 0 : i32
      %dma_start3A_94 = arith.constant 0 : i32
      %dma_start3A_95 = tpu.memref_slice %arg4[%dma_start3A_93, %dma_start3A_94] : memref<10000x128xf32, #tpu.memory_space<vmem_shared>> -> memref<10000x128xf32, #tpu.memory_space<vmem_shared>>
      tpu.enqueue_indirect_dma source(%arg5 : memref<80x128xf32, #tpu.memory_space<vmem>>) target(%dma_start3A_95 : memref<10000x128xf32, #tpu.memory_space<vmem_shared>>) offsets(%arg7 : memref<80xi32, #tpu.memory_space<vmem>>) semaphore(%arg13 : memref<!tpu.dma_semaphore, #tpu.memory_space<semaphore_mem>>) {add = true}
      %add3A_96 = arith.constant 2 : i32
      %add3A_97 = arith.addi %mul3A_75, %add3A_96 : i32
      %mul3A_98 = arith.constant 80 : i32
      %mul3A_99 = arith.muli %add3A_97, %mul3A_98 : i32
      %add3A_100 = arith.addi %mul3A_2, %mul3A_99 : i32
      %dma_wait3A_101 = tpu.memref_slice %arg2[%add3A_100] : memref<320000xi32, #tpu.memory_space<hbm>> -> memref<80xi32, #tpu.memory_space<hbm>>
      %dma_wait3A_102 = tpu.memref_slice %arg2[%add3A_100] : memref<320000xi32, #tpu.memory_space<hbm>> -> memref<80xi32, #tpu.memory_space<hbm>>
      tpu.wait_dma2 semaphore(%arg11 : memref<!tpu.dma_semaphore, #tpu.memory_space<semaphore_mem>>) src(%dma_wait3A_102 : memref<80xi32, #tpu.memory_space<hbm>>) dst(%arg8 : memref<80xi32, #tpu.memory_space<vmem>>)
      %dma_start3A_103 = arith.constant 0 : i32
      %dma_start3A_104 = arith.constant 0 : i32
      %dma_start3A_105 = tpu.memref_slice %arg4[%dma_start3A_103, %dma_start3A_104] : memref<10000x128xf32, #tpu.memory_space<vmem_shared>> -> memref<10000x128xf32, #tpu.memory_space<vmem_shared>>
      tpu.enqueue_indirect_dma source(%arg5 : memref<80x128xf32, #tpu.memory_space<vmem>>) target(%dma_start3A_105 : memref<10000x128xf32, #tpu.memory_space<vmem_shared>>) offsets(%arg8 : memref<80xi32, #tpu.memory_space<vmem>>) semaphore(%arg14 : memref<!tpu.dma_semaphore, #tpu.memory_space<semaphore_mem>>) {add = true}
      %dma_wait3A_106 = arith.constant 0 : i32
      %dma_wait3A_107 = arith.constant 0 : i32
      %dma_wait3A_108 = tpu.memref_slice %arg4[%dma_wait3A_106, %dma_wait3A_107] : memref<10000x128xf32, #tpu.memory_space<vmem_shared>> -> memref<10000x128xf32, #tpu.memory_space<vmem_shared>>
      tpu.wait_indirect_dma semaphore(%arg12 : memref<!tpu.dma_semaphore, #tpu.memory_space<semaphore_mem>>) src(%arg5 : memref<80x128xf32, #tpu.memory_space<vmem>>) dst(%dma_wait3A_108 : memref<10000x128xf32, #tpu.memory_space<vmem_shared>>)
      %add3A_109 = arith.constant 3 : i32
      %add3A_110 = arith.addi %mul3A_75, %add3A_109 : i32
      %add3A_111 = arith.constant 0 : i32
      %add3A_112 = arith.addi %add3A_110, %add3A_111 : i32
      %lt3A = arith.constant 125 : i32
      %lt3A_113 = arith.cmpi slt, %add3A_112, %lt3A : i32
      %convert_element_type3A = arith.extui %lt3A_113 : i1 to i32
      %cond3A = arith.constant 0 : i32
      %cond3A_114 = arith.cmpi ne, %convert_element_type3A, %cond3A : i32
      scf.if %cond3A_114 {
        %add3A_139 = arith.constant 3 : i32
        %add3A_140 = arith.addi %mul3A_75, %add3A_139 : i32
        %add3A_141 = arith.constant 0 : i32
        %add3A_142 = arith.addi %add3A_140, %add3A_141 : i32
        %mul3A_143 = arith.constant 80 : i32
        %mul3A_144 = arith.muli %add3A_142, %mul3A_143 : i32
        %add3A_145 = arith.addi %mul3A_2, %mul3A_144 : i32
        %dma_start3A_146 = tpu.memref_slice %arg2[%add3A_145] : memref<320000xi32, #tpu.memory_space<hbm>> -> memref<80xi32, #tpu.memory_space<hbm>>
        %dma_start3A_147 = tpu.memref_slice %arg2[%add3A_145] : memref<320000xi32, #tpu.memory_space<hbm>> -> memref<80xi32, #tpu.memory_space<hbm>>
        tpu.enqueue_dma source(%dma_start3A_147 : memref<80xi32, #tpu.memory_space<hbm>>) target(%arg6 : memref<80xi32, #tpu.memory_space<vmem>>) target_semaphore(%arg9 : memref<!tpu.dma_semaphore, #tpu.memory_space<semaphore_mem>>)
      } else {
      }
      %dma_wait3A_115 = arith.constant 0 : i32
      %dma_wait3A_116 = arith.constant 0 : i32
      %dma_wait3A_117 = tpu.memref_slice %arg4[%dma_wait3A_115, %dma_wait3A_116] : memref<10000x128xf32, #tpu.memory_space<vmem_shared>> -> memref<10000x128xf32, #tpu.memory_space<vmem_shared>>
      tpu.wait_indirect_dma semaphore(%arg13 : memref<!tpu.dma_semaphore, #tpu.memory_space<semaphore_mem>>) src(%arg5 : memref<80x128xf32, #tpu.memory_space<vmem>>) dst(%dma_wait3A_117 : memref<10000x128xf32, #tpu.memory_space<vmem_shared>>)
      %add3A_118 = arith.constant 3 : i32
      %add3A_119 = arith.addi %mul3A_75, %add3A_118 : i32
      %add3A_120 = arith.constant 1 : i32
      %add3A_121 = arith.addi %add3A_119, %add3A_120 : i32
      %lt3A_122 = arith.constant 125 : i32
      %lt3A_123 = arith.cmpi slt, %add3A_121, %lt3A_122 : i32
      %convert_element_type3A_124 = arith.extui %lt3A_123 : i1 to i32
      %cond3A_125 = arith.constant 0 : i32
      %cond3A_126 = arith.cmpi ne, %convert_element_type3A_124, %cond3A_125 : i32
      scf.if %cond3A_126 {
        %add3A_139 = arith.constant 3 : i32
        %add3A_140 = arith.addi %mul3A_75, %add3A_139 : i32
        %add3A_141 = arith.constant 1 : i32
        %add3A_142 = arith.addi %add3A_140, %add3A_141 : i32
        %mul3A_143 = arith.constant 80 : i32
        %mul3A_144 = arith.muli %add3A_142, %mul3A_143 : i32
        %add3A_145 = arith.addi %mul3A_2, %mul3A_144 : i32
        %dma_start3A_146 = tpu.memref_slice %arg2[%add3A_145] : memref<320000xi32, #tpu.memory_space<hbm>> -> memref<80xi32, #tpu.memory_space<hbm>>
        %dma_start3A_147 = tpu.memref_slice %arg2[%add3A_145] : memref<320000xi32, #tpu.memory_space<hbm>> -> memref<80xi32, #tpu.memory_space<hbm>>
        tpu.enqueue_dma source(%dma_start3A_147 : memref<80xi32, #tpu.memory_space<hbm>>) target(%arg7 : memref<80xi32, #tpu.memory_space<vmem>>) target_semaphore(%arg10 : memref<!tpu.dma_semaphore, #tpu.memory_space<semaphore_mem>>)
      } else {
      }
      %dma_wait3A_127 = arith.constant 0 : i32
      %dma_wait3A_128 = arith.constant 0 : i32
      %dma_wait3A_129 = tpu.memref_slice %arg4[%dma_wait3A_127, %dma_wait3A_128] : memref<10000x128xf32, #tpu.memory_space<vmem_shared>> -> memref<10000x128xf32, #tpu.memory_space<vmem_shared>>
      tpu.wait_indirect_dma semaphore(%arg14 : memref<!tpu.dma_semaphore, #tpu.memory_space<semaphore_mem>>) src(%arg5 : memref<80x128xf32, #tpu.memory_space<vmem>>) dst(%dma_wait3A_129 : memref<10000x128xf32, #tpu.memory_space<vmem_shared>>)
      %add3A_130 = arith.constant 3 : i32
      %add3A_131 = arith.addi %mul3A_75, %add3A_130 : i32
      %add3A_132 = arith.constant 2 : i32
      %add3A_133 = arith.addi %add3A_131, %add3A_132 : i32
      %lt3A_134 = arith.constant 125 : i32
      %lt3A_135 = arith.cmpi slt, %add3A_133, %lt3A_134 : i32
      %convert_element_type3A_136 = arith.extui %lt3A_135 : i1 to i32
      %cond3A_137 = arith.constant 0 : i32
      %cond3A_138 = arith.cmpi ne, %convert_element_type3A_136, %cond3A_137 : i32
      scf.if %cond3A_138 {
        %add3A_139 = arith.constant 3 : i32
        %add3A_140 = arith.addi %mul3A_75, %add3A_139 : i32
        %add3A_141 = arith.constant 2 : i32
        %add3A_142 = arith.addi %add3A_140, %add3A_141 : i32
        %mul3A_143 = arith.constant 80 : i32
        %mul3A_144 = arith.muli %add3A_142, %mul3A_143 : i32
        %add3A_145 = arith.addi %mul3A_2, %mul3A_144 : i32
        %dma_start3A_146 = tpu.memref_slice %arg2[%add3A_145] : memref<320000xi32, #tpu.memory_space<hbm>> -> memref<80xi32, #tpu.memory_space<hbm>>
        %dma_start3A_147 = tpu.memref_slice %arg2[%add3A_145] : memref<320000xi32, #tpu.memory_space<hbm>> -> memref<80xi32, #tpu.memory_space<hbm>>
        tpu.enqueue_dma source(%dma_start3A_147 : memref<80xi32, #tpu.memory_space<hbm>>) target(%arg8 : memref<80xi32, #tpu.memory_space<vmem>>) target_semaphore(%arg11 : memref<!tpu.dma_semaphore, #tpu.memory_space<semaphore_mem>>)
      } else {
      }
    }
    %scan3A_42 = arith.constant 41 : i32
    %add3A_43 = arith.constant 9840 : i32
    %add3A_44 = arith.addi %mul3A_2, %add3A_43 : i32
    %dma_wait3A = tpu.memref_slice %arg2[%add3A_44] : memref<320000xi32, #tpu.memory_space<hbm>> -> memref<80xi32, #tpu.memory_space<hbm>>
    %dma_wait3A_45 = tpu.memref_slice %arg2[%add3A_44] : memref<320000xi32, #tpu.memory_space<hbm>> -> memref<80xi32, #tpu.memory_space<hbm>>
    tpu.wait_dma2 semaphore(%arg9 : memref<!tpu.dma_semaphore, #tpu.memory_space<semaphore_mem>>) src(%dma_wait3A_45 : memref<80xi32, #tpu.memory_space<hbm>>) dst(%arg6 : memref<80xi32, #tpu.memory_space<vmem>>)
    "tpu.region"() ({
      %run_scoped3A = tpu.sem_alloc : memref<!tpu.dma_semaphore, #tpu.memory_space<semaphore_mem>>
      %dma_start3A_69 = arith.constant 0 : i32
      %dma_start3A_70 = arith.constant 0 : i32
      %dma_start3A_71 = tpu.memref_slice %arg4[%dma_start3A_69, %dma_start3A_70] : memref<10000x128xf32, #tpu.memory_space<vmem_shared>> -> memref<10000x128xf32, #tpu.memory_space<vmem_shared>>
      tpu.enqueue_indirect_dma source(%arg5 : memref<80x128xf32, #tpu.memory_space<vmem>>) target(%dma_start3A_71 : memref<10000x128xf32, #tpu.memory_space<vmem_shared>>) offsets(%arg6 : memref<80xi32, #tpu.memory_space<vmem>>) semaphore(%run_scoped3A : memref<!tpu.dma_semaphore, #tpu.memory_space<semaphore_mem>>) {add = true}
      %dma_wait3A_72 = arith.constant 0 : i32
      %dma_wait3A_73 = arith.constant 0 : i32
      %dma_wait3A_74 = tpu.memref_slice %arg4[%dma_wait3A_72, %dma_wait3A_73] : memref<10000x128xf32, #tpu.memory_space<vmem_shared>> -> memref<10000x128xf32, #tpu.memory_space<vmem_shared>>
      tpu.wait_indirect_dma semaphore(%run_scoped3A : memref<!tpu.dma_semaphore, #tpu.memory_space<semaphore_mem>>) src(%arg5 : memref<80x128xf32, #tpu.memory_space<vmem>>) dst(%dma_wait3A_74 : memref<10000x128xf32, #tpu.memory_space<vmem_shared>>)
      tpu.yield
    }) : () -> ()
    %add3A_46 = arith.constant 9920 : i32
    %add3A_47 = arith.addi %mul3A_2, %add3A_46 : i32
    %dma_wait3A_48 = tpu.memref_slice %arg2[%add3A_47] : memref<320000xi32, #tpu.memory_space<hbm>> -> memref<80xi32, #tpu.memory_space<hbm>>
    %dma_wait3A_49 = tpu.memref_slice %arg2[%add3A_47] : memref<320000xi32, #tpu.memory_space<hbm>> -> memref<80xi32, #tpu.memory_space<hbm>>
    tpu.wait_dma2 semaphore(%arg10 : memref<!tpu.dma_semaphore, #tpu.memory_space<semaphore_mem>>) src(%dma_wait3A_49 : memref<80xi32, #tpu.memory_space<hbm>>) dst(%arg7 : memref<80xi32, #tpu.memory_space<vmem>>)
    "tpu.region"() ({
      %run_scoped3A = tpu.sem_alloc : memref<!tpu.dma_semaphore, #tpu.memory_space<semaphore_mem>>
      %dma_start3A_69 = arith.constant 0 : i32
      %dma_start3A_70 = arith.constant 0 : i32
      %dma_start3A_71 = tpu.memref_slice %arg4[%dma_start3A_69, %dma_start3A_70] : memref<10000x128xf32, #tpu.memory_space<vmem_shared>> -> memref<10000x128xf32, #tpu.memory_space<vmem_shared>>
      tpu.enqueue_indirect_dma source(%arg5 : memref<80x128xf32, #tpu.memory_space<vmem>>) target(%dma_start3A_71 : memref<10000x128xf32, #tpu.memory_space<vmem_shared>>) offsets(%arg7 : memref<80xi32, #tpu.memory_space<vmem>>) semaphore(%run_scoped3A : memref<!tpu.dma_semaphore, #tpu.memory_space<semaphore_mem>>) {add = true}
      %dma_wait3A_72 = arith.constant 0 : i32
      %dma_wait3A_73 = arith.constant 0 : i32
      %dma_wait3A_74 = tpu.memref_slice %arg4[%dma_wait3A_72, %dma_wait3A_73] : memref<10000x128xf32, #tpu.memory_space<vmem_shared>> -> memref<10000x128xf32, #tpu.memory_space<vmem_shared>>
      tpu.wait_indirect_dma semaphore(%run_scoped3A : memref<!tpu.dma_semaphore, #tpu.memory_space<semaphore_mem>>) src(%arg5 : memref<80x128xf32, #tpu.memory_space<vmem>>) dst(%dma_wait3A_74 : memref<10000x128xf32, #tpu.memory_space<vmem_shared>>)
      tpu.yield
    }) : () -> ()
    %barrier3A_50 = arith.constant 0 : index
    tpu.barrier barrier_id(%barrier3A_50)
    %sub3A_51 = arith.constant 125 : i32
    %sub3A_52 = arith.subi %sub3A_51, %arg1 : i32
    %sub3A_53 = arith.constant 16 : i32
    %sub3A_54 = arith.constant 1 : i32
    %sub3A_55 = arith.subi %sub3A_53, %sub3A_54 : i32
    %add3A_56 = arith.addi %sub3A_52, %sub3A_55 : i32
    %div3A_57 = arith.constant 16 : i32
    %div3A_58 = arith.divsi %add3A_56, %div3A_57 : i32
    %while3A_59 = arith.constant 16 : i32
    %while3A_60 = arith.constant 0 : i32
    %while3A_61 = arith.subi %div3A_58, %while3A_60 : i32
    %while3A_62 = arith.addi %while3A_60, %while3A_61 : i32
    %while3A_63 = arith.constant 1 : i32
    %while3A_64 = arith.divsi %while3A_61, %while3A_63 : i32
    %while3A_65 = arith.muli %while3A_64, %while3A_63 : i32
    %while3A_66 = arith.addi %while3A_60, %while3A_65 : i32
    %while3A_67 = arith.constant 1 : i32
    scf.for %while3A_69 = %while3A_60 to %while3A_66 step %while3A_67  : i32 {
      %mul3A_70 = arith.muli %while3A_69, %while3A_59 : i32
      %add3A_71 = arith.addi %arg1, %mul3A_70 : i32
      %mul3A_72 = arith.constant 80 : i32
      %mul3A_73 = arith.muli %add3A_71, %mul3A_72 : i32
      "tpu.region"() ({
        %run_scoped3A = tpu.sem_alloc : memref<!tpu.dma_semaphore, #tpu.memory_space<semaphore_mem>>
        %dma_start3A_76 = arith.constant 0 : i32
        %dma_start3A_77 = tpu.memref_slice %arg4[%mul3A_73, %dma_start3A_76] : memref<10000x128xf32, #tpu.memory_space<vmem_shared>> -> memref<80x128xf32, #tpu.memory_space<vmem_shared>>
        %dma_start3A_78 = arith.constant 0 : i32
        %dma_start3A_79 = tpu.memref_slice %arg4[%mul3A_73, %dma_start3A_78] : memref<10000x128xf32, #tpu.memory_space<vmem_shared>> -> memref<80x128xf32, #tpu.memory_space<vmem_shared>>
        tpu.enqueue_dma source(%dma_start3A_79 : memref<80x128xf32, #tpu.memory_space<vmem_shared>>) target(%arg5 : memref<80x128xf32, #tpu.memory_space<vmem>>) target_semaphore(%run_scoped3A : memref<!tpu.dma_semaphore, #tpu.memory_space<semaphore_mem>>)
        %dma_wait3A_80 = arith.constant 0 : i32
        %dma_wait3A_81 = tpu.memref_slice %arg4[%mul3A_73, %dma_wait3A_80] : memref<10000x128xf32, #tpu.memory_space<vmem_shared>> -> memref<80x128xf32, #tpu.memory_space<vmem_shared>>
        %dma_wait3A_82 = arith.constant 0 : i32
        %dma_wait3A_83 = tpu.memref_slice %arg4[%mul3A_73, %dma_wait3A_82] : memref<10000x128xf32, #tpu.memory_space<vmem_shared>> -> memref<80x128xf32, #tpu.memory_space<vmem_shared>>
        tpu.wait_dma2 semaphore(%run_scoped3A : memref<!tpu.dma_semaphore, #tpu.memory_space<semaphore_mem>>) src(%dma_wait3A_83 : memref<80x128xf32, #tpu.memory_space<vmem_shared>>) dst(%arg5 : memref<80x128xf32, #tpu.memory_space<vmem>>)
        tpu.yield
      }) : () -> ()
      %mul3A_74 = arith.constant 80 : i32
      %mul3A_75 = arith.muli %add3A_71, %mul3A_74 : i32
      "tpu.region"() ({
        %run_scoped3A = tpu.sem_alloc : memref<!tpu.dma_semaphore, #tpu.memory_space<semaphore_mem>>
        %dma_start3A_76 = arith.constant 0 : i32
        %dma_start3A_77 = tpu.memref_slice %arg3[%arg0, %mul3A_75, %dma_start3A_76] : memref<2x10000x128xf32, #tpu.memory_space<hbm>> -> memref<1x80x128xf32, #tpu.memory_space<hbm>>
        %dma_start3A_78 = tpu.memref_squeeze %dma_start3A_77 : memref<1x80x128xf32, #tpu.memory_space<hbm>> -> memref<80x128xf32, #tpu.memory_space<hbm>>
        %dma_start3A_79 = arith.constant 0 : i32
        %dma_start3A_80 = tpu.memref_slice %arg3[%arg0, %mul3A_75, %dma_start3A_79] : memref<2x10000x128xf32, #tpu.memory_space<hbm>> -> memref<1x80x128xf32, #tpu.memory_space<hbm>>
        %dma_start3A_81 = tpu.memref_squeeze %dma_start3A_80 : memref<1x80x128xf32, #tpu.memory_space<hbm>> -> memref<80x128xf32, #tpu.memory_space<hbm>>
        tpu.enqueue_dma source(%arg5 : memref<80x128xf32, #tpu.memory_space<vmem>>) target(%dma_start3A_81 : memref<80x128xf32, #tpu.memory_space<hbm>>) target_semaphore(%run_scoped3A : memref<!tpu.dma_semaphore, #tpu.memory_space<semaphore_mem>>)
        %dma_wait3A_82 = arith.constant 0 : i32
        %dma_wait3A_83 = tpu.memref_slice %arg3[%arg0, %mul3A_75, %dma_wait3A_82] : memref<2x10000x128xf32, #tpu.memory_space<hbm>> -> memref<1x80x128xf32, #tpu.memory_space<hbm>>
        %dma_wait3A_84 = tpu.memref_squeeze %dma_wait3A_83 : memref<1x80x128xf32, #tpu.memory_space<hbm>> -> memref<80x128xf32, #tpu.memory_space<hbm>>
        %dma_wait3A_85 = arith.constant 0 : i32
        %dma_wait3A_86 = tpu.memref_slice %arg3[%arg0, %mul3A_75, %dma_wait3A_85] : memref<2x10000x128xf32, #tpu.memory_space<hbm>> -> memref<1x80x128xf32, #tpu.memory_space<hbm>>
        %dma_wait3A_87 = tpu.memref_squeeze %dma_wait3A_86 : memref<1x80x128xf32, #tpu.memory_space<hbm>> -> memref<80x128xf32, #tpu.memory_space<hbm>>
        tpu.wait_dma2 semaphore(%run_scoped3A : memref<!tpu.dma_semaphore, #tpu.memory_space<semaphore_mem>>) src(%arg5 : memref<80x128xf32, #tpu.memory_space<vmem>>) dst(%dma_wait3A_87 : memref<80x128xf32, #tpu.memory_space<hbm>>)
        tpu.yield
      }) : () -> ()
    }
    %while3A_68 = arith.constant 1 : i32
    scf.for %while3A_69 = %while3A_66 to %while3A_62 step %while3A_68  : i32 {
      %mul3A_70 = arith.muli %while3A_69, %while3A_59 : i32
      %add3A_71 = arith.addi %arg1, %mul3A_70 : i32
      %mul3A_72 = arith.constant 80 : i32
      %mul3A_73 = arith.muli %add3A_71, %mul3A_72 : i32
      "tpu.region"() ({
        %run_scoped3A = tpu.sem_alloc : memref<!tpu.dma_semaphore, #tpu.memory_space<semaphore_mem>>
        %dma_start3A_76 = arith.constant 0 : i32
        %dma_start3A_77 = tpu.memref_slice %arg4[%mul3A_73, %dma_start3A_76] : memref<10000x128xf32, #tpu.memory_space<vmem_shared>> -> memref<80x128xf32, #tpu.memory_space<vmem_shared>>
        %dma_start3A_78 = arith.constant 0 : i32
        %dma_start3A_79 = tpu.memref_slice %arg4[%mul3A_73, %dma_start3A_78] : memref<10000x128xf32, #tpu.memory_space<vmem_shared>> -> memref<80x128xf32, #tpu.memory_space<vmem_shared>>
        tpu.enqueue_dma source(%dma_start3A_79 : memref<80x128xf32, #tpu.memory_space<vmem_shared>>) target(%arg5 : memref<80x128xf32, #tpu.memory_space<vmem>>) target_semaphore(%run_scoped3A : memref<!tpu.dma_semaphore, #tpu.memory_space<semaphore_mem>>)
        %dma_wait3A_80 = arith.constant 0 : i32
        %dma_wait3A_81 = tpu.memref_slice %arg4[%mul3A_73, %dma_wait3A_80] : memref<10000x128xf32, #tpu.memory_space<vmem_shared>> -> memref<80x128xf32, #tpu.memory_space<vmem_shared>>
        %dma_wait3A_82 = arith.constant 0 : i32
        %dma_wait3A_83 = tpu.memref_slice %arg4[%mul3A_73, %dma_wait3A_82] : memref<10000x128xf32, #tpu.memory_space<vmem_shared>> -> memref<80x128xf32, #tpu.memory_space<vmem_shared>>
        tpu.wait_dma2 semaphore(%run_scoped3A : memref<!tpu.dma_semaphore, #tpu.memory_space<semaphore_mem>>) src(%dma_wait3A_83 : memref<80x128xf32, #tpu.memory_space<vmem_shared>>) dst(%arg5 : memref<80x128xf32, #tpu.memory_space<vmem>>)
        tpu.yield
      }) : () -> ()
      %mul3A_74 = arith.constant 80 : i32
      %mul3A_75 = arith.muli %add3A_71, %mul3A_74 : i32
      "tpu.region"() ({
        %run_scoped3A = tpu.sem_alloc : memref<!tpu.dma_semaphore, #tpu.memory_space<semaphore_mem>>
        %dma_start3A_76 = arith.constant 0 : i32
        %dma_start3A_77 = tpu.memref_slice %arg3[%arg0, %mul3A_75, %dma_start3A_76] : memref<2x10000x128xf32, #tpu.memory_space<hbm>> -> memref<1x80x128xf32, #tpu.memory_space<hbm>>
        %dma_start3A_78 = tpu.memref_squeeze %dma_start3A_77 : memref<1x80x128xf32, #tpu.memory_space<hbm>> -> memref<80x128xf32, #tpu.memory_space<hbm>>
        %dma_start3A_79 = arith.constant 0 : i32
        %dma_start3A_80 = tpu.memref_slice %arg3[%arg0, %mul3A_75, %dma_start3A_79] : memref<2x10000x128xf32, #tpu.memory_space<hbm>> -> memref<1x80x128xf32, #tpu.memory_space<hbm>>
        %dma_start3A_81 = tpu.memref_squeeze %dma_start3A_80 : memref<1x80x128xf32, #tpu.memory_space<hbm>> -> memref<80x128xf32, #tpu.memory_space<hbm>>
        tpu.enqueue_dma source(%arg5 : memref<80x128xf32, #tpu.memory_space<vmem>>) target(%dma_start3A_81 : memref<80x128xf32, #tpu.memory_space<hbm>>) target_semaphore(%run_scoped3A : memref<!tpu.dma_semaphore, #tpu.memory_space<semaphore_mem>>)
        %dma_wait3A_82 = arith.constant 0 : i32
        %dma_wait3A_83 = tpu.memref_slice %arg3[%arg0, %mul3A_75, %dma_wait3A_82] : memref<2x10000x128xf32, #tpu.memory_space<hbm>> -> memref<1x80x128xf32, #tpu.memory_space<hbm>>
        %dma_wait3A_84 = tpu.memref_squeeze %dma_wait3A_83 : memref<1x80x128xf32, #tpu.memory_space<hbm>> -> memref<80x128xf32, #tpu.memory_space<hbm>>
        %dma_wait3A_85 = arith.constant 0 : i32
        %dma_wait3A_86 = tpu.memref_slice %arg3[%arg0, %mul3A_75, %dma_wait3A_85] : memref<2x10000x128xf32, #tpu.memory_space<hbm>> -> memref<1x80x128xf32, #tpu.memory_space<hbm>>
        %dma_wait3A_87 = tpu.memref_squeeze %dma_wait3A_86 : memref<1x80x128xf32, #tpu.memory_space<hbm>> -> memref<80x128xf32, #tpu.memory_space<hbm>>
        tpu.wait_dma2 semaphore(%run_scoped3A : memref<!tpu.dma_semaphore, #tpu.memory_space<semaphore_mem>>) src(%arg5 : memref<80x128xf32, #tpu.memory_space<vmem>>) dst(%dma_wait3A_87 : memref<80x128xf32, #tpu.memory_space<hbm>>)
        tpu.yield
      }) : () -> ()
    }
    return
  }
}

#map = affine_map<(d0, d1) -> (0, 0)>
#map1 = affine_map<(d0, d1) -> (0)>
#map2 = affine_map<(d0, d1) -> (0, 0, 0)>
module attributes {stable_mosaic.version = 14 : i64} {
  func.func @_agg_body(%arg0: i32, %arg1: i32, %arg2: memref<10000x128xf32, #tpu.memory_space<hbm>>, %arg3: memref<320000xi32, #tpu.memory_space<hbm>>, %arg4: memref<320000xi32, #tpu.memory_space<hbm>>, %arg5: memref<2x10000x128xf32, #tpu.memory_space<hbm>>, %arg6: memref<10000x128xf32, #tpu.memory_space<vmem_shared>>, %arg7: memref<80x128xf32, #tpu.memory_space<vmem>>, %arg8: memref<80x128xf32, #tpu.memory_space<vmem>>, %arg9: memref<80x128xf32, #tpu.memory_space<vmem>>, %arg10: memref<10000xi32, #tpu.memory_space<vmem>>, %arg11: memref<80xi32, #tpu.memory_space<vmem>>, %arg12: memref<80xi32, #tpu.memory_space<vmem>>, %arg13: memref<80xi32, #tpu.memory_space<vmem>>, %arg14: memref<!tpu.dma_semaphore, #tpu.memory_space<semaphore_mem>>, %arg15: memref<!tpu.dma_semaphore, #tpu.memory_space<semaphore_mem>>, %arg16: memref<!tpu.dma_semaphore, #tpu.memory_space<semaphore_mem>>, %arg17: memref<!tpu.dma_semaphore, #tpu.memory_space<semaphore_mem>>, %arg18: memref<!tpu.dma_semaphore, #tpu.memory_space<semaphore_mem>>, %arg19: memref<!tpu.dma_semaphore, #tpu.memory_space<semaphore_mem>>, %arg20: memref<!tpu.dma_semaphore, #tpu.memory_space<semaphore_mem>>, %arg21: memref<!tpu.dma_semaphore, #tpu.memory_space<semaphore_mem>>, %arg22: memref<!tpu.dma_semaphore, #tpu.memory_space<semaphore_mem>>, %arg23: memref<!tpu.dma_semaphore, #tpu.memory_space<semaphore_mem>>) attributes {dimension_semantics = [#tpu.dimension_semantics<core_parallel>, #tpu.dimension_semantics<subcore_parallel>], iteration_bounds = array<i64: 2, 16>, scalar_prefetch = 0 : i64, scratch_operands = 18 : i64, tpu.core_type = #tpu.core_type<sc_vector_subcore>, window_params = [{transform_indices = #map}, {transform_indices = #map1}, {transform_indices = #map1}, {transform_indices = #map2}]} {
    %mul3A = arith.constant 16 : i32
    %mul3A_0 = arith.muli %arg0, %mul3A : i32
    %add3A = arith.addi %mul3A_0, %arg1 : i32
    %mul3A_1 = arith.constant 10000 : i32
    %mul3A_2 = arith.muli %add3A, %mul3A_1 : i32
    %dma_start3A = tpu.memref_slice %arg3[%mul3A_2] : memref<320000xi32, #tpu.memory_space<hbm>> -> memref<10000xi32, #tpu.memory_space<hbm>>
    %dma_start3A_3 = tpu.memref_slice %arg3[%mul3A_2] : memref<320000xi32, #tpu.memory_space<hbm>> -> memref<10000xi32, #tpu.memory_space<hbm>>
    tpu.enqueue_dma source(%dma_start3A_3 : memref<10000xi32, #tpu.memory_space<hbm>>) target(%arg10 : memref<10000xi32, #tpu.memory_space<vmem>>) target_semaphore(%arg23 : memref<!tpu.dma_semaphore, #tpu.memory_space<semaphore_mem>>)
    %scan3A = arith.constant 0 : i32
    %scan3A_4 = arith.constant 80 : i32
    %scan3A_5 = arith.addi %scan3A, %scan3A_4 : i32
    %scan3A_6 = arith.constant 1 : i32
    scf.for %scan3A_93 = %scan3A to %scan3A_5 step %scan3A_6  : i32 {
      %mul3A_94 = arith.constant 1 : i32
      %mul3A_95 = arith.muli %scan3A_93, %mul3A_94 : i32
      %add3A_96 = arith.constant 0 : i32
      %add3A_97 = arith.addi %add3A_96, %mul3A_95 : i32
      %scan3A_98 = arith.constant 0 : i32
      %scan3A_99 = arith.constant 8 : i32
      %scan3A_100 = arith.addi %scan3A_98, %scan3A_99 : i32
      %scan3A_101 = arith.constant 1 : i32
      scf.for %scan3A_103 = %scan3A_98 to %scan3A_100 step %scan3A_101  : i32 {
        %mul3A_104 = arith.constant 16 : i32
        %mul3A_105 = arith.muli %scan3A_103, %mul3A_104 : i32
        %add3A_106 = arith.constant 0 : i32
        %add3A_107 = arith.addi %add3A_106, %mul3A_105 : i32
        %broadcast_in_dim3A = arith.constant 0.000000e+00 : f32
        %broadcast_in_dim3A_108 = vector.broadcast %broadcast_in_dim3A : f32 to vector<16xf32>
        %swap3A = arith.index_cast %add3A_97 : i32 to index
        %swap3A_109 = arith.index_cast %add3A_107 : i32 to index
        %swap3A_110 = tpu.vector_load %arg7[%swap3A, %swap3A_109] {strides = array<i32>} : memref<80x128xf32, #tpu.memory_space<vmem>>, vector<1x16xf32>,
        %swap3A_111 = vector.shape_cast %swap3A_110 : vector<1x16xf32> to vector<16xf32>
        %swap3A_112 = vector.shape_cast %broadcast_in_dim3A_108 : vector<16xf32> to vector<1x16xf32>
        tpu.vector_store %arg7[%swap3A, %swap3A_109], %swap3A_112 {strides = array<i32>} : memref<80x128xf32, #tpu.memory_space<vmem>>, vector<1x16xf32>,
      }
      %scan3A_102 = arith.constant 8 : i32
    }
    %scan3A_7 = arith.constant 80 : i32
    %sub3A = arith.constant 125 : i32
    %sub3A_8 = arith.subi %sub3A, %arg1 : i32
    %sub3A_9 = arith.constant 16 : i32
    %sub3A_10 = arith.constant 1 : i32
    %sub3A_11 = arith.subi %sub3A_9, %sub3A_10 : i32
    %add3A_12 = arith.addi %sub3A_8, %sub3A_11 : i32
    %div3A = arith.constant 16 : i32
    %div3A_13 = arith.divsi %add3A_12, %div3A : i32
    %while3A = arith.constant 16 : i32
    %while3A_14 = arith.constant 0 : i32
    %while3A_15 = arith.subi %div3A_13, %while3A_14 : i32
    %while3A_16 = arith.addi %while3A_14, %while3A_15 : i32
    %while3A_17 = arith.constant 1 : i32
    %while3A_18 = arith.divsi %while3A_15, %while3A_17 : i32
    %while3A_19 = arith.muli %while3A_18, %while3A_17 : i32
    %while3A_20 = arith.addi %while3A_14, %while3A_19 : i32
    %while3A_21 = arith.constant 1 : i32
    scf.for %while3A_93 = %while3A_14 to %while3A_20 step %while3A_21  : i32 {
      %mul3A_94 = arith.muli %while3A_93, %while3A : i32
      %add3A_95 = arith.addi %arg1, %mul3A_94 : i32
      %mul3A_96 = arith.constant 80 : i32
      %mul3A_97 = arith.muli %add3A_95, %mul3A_96 : i32
      "tpu.region"() ({
        %run_scoped3A = tpu.sem_alloc : memref<!tpu.dma_semaphore, #tpu.memory_space<semaphore_mem>>
        %dma_start3A_98 = arith.constant 0 : i32
        %dma_start3A_99 = tpu.memref_slice %arg6[%mul3A_97, %dma_start3A_98] : memref<10000x128xf32, #tpu.memory_space<vmem_shared>> -> memref<80x128xf32, #tpu.memory_space<vmem_shared>>
        %dma_start3A_100 = arith.constant 0 : i32
        %dma_start3A_101 = tpu.memref_slice %arg6[%mul3A_97, %dma_start3A_100] : memref<10000x128xf32, #tpu.memory_space<vmem_shared>> -> memref<80x128xf32, #tpu.memory_space<vmem_shared>>
        tpu.enqueue_dma source(%arg7 : memref<80x128xf32, #tpu.memory_space<vmem>>) target(%dma_start3A_101 : memref<80x128xf32, #tpu.memory_space<vmem_shared>>) target_semaphore(%run_scoped3A : memref<!tpu.dma_semaphore, #tpu.memory_space<semaphore_mem>>)
        %dma_wait3A_102 = arith.constant 0 : i32
        %dma_wait3A_103 = tpu.memref_slice %arg6[%mul3A_97, %dma_wait3A_102] : memref<10000x128xf32, #tpu.memory_space<vmem_shared>> -> memref<80x128xf32, #tpu.memory_space<vmem_shared>>
        %dma_wait3A_104 = arith.constant 0 : i32
        %dma_wait3A_105 = tpu.memref_slice %arg6[%mul3A_97, %dma_wait3A_104] : memref<10000x128xf32, #tpu.memory_space<vmem_shared>> -> memref<80x128xf32, #tpu.memory_space<vmem_shared>>
        tpu.wait_dma2 semaphore(%run_scoped3A : memref<!tpu.dma_semaphore, #tpu.memory_space<semaphore_mem>>) src(%arg7 : memref<80x128xf32, #tpu.memory_space<vmem>>) dst(%dma_wait3A_105 : memref<80x128xf32, #tpu.memory_space<vmem_shared>>)
        tpu.yield
      }) : () -> ()
    }
    %while3A_22 = arith.constant 1 : i32
    scf.for %while3A_93 = %while3A_20 to %while3A_16 step %while3A_22  : i32 {
      %mul3A_94 = arith.muli %while3A_93, %while3A : i32
      %add3A_95 = arith.addi %arg1, %mul3A_94 : i32
      %mul3A_96 = arith.constant 80 : i32
      %mul3A_97 = arith.muli %add3A_95, %mul3A_96 : i32
      "tpu.region"() ({
        %run_scoped3A = tpu.sem_alloc : memref<!tpu.dma_semaphore, #tpu.memory_space<semaphore_mem>>
        %dma_start3A_98 = arith.constant 0 : i32
        %dma_start3A_99 = tpu.memref_slice %arg6[%mul3A_97, %dma_start3A_98] : memref<10000x128xf32, #tpu.memory_space<vmem_shared>> -> memref<80x128xf32, #tpu.memory_space<vmem_shared>>
        %dma_start3A_100 = arith.constant 0 : i32
        %dma_start3A_101 = tpu.memref_slice %arg6[%mul3A_97, %dma_start3A_100] : memref<10000x128xf32, #tpu.memory_space<vmem_shared>> -> memref<80x128xf32, #tpu.memory_space<vmem_shared>>
        tpu.enqueue_dma source(%arg7 : memref<80x128xf32, #tpu.memory_space<vmem>>) target(%dma_start3A_101 : memref<80x128xf32, #tpu.memory_space<vmem_shared>>) target_semaphore(%run_scoped3A : memref<!tpu.dma_semaphore, #tpu.memory_space<semaphore_mem>>)
        %dma_wait3A_102 = arith.constant 0 : i32
        %dma_wait3A_103 = tpu.memref_slice %arg6[%mul3A_97, %dma_wait3A_102] : memref<10000x128xf32, #tpu.memory_space<vmem_shared>> -> memref<80x128xf32, #tpu.memory_space<vmem_shared>>
        %dma_wait3A_104 = arith.constant 0 : i32
        %dma_wait3A_105 = tpu.memref_slice %arg6[%mul3A_97, %dma_wait3A_104] : memref<10000x128xf32, #tpu.memory_space<vmem_shared>> -> memref<80x128xf32, #tpu.memory_space<vmem_shared>>
        tpu.wait_dma2 semaphore(%run_scoped3A : memref<!tpu.dma_semaphore, #tpu.memory_space<semaphore_mem>>) src(%arg7 : memref<80x128xf32, #tpu.memory_space<vmem>>) dst(%dma_wait3A_105 : memref<80x128xf32, #tpu.memory_space<vmem_shared>>)
        tpu.yield
      }) : () -> ()
    }
    %dma_wait3A = tpu.memref_slice %arg3[%mul3A_2] : memref<320000xi32, #tpu.memory_space<hbm>> -> memref<10000xi32, #tpu.memory_space<hbm>>
    %dma_wait3A_23 = tpu.memref_slice %arg3[%mul3A_2] : memref<320000xi32, #tpu.memory_space<hbm>> -> memref<10000xi32, #tpu.memory_space<hbm>>
    tpu.wait_dma2 semaphore(%arg23 : memref<!tpu.dma_semaphore, #tpu.memory_space<semaphore_mem>>) src(%dma_wait3A_23 : memref<10000xi32, #tpu.memory_space<hbm>>) dst(%arg10 : memref<10000xi32, #tpu.memory_space<vmem>>)
    %barrier3A = arith.constant 0 : index
    tpu.barrier barrier_id(%barrier3A)
    %add3A_24 = arith.constant 0 : i32
    %add3A_25 = arith.addi %mul3A_2, %add3A_24 : i32
    %dma_start3A_26 = tpu.memref_slice %arg4[%add3A_25] : memref<320000xi32, #tpu.memory_space<hbm>> -> memref<80xi32, #tpu.memory_space<hbm>>
    %dma_start3A_27 = tpu.memref_slice %arg4[%add3A_25] : memref<320000xi32, #tpu.memory_space<hbm>> -> memref<80xi32, #tpu.memory_space<hbm>>
    tpu.enqueue_dma source(%dma_start3A_27 : memref<80xi32, #tpu.memory_space<hbm>>) target(%arg11 : memref<80xi32, #tpu.memory_space<vmem>>) target_semaphore(%arg20 : memref<!tpu.dma_semaphore, #tpu.memory_space<semaphore_mem>>)
    %dma_start3A_28 = arith.constant 0 : i32
    %dma_start3A_29 = tpu.memref_slice %arg10[%dma_start3A_28] : memref<10000xi32, #tpu.memory_space<vmem>> -> memref<80xi32, #tpu.memory_space<vmem>>
    %dma_start3A_30 = arith.constant 0 : i32
    %dma_start3A_31 = arith.constant 0 : i32
    %dma_start3A_32 = tpu.memref_slice %arg2[%dma_start3A_30, %dma_start3A_31] : memref<10000x128xf32, #tpu.memory_space<hbm>> -> memref<10000x128xf32, #tpu.memory_space<hbm>>
    tpu.enqueue_indirect_dma source(%dma_start3A_32 : memref<10000x128xf32, #tpu.memory_space<hbm>>) target(%arg7 : memref<80x128xf32, #tpu.memory_space<vmem>>) offsets(%dma_start3A_29 : memref<80xi32, #tpu.memory_space<vmem>>) semaphore(%arg14 : memref<!tpu.dma_semaphore, #tpu.memory_space<semaphore_mem>>)
    %add3A_33 = arith.constant 80 : i32
    %add3A_34 = arith.addi %mul3A_2, %add3A_33 : i32
    %dma_start3A_35 = tpu.memref_slice %arg4[%add3A_34] : memref<320000xi32, #tpu.memory_space<hbm>> -> memref<80xi32, #tpu.memory_space<hbm>>
    %dma_start3A_36 = tpu.memref_slice %arg4[%add3A_34] : memref<320000xi32, #tpu.memory_space<hbm>> -> memref<80xi32, #tpu.memory_space<hbm>>
    tpu.enqueue_dma source(%dma_start3A_36 : memref<80xi32, #tpu.memory_space<hbm>>) target(%arg12 : memref<80xi32, #tpu.memory_space<vmem>>) target_semaphore(%arg21 : memref<!tpu.dma_semaphore, #tpu.memory_space<semaphore_mem>>)
    %dma_start3A_37 = arith.constant 80 : i32
    %dma_start3A_38 = tpu.memref_slice %arg10[%dma_start3A_37] : memref<10000xi32, #tpu.memory_space<vmem>> -> memref<80xi32, #tpu.memory_space<vmem>>
    %dma_start3A_39 = arith.constant 0 : i32
    %dma_start3A_40 = arith.constant 0 : i32
    %dma_start3A_41 = tpu.memref_slice %arg2[%dma_start3A_39, %dma_start3A_40] : memref<10000x128xf32, #tpu.memory_space<hbm>> -> memref<10000x128xf32, #tpu.memory_space<hbm>>
    tpu.enqueue_indirect_dma source(%dma_start3A_41 : memref<10000x128xf32, #tpu.memory_space<hbm>>) target(%arg8 : memref<80x128xf32, #tpu.memory_space<vmem>>) offsets(%dma_start3A_38 : memref<80xi32, #tpu.memory_space<vmem>>) semaphore(%arg15 : memref<!tpu.dma_semaphore, #tpu.memory_space<semaphore_mem>>)
    %add3A_42 = arith.constant 160 : i32
    %add3A_43 = arith.addi %mul3A_2, %add3A_42 : i32
    %dma_start3A_44 = tpu.memref_slice %arg4[%add3A_43] : memref<320000xi32, #tpu.memory_space<hbm>> -> memref<80xi32, #tpu.memory_space<hbm>>
    %dma_start3A_45 = tpu.memref_slice %arg4[%add3A_43] : memref<320000xi32, #tpu.memory_space<hbm>> -> memref<80xi32, #tpu.memory_space<hbm>>
    tpu.enqueue_dma source(%dma_start3A_45 : memref<80xi32, #tpu.memory_space<hbm>>) target(%arg13 : memref<80xi32, #tpu.memory_space<vmem>>) target_semaphore(%arg22 : memref<!tpu.dma_semaphore, #tpu.memory_space<semaphore_mem>>)
    %dma_start3A_46 = arith.constant 160 : i32
    %dma_start3A_47 = tpu.memref_slice %arg10[%dma_start3A_46] : memref<10000xi32, #tpu.memory_space<vmem>> -> memref<80xi32, #tpu.memory_space<vmem>>
    %dma_start3A_48 = arith.constant 0 : i32
    %dma_start3A_49 = arith.constant 0 : i32
    %dma_start3A_50 = tpu.memref_slice %arg2[%dma_start3A_48, %dma_start3A_49] : memref<10000x128xf32, #tpu.memory_space<hbm>> -> memref<10000x128xf32, #tpu.memory_space<hbm>>
    tpu.enqueue_indirect_dma source(%dma_start3A_50 : memref<10000x128xf32, #tpu.memory_space<hbm>>) target(%arg9 : memref<80x128xf32, #tpu.memory_space<vmem>>) offsets(%dma_start3A_47 : memref<80xi32, #tpu.memory_space<vmem>>) semaphore(%arg16 : memref<!tpu.dma_semaphore, #tpu.memory_space<semaphore_mem>>)
    %scan3A_51 = arith.constant 0 : i32
    %scan3A_52 = arith.constant 41 : i32
    %scan3A_53 = arith.addi %scan3A_51, %scan3A_52 : i32
    %scan3A_54 = arith.constant 1 : i32
    scf.for %scan3A_93 = %scan3A_51 to %scan3A_53 step %scan3A_54  : i32 {
      %mul3A_94 = arith.constant 1 : i32
      %mul3A_95 = arith.muli %scan3A_93, %mul3A_94 : i32
      %add3A_96 = arith.constant 0 : i32
      %add3A_97 = arith.addi %add3A_96, %mul3A_95 : i32
      %mul3A_98 = arith.constant 3 : i32
      %mul3A_99 = arith.muli %mul3A_98, %add3A_97 : i32
      %add3A_100 = arith.constant 0 : i32
      %add3A_101 = arith.addi %mul3A_99, %add3A_100 : i32
      %mul3A_102 = arith.constant 80 : i32
      %mul3A_103 = arith.muli %add3A_101, %mul3A_102 : i32
      %dma_wait3A_104 = tpu.memref_slice %arg10[%mul3A_103] : memref<10000xi32, #tpu.memory_space<vmem>> -> memref<80xi32, #tpu.memory_space<vmem>>
      %dma_wait3A_105 = arith.constant 0 : i32
      %dma_wait3A_106 = arith.constant 0 : i32
      %dma_wait3A_107 = tpu.memref_slice %arg2[%dma_wait3A_105, %dma_wait3A_106] : memref<10000x128xf32, #tpu.memory_space<hbm>> -> memref<10000x128xf32, #tpu.memory_space<hbm>>
      tpu.wait_indirect_dma semaphore(%arg14 : memref<!tpu.dma_semaphore, #tpu.memory_space<semaphore_mem>>) src(%dma_wait3A_107 : memref<10000x128xf32, #tpu.memory_space<hbm>>) dst(%arg7 : memref<80x128xf32, #tpu.memory_space<vmem>>)
      %add3A_108 = arith.constant 0 : i32
      %add3A_109 = arith.addi %mul3A_99, %add3A_108 : i32
      %mul3A_110 = arith.constant 80 : i32
      %mul3A_111 = arith.muli %add3A_109, %mul3A_110 : i32
      %add3A_112 = arith.addi %mul3A_2, %mul3A_111 : i32
      %dma_wait3A_113 = tpu.memref_slice %arg4[%add3A_112] : memref<320000xi32, #tpu.memory_space<hbm>> -> memref<80xi32, #tpu.memory_space<hbm>>
      %dma_wait3A_114 = tpu.memref_slice %arg4[%add3A_112] : memref<320000xi32, #tpu.memory_space<hbm>> -> memref<80xi32, #tpu.memory_space<hbm>>
      tpu.wait_dma2 semaphore(%arg20 : memref<!tpu.dma_semaphore, #tpu.memory_space<semaphore_mem>>) src(%dma_wait3A_114 : memref<80xi32, #tpu.memory_space<hbm>>) dst(%arg11 : memref<80xi32, #tpu.memory_space<vmem>>)
      %dma_start3A_115 = arith.constant 0 : i32
      %dma_start3A_116 = arith.constant 0 : i32
      %dma_start3A_117 = tpu.memref_slice %arg6[%dma_start3A_115, %dma_start3A_116] : memref<10000x128xf32, #tpu.memory_space<vmem_shared>> -> memref<10000x128xf32, #tpu.memory_space<vmem_shared>>
      tpu.enqueue_indirect_dma source(%arg7 : memref<80x128xf32, #tpu.memory_space<vmem>>) target(%dma_start3A_117 : memref<10000x128xf32, #tpu.memory_space<vmem_shared>>) offsets(%arg11 : memref<80xi32, #tpu.memory_space<vmem>>) semaphore(%arg17 : memref<!tpu.dma_semaphore, #tpu.memory_space<semaphore_mem>>) {add = true}
      %add3A_118 = arith.constant 1 : i32
      %add3A_119 = arith.addi %mul3A_99, %add3A_118 : i32
      %mul3A_120 = arith.constant 80 : i32
      %mul3A_121 = arith.muli %add3A_119, %mul3A_120 : i32
      %dma_wait3A_122 = tpu.memref_slice %arg10[%mul3A_121] : memref<10000xi32, #tpu.memory_space<vmem>> -> memref<80xi32, #tpu.memory_space<vmem>>
      %dma_wait3A_123 = arith.constant 0 : i32
      %dma_wait3A_124 = arith.constant 0 : i32
      %dma_wait3A_125 = tpu.memref_slice %arg2[%dma_wait3A_123, %dma_wait3A_124] : memref<10000x128xf32, #tpu.memory_space<hbm>> -> memref<10000x128xf32, #tpu.memory_space<hbm>>
      tpu.wait_indirect_dma semaphore(%arg15 : memref<!tpu.dma_semaphore, #tpu.memory_space<semaphore_mem>>) src(%dma_wait3A_125 : memref<10000x128xf32, #tpu.memory_space<hbm>>) dst(%arg8 : memref<80x128xf32, #tpu.memory_space<vmem>>)
      %add3A_126 = arith.constant 1 : i32
      %add3A_127 = arith.addi %mul3A_99, %add3A_126 : i32
      %mul3A_128 = arith.constant 80 : i32
      %mul3A_129 = arith.muli %add3A_127, %mul3A_128 : i32
      %add3A_130 = arith.addi %mul3A_2, %mul3A_129 : i32
      %dma_wait3A_131 = tpu.memref_slice %arg4[%add3A_130] : memref<320000xi32, #tpu.memory_space<hbm>> -> memref<80xi32, #tpu.memory_space<hbm>>
      %dma_wait3A_132 = tpu.memref_slice %arg4[%add3A_130] : memref<320000xi32, #tpu.memory_space<hbm>> -> memref<80xi32, #tpu.memory_space<hbm>>
      tpu.wait_dma2 semaphore(%arg21 : memref<!tpu.dma_semaphore, #tpu.memory_space<semaphore_mem>>) src(%dma_wait3A_132 : memref<80xi32, #tpu.memory_space<hbm>>) dst(%arg12 : memref<80xi32, #tpu.memory_space<vmem>>)
      %dma_start3A_133 = arith.constant 0 : i32
      %dma_start3A_134 = arith.constant 0 : i32
      %dma_start3A_135 = tpu.memref_slice %arg6[%dma_start3A_133, %dma_start3A_134] : memref<10000x128xf32, #tpu.memory_space<vmem_shared>> -> memref<10000x128xf32, #tpu.memory_space<vmem_shared>>
      tpu.enqueue_indirect_dma source(%arg8 : memref<80x128xf32, #tpu.memory_space<vmem>>) target(%dma_start3A_135 : memref<10000x128xf32, #tpu.memory_space<vmem_shared>>) offsets(%arg12 : memref<80xi32, #tpu.memory_space<vmem>>) semaphore(%arg18 : memref<!tpu.dma_semaphore, #tpu.memory_space<semaphore_mem>>) {add = true}
      %add3A_136 = arith.constant 2 : i32
      %add3A_137 = arith.addi %mul3A_99, %add3A_136 : i32
      %mul3A_138 = arith.constant 80 : i32
      %mul3A_139 = arith.muli %add3A_137, %mul3A_138 : i32
      %dma_wait3A_140 = tpu.memref_slice %arg10[%mul3A_139] : memref<10000xi32, #tpu.memory_space<vmem>> -> memref<80xi32, #tpu.memory_space<vmem>>
      %dma_wait3A_141 = arith.constant 0 : i32
      %dma_wait3A_142 = arith.constant 0 : i32
      %dma_wait3A_143 = tpu.memref_slice %arg2[%dma_wait3A_141, %dma_wait3A_142] : memref<10000x128xf32, #tpu.memory_space<hbm>> -> memref<10000x128xf32, #tpu.memory_space<hbm>>
      tpu.wait_indirect_dma semaphore(%arg16 : memref<!tpu.dma_semaphore, #tpu.memory_space<semaphore_mem>>) src(%dma_wait3A_143 : memref<10000x128xf32, #tpu.memory_space<hbm>>) dst(%arg9 : memref<80x128xf32, #tpu.memory_space<vmem>>)
      %add3A_144 = arith.constant 2 : i32
      %add3A_145 = arith.addi %mul3A_99, %add3A_144 : i32
      %mul3A_146 = arith.constant 80 : i32
      %mul3A_147 = arith.muli %add3A_145, %mul3A_146 : i32
      %add3A_148 = arith.addi %mul3A_2, %mul3A_147 : i32
      %dma_wait3A_149 = tpu.memref_slice %arg4[%add3A_148] : memref<320000xi32, #tpu.memory_space<hbm>> -> memref<80xi32, #tpu.memory_space<hbm>>
      %dma_wait3A_150 = tpu.memref_slice %arg4[%add3A_148] : memref<320000xi32, #tpu.memory_space<hbm>> -> memref<80xi32, #tpu.memory_space<hbm>>
      tpu.wait_dma2 semaphore(%arg22 : memref<!tpu.dma_semaphore, #tpu.memory_space<semaphore_mem>>) src(%dma_wait3A_150 : memref<80xi32, #tpu.memory_space<hbm>>) dst(%arg13 : memref<80xi32, #tpu.memory_space<vmem>>)
      %dma_start3A_151 = arith.constant 0 : i32
      %dma_start3A_152 = arith.constant 0 : i32
      %dma_start3A_153 = tpu.memref_slice %arg6[%dma_start3A_151, %dma_start3A_152] : memref<10000x128xf32, #tpu.memory_space<vmem_shared>> -> memref<10000x128xf32, #tpu.memory_space<vmem_shared>>
      tpu.enqueue_indirect_dma source(%arg9 : memref<80x128xf32, #tpu.memory_space<vmem>>) target(%dma_start3A_153 : memref<10000x128xf32, #tpu.memory_space<vmem_shared>>) offsets(%arg13 : memref<80xi32, #tpu.memory_space<vmem>>) semaphore(%arg19 : memref<!tpu.dma_semaphore, #tpu.memory_space<semaphore_mem>>) {add = true}
      %dma_wait3A_154 = arith.constant 0 : i32
      %dma_wait3A_155 = arith.constant 0 : i32
      %dma_wait3A_156 = tpu.memref_slice %arg6[%dma_wait3A_154, %dma_wait3A_155] : memref<10000x128xf32, #tpu.memory_space<vmem_shared>> -> memref<10000x128xf32, #tpu.memory_space<vmem_shared>>
      tpu.wait_indirect_dma semaphore(%arg17 : memref<!tpu.dma_semaphore, #tpu.memory_space<semaphore_mem>>) src(%arg7 : memref<80x128xf32, #tpu.memory_space<vmem>>) dst(%dma_wait3A_156 : memref<10000x128xf32, #tpu.memory_space<vmem_shared>>)
      %add3A_157 = arith.constant 3 : i32
      %add3A_158 = arith.addi %mul3A_99, %add3A_157 : i32
      %add3A_159 = arith.constant 0 : i32
      %add3A_160 = arith.addi %add3A_158, %add3A_159 : i32
      %lt3A = arith.constant 125 : i32
      %lt3A_161 = arith.cmpi slt, %add3A_160, %lt3A : i32
      %convert_element_type3A = arith.extui %lt3A_161 : i1 to i32
      %cond3A = arith.constant 0 : i32
      %cond3A_162 = arith.cmpi ne, %convert_element_type3A, %cond3A : i32
      scf.if %cond3A_162 {
        %add3A_187 = arith.constant 3 : i32
        %add3A_188 = arith.addi %mul3A_99, %add3A_187 : i32
        %add3A_189 = arith.constant 0 : i32
        %add3A_190 = arith.addi %add3A_188, %add3A_189 : i32
        %mul3A_191 = arith.constant 80 : i32
        %mul3A_192 = arith.muli %add3A_190, %mul3A_191 : i32
        %add3A_193 = arith.addi %mul3A_2, %mul3A_192 : i32
        %dma_start3A_194 = tpu.memref_slice %arg4[%add3A_193] : memref<320000xi32, #tpu.memory_space<hbm>> -> memref<80xi32, #tpu.memory_space<hbm>>
        %dma_start3A_195 = tpu.memref_slice %arg4[%add3A_193] : memref<320000xi32, #tpu.memory_space<hbm>> -> memref<80xi32, #tpu.memory_space<hbm>>
        tpu.enqueue_dma source(%dma_start3A_195 : memref<80xi32, #tpu.memory_space<hbm>>) target(%arg11 : memref<80xi32, #tpu.memory_space<vmem>>) target_semaphore(%arg20 : memref<!tpu.dma_semaphore, #tpu.memory_space<semaphore_mem>>)
        %add3A_196 = arith.constant 3 : i32
        %add3A_197 = arith.addi %mul3A_99, %add3A_196 : i32
        %add3A_198 = arith.constant 0 : i32
        %add3A_199 = arith.addi %add3A_197, %add3A_198 : i32
        %mul3A_200 = arith.constant 80 : i32
        %mul3A_201 = arith.muli %add3A_199, %mul3A_200 : i32
        %dma_start3A_202 = tpu.memref_slice %arg10[%mul3A_201] : memref<10000xi32, #tpu.memory_space<vmem>> -> memref<80xi32, #tpu.memory_space<vmem>>
        %dma_start3A_203 = arith.constant 0 : i32
        %dma_start3A_204 = arith.constant 0 : i32
        %dma_start3A_205 = tpu.memref_slice %arg2[%dma_start3A_203, %dma_start3A_204] : memref<10000x128xf32, #tpu.memory_space<hbm>> -> memref<10000x128xf32, #tpu.memory_space<hbm>>
        tpu.enqueue_indirect_dma source(%dma_start3A_205 : memref<10000x128xf32, #tpu.memory_space<hbm>>) target(%arg7 : memref<80x128xf32, #tpu.memory_space<vmem>>) offsets(%dma_start3A_202 : memref<80xi32, #tpu.memory_space<vmem>>) semaphore(%arg14 : memref<!tpu.dma_semaphore, #tpu.memory_space<semaphore_mem>>)
      } else {
      }
      %dma_wait3A_163 = arith.constant 0 : i32
      %dma_wait3A_164 = arith.constant 0 : i32
      %dma_wait3A_165 = tpu.memref_slice %arg6[%dma_wait3A_163, %dma_wait3A_164] : memref<10000x128xf32, #tpu.memory_space<vmem_shared>> -> memref<10000x128xf32, #tpu.memory_space<vmem_shared>>
      tpu.wait_indirect_dma semaphore(%arg18 : memref<!tpu.dma_semaphore, #tpu.memory_space<semaphore_mem>>) src(%arg8 : memref<80x128xf32, #tpu.memory_space<vmem>>) dst(%dma_wait3A_165 : memref<10000x128xf32, #tpu.memory_space<vmem_shared>>)
      %add3A_166 = arith.constant 3 : i32
      %add3A_167 = arith.addi %mul3A_99, %add3A_166 : i32
      %add3A_168 = arith.constant 1 : i32
      %add3A_169 = arith.addi %add3A_167, %add3A_168 : i32
      %lt3A_170 = arith.constant 125 : i32
      %lt3A_171 = arith.cmpi slt, %add3A_169, %lt3A_170 : i32
      %convert_element_type3A_172 = arith.extui %lt3A_171 : i1 to i32
      %cond3A_173 = arith.constant 0 : i32
      %cond3A_174 = arith.cmpi ne, %convert_element_type3A_172, %cond3A_173 : i32
      scf.if %cond3A_174 {
        %add3A_187 = arith.constant 3 : i32
        %add3A_188 = arith.addi %mul3A_99, %add3A_187 : i32
        %add3A_189 = arith.constant 1 : i32
        %add3A_190 = arith.addi %add3A_188, %add3A_189 : i32
        %mul3A_191 = arith.constant 80 : i32
        %mul3A_192 = arith.muli %add3A_190, %mul3A_191 : i32
        %add3A_193 = arith.addi %mul3A_2, %mul3A_192 : i32
        %dma_start3A_194 = tpu.memref_slice %arg4[%add3A_193] : memref<320000xi32, #tpu.memory_space<hbm>> -> memref<80xi32, #tpu.memory_space<hbm>>
        %dma_start3A_195 = tpu.memref_slice %arg4[%add3A_193] : memref<320000xi32, #tpu.memory_space<hbm>> -> memref<80xi32, #tpu.memory_space<hbm>>
        tpu.enqueue_dma source(%dma_start3A_195 : memref<80xi32, #tpu.memory_space<hbm>>) target(%arg12 : memref<80xi32, #tpu.memory_space<vmem>>) target_semaphore(%arg21 : memref<!tpu.dma_semaphore, #tpu.memory_space<semaphore_mem>>)
        %add3A_196 = arith.constant 3 : i32
        %add3A_197 = arith.addi %mul3A_99, %add3A_196 : i32
        %add3A_198 = arith.constant 1 : i32
        %add3A_199 = arith.addi %add3A_197, %add3A_198 : i32
        %mul3A_200 = arith.constant 80 : i32
        %mul3A_201 = arith.muli %add3A_199, %mul3A_200 : i32
        %dma_start3A_202 = tpu.memref_slice %arg10[%mul3A_201] : memref<10000xi32, #tpu.memory_space<vmem>> -> memref<80xi32, #tpu.memory_space<vmem>>
        %dma_start3A_203 = arith.constant 0 : i32
        %dma_start3A_204 = arith.constant 0 : i32
        %dma_start3A_205 = tpu.memref_slice %arg2[%dma_start3A_203, %dma_start3A_204] : memref<10000x128xf32, #tpu.memory_space<hbm>> -> memref<10000x128xf32, #tpu.memory_space<hbm>>
        tpu.enqueue_indirect_dma source(%dma_start3A_205 : memref<10000x128xf32, #tpu.memory_space<hbm>>) target(%arg8 : memref<80x128xf32, #tpu.memory_space<vmem>>) offsets(%dma_start3A_202 : memref<80xi32, #tpu.memory_space<vmem>>) semaphore(%arg15 : memref<!tpu.dma_semaphore, #tpu.memory_space<semaphore_mem>>)
      } else {
      }
      %dma_wait3A_175 = arith.constant 0 : i32
      %dma_wait3A_176 = arith.constant 0 : i32
      %dma_wait3A_177 = tpu.memref_slice %arg6[%dma_wait3A_175, %dma_wait3A_176] : memref<10000x128xf32, #tpu.memory_space<vmem_shared>> -> memref<10000x128xf32, #tpu.memory_space<vmem_shared>>
      tpu.wait_indirect_dma semaphore(%arg19 : memref<!tpu.dma_semaphore, #tpu.memory_space<semaphore_mem>>) src(%arg9 : memref<80x128xf32, #tpu.memory_space<vmem>>) dst(%dma_wait3A_177 : memref<10000x128xf32, #tpu.memory_space<vmem_shared>>)
      %add3A_178 = arith.constant 3 : i32
      %add3A_179 = arith.addi %mul3A_99, %add3A_178 : i32
      %add3A_180 = arith.constant 2 : i32
      %add3A_181 = arith.addi %add3A_179, %add3A_180 : i32
      %lt3A_182 = arith.constant 125 : i32
      %lt3A_183 = arith.cmpi slt, %add3A_181, %lt3A_182 : i32
      %convert_element_type3A_184 = arith.extui %lt3A_183 : i1 to i32
      %cond3A_185 = arith.constant 0 : i32
      %cond3A_186 = arith.cmpi ne, %convert_element_type3A_184, %cond3A_185 : i32
      scf.if %cond3A_186 {
        %add3A_187 = arith.constant 3 : i32
        %add3A_188 = arith.addi %mul3A_99, %add3A_187 : i32
        %add3A_189 = arith.constant 2 : i32
        %add3A_190 = arith.addi %add3A_188, %add3A_189 : i32
        %mul3A_191 = arith.constant 80 : i32
        %mul3A_192 = arith.muli %add3A_190, %mul3A_191 : i32
        %add3A_193 = arith.addi %mul3A_2, %mul3A_192 : i32
        %dma_start3A_194 = tpu.memref_slice %arg4[%add3A_193] : memref<320000xi32, #tpu.memory_space<hbm>> -> memref<80xi32, #tpu.memory_space<hbm>>
        %dma_start3A_195 = tpu.memref_slice %arg4[%add3A_193] : memref<320000xi32, #tpu.memory_space<hbm>> -> memref<80xi32, #tpu.memory_space<hbm>>
        tpu.enqueue_dma source(%dma_start3A_195 : memref<80xi32, #tpu.memory_space<hbm>>) target(%arg13 : memref<80xi32, #tpu.memory_space<vmem>>) target_semaphore(%arg22 : memref<!tpu.dma_semaphore, #tpu.memory_space<semaphore_mem>>)
        %add3A_196 = arith.constant 3 : i32
        %add3A_197 = arith.addi %mul3A_99, %add3A_196 : i32
        %add3A_198 = arith.constant 2 : i32
        %add3A_199 = arith.addi %add3A_197, %add3A_198 : i32
        %mul3A_200 = arith.constant 80 : i32
        %mul3A_201 = arith.muli %add3A_199, %mul3A_200 : i32
        %dma_start3A_202 = tpu.memref_slice %arg10[%mul3A_201] : memref<10000xi32, #tpu.memory_space<vmem>> -> memref<80xi32, #tpu.memory_space<vmem>>
        %dma_start3A_203 = arith.constant 0 : i32
        %dma_start3A_204 = arith.constant 0 : i32
        %dma_start3A_205 = tpu.memref_slice %arg2[%dma_start3A_203, %dma_start3A_204] : memref<10000x128xf32, #tpu.memory_space<hbm>> -> memref<10000x128xf32, #tpu.memory_space<hbm>>
        tpu.enqueue_indirect_dma source(%dma_start3A_205 : memref<10000x128xf32, #tpu.memory_space<hbm>>) target(%arg9 : memref<80x128xf32, #tpu.memory_space<vmem>>) offsets(%dma_start3A_202 : memref<80xi32, #tpu.memory_space<vmem>>) semaphore(%arg16 : memref<!tpu.dma_semaphore, #tpu.memory_space<semaphore_mem>>)
      } else {
      }
    }
    %scan3A_55 = arith.constant 41 : i32
    %dma_wait3A_56 = arith.constant 9840 : i32
    %dma_wait3A_57 = tpu.memref_slice %arg10[%dma_wait3A_56] : memref<10000xi32, #tpu.memory_space<vmem>> -> memref<80xi32, #tpu.memory_space<vmem>>
    %dma_wait3A_58 = arith.constant 0 : i32
    %dma_wait3A_59 = arith.constant 0 : i32
    %dma_wait3A_60 = tpu.memref_slice %arg2[%dma_wait3A_58, %dma_wait3A_59] : memref<10000x128xf32, #tpu.memory_space<hbm>> -> memref<10000x128xf32, #tpu.memory_space<hbm>>
    tpu.wait_indirect_dma semaphore(%arg14 : memref<!tpu.dma_semaphore, #tpu.memory_space<semaphore_mem>>) src(%dma_wait3A_60 : memref<10000x128xf32, #tpu.memory_space<hbm>>) dst(%arg7 : memref<80x128xf32, #tpu.memory_space<vmem>>)
    %add3A_61 = arith.constant 9840 : i32
    %add3A_62 = arith.addi %mul3A_2, %add3A_61 : i32
    %dma_wait3A_63 = tpu.memref_slice %arg4[%add3A_62] : memref<320000xi32, #tpu.memory_space<hbm>> -> memref<80xi32, #tpu.memory_space<hbm>>
    %dma_wait3A_64 = tpu.memref_slice %arg4[%add3A_62] : memref<320000xi32, #tpu.memory_space<hbm>> -> memref<80xi32, #tpu.memory_space<hbm>>
    tpu.wait_dma2 semaphore(%arg20 : memref<!tpu.dma_semaphore, #tpu.memory_space<semaphore_mem>>) src(%dma_wait3A_64 : memref<80xi32, #tpu.memory_space<hbm>>) dst(%arg11 : memref<80xi32, #tpu.memory_space<vmem>>)
    "tpu.region"() ({
      %run_scoped3A = tpu.sem_alloc : memref<!tpu.dma_semaphore, #tpu.memory_space<semaphore_mem>>
      %dma_start3A_93 = arith.constant 0 : i32
      %dma_start3A_94 = arith.constant 0 : i32
      %dma_start3A_95 = tpu.memref_slice %arg6[%dma_start3A_93, %dma_start3A_94] : memref<10000x128xf32, #tpu.memory_space<vmem_shared>> -> memref<10000x128xf32, #tpu.memory_space<vmem_shared>>
      tpu.enqueue_indirect_dma source(%arg7 : memref<80x128xf32, #tpu.memory_space<vmem>>) target(%dma_start3A_95 : memref<10000x128xf32, #tpu.memory_space<vmem_shared>>) offsets(%arg11 : memref<80xi32, #tpu.memory_space<vmem>>) semaphore(%run_scoped3A : memref<!tpu.dma_semaphore, #tpu.memory_space<semaphore_mem>>) {add = true}
      %dma_wait3A_96 = arith.constant 0 : i32
      %dma_wait3A_97 = arith.constant 0 : i32
      %dma_wait3A_98 = tpu.memref_slice %arg6[%dma_wait3A_96, %dma_wait3A_97] : memref<10000x128xf32, #tpu.memory_space<vmem_shared>> -> memref<10000x128xf32, #tpu.memory_space<vmem_shared>>
      tpu.wait_indirect_dma semaphore(%run_scoped3A : memref<!tpu.dma_semaphore, #tpu.memory_space<semaphore_mem>>) src(%arg7 : memref<80x128xf32, #tpu.memory_space<vmem>>) dst(%dma_wait3A_98 : memref<10000x128xf32, #tpu.memory_space<vmem_shared>>)
      tpu.yield
    }) : () -> ()
    %dma_wait3A_65 = arith.constant 9920 : i32
    %dma_wait3A_66 = tpu.memref_slice %arg10[%dma_wait3A_65] : memref<10000xi32, #tpu.memory_space<vmem>> -> memref<80xi32, #tpu.memory_space<vmem>>
    %dma_wait3A_67 = arith.constant 0 : i32
    %dma_wait3A_68 = arith.constant 0 : i32
    %dma_wait3A_69 = tpu.memref_slice %arg2[%dma_wait3A_67, %dma_wait3A_68] : memref<10000x128xf32, #tpu.memory_space<hbm>> -> memref<10000x128xf32, #tpu.memory_space<hbm>>
    tpu.wait_indirect_dma semaphore(%arg15 : memref<!tpu.dma_semaphore, #tpu.memory_space<semaphore_mem>>) src(%dma_wait3A_69 : memref<10000x128xf32, #tpu.memory_space<hbm>>) dst(%arg8 : memref<80x128xf32, #tpu.memory_space<vmem>>)
    %add3A_70 = arith.constant 9920 : i32
    %add3A_71 = arith.addi %mul3A_2, %add3A_70 : i32
    %dma_wait3A_72 = tpu.memref_slice %arg4[%add3A_71] : memref<320000xi32, #tpu.memory_space<hbm>> -> memref<80xi32, #tpu.memory_space<hbm>>
    %dma_wait3A_73 = tpu.memref_slice %arg4[%add3A_71] : memref<320000xi32, #tpu.memory_space<hbm>> -> memref<80xi32, #tpu.memory_space<hbm>>
    tpu.wait_dma2 semaphore(%arg21 : memref<!tpu.dma_semaphore, #tpu.memory_space<semaphore_mem>>) src(%dma_wait3A_73 : memref<80xi32, #tpu.memory_space<hbm>>) dst(%arg12 : memref<80xi32, #tpu.memory_space<vmem>>)
    "tpu.region"() ({
      %run_scoped3A = tpu.sem_alloc : memref<!tpu.dma_semaphore, #tpu.memory_space<semaphore_mem>>
      %dma_start3A_93 = arith.constant 0 : i32
      %dma_start3A_94 = arith.constant 0 : i32
      %dma_start3A_95 = tpu.memref_slice %arg6[%dma_start3A_93, %dma_start3A_94] : memref<10000x128xf32, #tpu.memory_space<vmem_shared>> -> memref<10000x128xf32, #tpu.memory_space<vmem_shared>>
      tpu.enqueue_indirect_dma source(%arg8 : memref<80x128xf32, #tpu.memory_space<vmem>>) target(%dma_start3A_95 : memref<10000x128xf32, #tpu.memory_space<vmem_shared>>) offsets(%arg12 : memref<80xi32, #tpu.memory_space<vmem>>) semaphore(%run_scoped3A : memref<!tpu.dma_semaphore, #tpu.memory_space<semaphore_mem>>) {add = true}
      %dma_wait3A_96 = arith.constant 0 : i32
      %dma_wait3A_97 = arith.constant 0 : i32
      %dma_wait3A_98 = tpu.memref_slice %arg6[%dma_wait3A_96, %dma_wait3A_97] : memref<10000x128xf32, #tpu.memory_space<vmem_shared>> -> memref<10000x128xf32, #tpu.memory_space<vmem_shared>>
      tpu.wait_indirect_dma semaphore(%run_scoped3A : memref<!tpu.dma_semaphore, #tpu.memory_space<semaphore_mem>>) src(%arg8 : memref<80x128xf32, #tpu.memory_space<vmem>>) dst(%dma_wait3A_98 : memref<10000x128xf32, #tpu.memory_space<vmem_shared>>)
      tpu.yield
    }) : () -> ()
    %barrier3A_74 = arith.constant 0 : index
    tpu.barrier barrier_id(%barrier3A_74)
    %sub3A_75 = arith.constant 125 : i32
    %sub3A_76 = arith.subi %sub3A_75, %arg1 : i32
    %sub3A_77 = arith.constant 16 : i32
    %sub3A_78 = arith.constant 1 : i32
    %sub3A_79 = arith.subi %sub3A_77, %sub3A_78 : i32
    %add3A_80 = arith.addi %sub3A_76, %sub3A_79 : i32
    %div3A_81 = arith.constant 16 : i32
    %div3A_82 = arith.divsi %add3A_80, %div3A_81 : i32
    %while3A_83 = arith.constant 16 : i32
    %while3A_84 = arith.constant 0 : i32
    %while3A_85 = arith.subi %div3A_82, %while3A_84 : i32
    %while3A_86 = arith.addi %while3A_84, %while3A_85 : i32
    %while3A_87 = arith.constant 1 : i32
    %while3A_88 = arith.divsi %while3A_85, %while3A_87 : i32
    %while3A_89 = arith.muli %while3A_88, %while3A_87 : i32
    %while3A_90 = arith.addi %while3A_84, %while3A_89 : i32
    %while3A_91 = arith.constant 1 : i32
    scf.for %while3A_93 = %while3A_84 to %while3A_90 step %while3A_91  : i32 {
      %mul3A_94 = arith.muli %while3A_93, %while3A_83 : i32
      %add3A_95 = arith.addi %arg1, %mul3A_94 : i32
      %mul3A_96 = arith.constant 80 : i32
      %mul3A_97 = arith.muli %add3A_95, %mul3A_96 : i32
      "tpu.region"() ({
        %run_scoped3A = tpu.sem_alloc : memref<!tpu.dma_semaphore, #tpu.memory_space<semaphore_mem>>
        %dma_start3A_100 = arith.constant 0 : i32
        %dma_start3A_101 = tpu.memref_slice %arg6[%mul3A_97, %dma_start3A_100] : memref<10000x128xf32, #tpu.memory_space<vmem_shared>> -> memref<80x128xf32, #tpu.memory_space<vmem_shared>>
        %dma_start3A_102 = arith.constant 0 : i32
        %dma_start3A_103 = tpu.memref_slice %arg6[%mul3A_97, %dma_start3A_102] : memref<10000x128xf32, #tpu.memory_space<vmem_shared>> -> memref<80x128xf32, #tpu.memory_space<vmem_shared>>
        tpu.enqueue_dma source(%dma_start3A_103 : memref<80x128xf32, #tpu.memory_space<vmem_shared>>) target(%arg7 : memref<80x128xf32, #tpu.memory_space<vmem>>) target_semaphore(%run_scoped3A : memref<!tpu.dma_semaphore, #tpu.memory_space<semaphore_mem>>)
        %dma_wait3A_104 = arith.constant 0 : i32
        %dma_wait3A_105 = tpu.memref_slice %arg6[%mul3A_97, %dma_wait3A_104] : memref<10000x128xf32, #tpu.memory_space<vmem_shared>> -> memref<80x128xf32, #tpu.memory_space<vmem_shared>>
        %dma_wait3A_106 = arith.constant 0 : i32
        %dma_wait3A_107 = tpu.memref_slice %arg6[%mul3A_97, %dma_wait3A_106] : memref<10000x128xf32, #tpu.memory_space<vmem_shared>> -> memref<80x128xf32, #tpu.memory_space<vmem_shared>>
        tpu.wait_dma2 semaphore(%run_scoped3A : memref<!tpu.dma_semaphore, #tpu.memory_space<semaphore_mem>>) src(%dma_wait3A_107 : memref<80x128xf32, #tpu.memory_space<vmem_shared>>) dst(%arg7 : memref<80x128xf32, #tpu.memory_space<vmem>>)
        tpu.yield
      }) : () -> ()
      %mul3A_98 = arith.constant 80 : i32
      %mul3A_99 = arith.muli %add3A_95, %mul3A_98 : i32
      "tpu.region"() ({
        %run_scoped3A = tpu.sem_alloc : memref<!tpu.dma_semaphore, #tpu.memory_space<semaphore_mem>>
        %dma_start3A_100 = arith.constant 0 : i32
        %dma_start3A_101 = tpu.memref_slice %arg5[%arg0, %mul3A_99, %dma_start3A_100] : memref<2x10000x128xf32, #tpu.memory_space<hbm>> -> memref<1x80x128xf32, #tpu.memory_space<hbm>>
        %dma_start3A_102 = tpu.memref_squeeze %dma_start3A_101 : memref<1x80x128xf32, #tpu.memory_space<hbm>> -> memref<80x128xf32, #tpu.memory_space<hbm>>
        %dma_start3A_103 = arith.constant 0 : i32
        %dma_start3A_104 = tpu.memref_slice %arg5[%arg0, %mul3A_99, %dma_start3A_103] : memref<2x10000x128xf32, #tpu.memory_space<hbm>> -> memref<1x80x128xf32, #tpu.memory_space<hbm>>
        %dma_start3A_105 = tpu.memref_squeeze %dma_start3A_104 : memref<1x80x128xf32, #tpu.memory_space<hbm>> -> memref<80x128xf32, #tpu.memory_space<hbm>>
        tpu.enqueue_dma source(%arg7 : memref<80x128xf32, #tpu.memory_space<vmem>>) target(%dma_start3A_105 : memref<80x128xf32, #tpu.memory_space<hbm>>) target_semaphore(%run_scoped3A : memref<!tpu.dma_semaphore, #tpu.memory_space<semaphore_mem>>)
        %dma_wait3A_106 = arith.constant 0 : i32
        %dma_wait3A_107 = tpu.memref_slice %arg5[%arg0, %mul3A_99, %dma_wait3A_106] : memref<2x10000x128xf32, #tpu.memory_space<hbm>> -> memref<1x80x128xf32, #tpu.memory_space<hbm>>
        %dma_wait3A_108 = tpu.memref_squeeze %dma_wait3A_107 : memref<1x80x128xf32, #tpu.memory_space<hbm>> -> memref<80x128xf32, #tpu.memory_space<hbm>>
        %dma_wait3A_109 = arith.constant 0 : i32
        %dma_wait3A_110 = tpu.memref_slice %arg5[%arg0, %mul3A_99, %dma_wait3A_109] : memref<2x10000x128xf32, #tpu.memory_space<hbm>> -> memref<1x80x128xf32, #tpu.memory_space<hbm>>
        %dma_wait3A_111 = tpu.memref_squeeze %dma_wait3A_110 : memref<1x80x128xf32, #tpu.memory_space<hbm>> -> memref<80x128xf32, #tpu.memory_space<hbm>>
        tpu.wait_dma2 semaphore(%run_scoped3A : memref<!tpu.dma_semaphore, #tpu.memory_space<semaphore_mem>>) src(%arg7 : memref<80x128xf32, #tpu.memory_space<vmem>>) dst(%dma_wait3A_111 : memref<80x128xf32, #tpu.memory_space<hbm>>)
        tpu.yield
      }) : () -> ()
    }
    %while3A_92 = arith.constant 1 : i32
    scf.for %while3A_93 = %while3A_90 to %while3A_86 step %while3A_92  : i32 {
      %mul3A_94 = arith.muli %while3A_93, %while3A_83 : i32
      %add3A_95 = arith.addi %arg1, %mul3A_94 : i32
      %mul3A_96 = arith.constant 80 : i32
      %mul3A_97 = arith.muli %add3A_95, %mul3A_96 : i32
      "tpu.region"() ({
        %run_scoped3A = tpu.sem_alloc : memref<!tpu.dma_semaphore, #tpu.memory_space<semaphore_mem>>
        %dma_start3A_100 = arith.constant 0 : i32
        %dma_start3A_101 = tpu.memref_slice %arg6[%mul3A_97, %dma_start3A_100] : memref<10000x128xf32, #tpu.memory_space<vmem_shared>> -> memref<80x128xf32, #tpu.memory_space<vmem_shared>>
        %dma_start3A_102 = arith.constant 0 : i32
        %dma_start3A_103 = tpu.memref_slice %arg6[%mul3A_97, %dma_start3A_102] : memref<10000x128xf32, #tpu.memory_space<vmem_shared>> -> memref<80x128xf32, #tpu.memory_space<vmem_shared>>
        tpu.enqueue_dma source(%dma_start3A_103 : memref<80x128xf32, #tpu.memory_space<vmem_shared>>) target(%arg7 : memref<80x128xf32, #tpu.memory_space<vmem>>) target_semaphore(%run_scoped3A : memref<!tpu.dma_semaphore, #tpu.memory_space<semaphore_mem>>)
        %dma_wait3A_104 = arith.constant 0 : i32
        %dma_wait3A_105 = tpu.memref_slice %arg6[%mul3A_97, %dma_wait3A_104] : memref<10000x128xf32, #tpu.memory_space<vmem_shared>> -> memref<80x128xf32, #tpu.memory_space<vmem_shared>>
        %dma_wait3A_106 = arith.constant 0 : i32
        %dma_wait3A_107 = tpu.memref_slice %arg6[%mul3A_97, %dma_wait3A_106] : memref<10000x128xf32, #tpu.memory_space<vmem_shared>> -> memref<80x128xf32, #tpu.memory_space<vmem_shared>>
        tpu.wait_dma2 semaphore(%run_scoped3A : memref<!tpu.dma_semaphore, #tpu.memory_space<semaphore_mem>>) src(%dma_wait3A_107 : memref<80x128xf32, #tpu.memory_space<vmem_shared>>) dst(%arg7 : memref<80x128xf32, #tpu.memory_space<vmem>>)
        tpu.yield
      }) : () -> ()
      %mul3A_98 = arith.constant 80 : i32
      %mul3A_99 = arith.muli %add3A_95, %mul3A_98 : i32
      "tpu.region"() ({
        %run_scoped3A = tpu.sem_alloc : memref<!tpu.dma_semaphore, #tpu.memory_space<semaphore_mem>>
        %dma_start3A_100 = arith.constant 0 : i32
        %dma_start3A_101 = tpu.memref_slice %arg5[%arg0, %mul3A_99, %dma_start3A_100] : memref<2x10000x128xf32, #tpu.memory_space<hbm>> -> memref<1x80x128xf32, #tpu.memory_space<hbm>>
        %dma_start3A_102 = tpu.memref_squeeze %dma_start3A_101 : memref<1x80x128xf32, #tpu.memory_space<hbm>> -> memref<80x128xf32, #tpu.memory_space<hbm>>
        %dma_start3A_103 = arith.constant 0 : i32
        %dma_start3A_104 = tpu.memref_slice %arg5[%arg0, %mul3A_99, %dma_start3A_103] : memref<2x10000x128xf32, #tpu.memory_space<hbm>> -> memref<1x80x128xf32, #tpu.memory_space<hbm>>
        %dma_start3A_105 = tpu.memref_squeeze %dma_start3A_104 : memref<1x80x128xf32, #tpu.memory_space<hbm>> -> memref<80x128xf32, #tpu.memory_space<hbm>>
        tpu.enqueue_dma source(%arg7 : memref<80x128xf32, #tpu.memory_space<vmem>>) target(%dma_start3A_105 : memref<80x128xf32, #tpu.memory_space<hbm>>) target_semaphore(%run_scoped3A : memref<!tpu.dma_semaphore, #tpu.memory_space<semaphore_mem>>)
        %dma_wait3A_106 = arith.constant 0 : i32
        %dma_wait3A_107 = tpu.memref_slice %arg5[%arg0, %mul3A_99, %dma_wait3A_106] : memref<2x10000x128xf32, #tpu.memory_space<hbm>> -> memref<1x80x128xf32, #tpu.memory_space<hbm>>
        %dma_wait3A_108 = tpu.memref_squeeze %dma_wait3A_107 : memref<1x80x128xf32, #tpu.memory_space<hbm>> -> memref<80x128xf32, #tpu.memory_space<hbm>>
        %dma_wait3A_109 = arith.constant 0 : i32
        %dma_wait3A_110 = tpu.memref_slice %arg5[%arg0, %mul3A_99, %dma_wait3A_109] : memref<2x10000x128xf32, #tpu.memory_space<hbm>> -> memref<1x80x128xf32, #tpu.memory_space<hbm>>
        %dma_wait3A_111 = tpu.memref_squeeze %dma_wait3A_110 : memref<1x80x128xf32, #tpu.memory_space<hbm>> -> memref<80x128xf32, #tpu.memory_space<hbm>>
        tpu.wait_dma2 semaphore(%run_scoped3A : memref<!tpu.dma_semaphore, #tpu.memory_space<semaphore_mem>>) src(%arg7 : memref<80x128xf32, #tpu.memory_space<vmem>>) dst(%dma_wait3A_111 : memref<80x128xf32, #tpu.memory_space<hbm>>)
        tpu.yield
      }) : () -> ()
    }
    return
  }
}

#map = affine_map<(d0, d1) -> (0, 0)>
#map1 = affine_map<(d0, d1) -> (0)>
#map2 = affine_map<(d0, d1) -> (0, 0, 0)>
module attributes {stable_mosaic.version = 14 : i64} {
  func.func @_agg_body(%arg0: i32, %arg1: i32, %arg2: memref<10000x128xf32, #tpu.memory_space<hbm>>, %arg3: memref<320000xi32, #tpu.memory_space<hbm>>, %arg4: memref<320000xi32, #tpu.memory_space<hbm>>, %arg5: memref<2x10000x128xf32, #tpu.memory_space<hbm>>, %arg6: memref<10000x128xf32, #tpu.memory_space<vmem_shared>>, %arg7: memref<80x128xf32, #tpu.memory_space<vmem>>, %arg8: memref<80x128xf32, #tpu.memory_space<vmem>>, %arg9: memref<80x128xf32, #tpu.memory_space<vmem>>, %arg10: memref<10000xi32, #tpu.memory_space<vmem>>, %arg11: memref<80xi32, #tpu.memory_space<vmem>>, %arg12: memref<80xi32, #tpu.memory_space<vmem>>, %arg13: memref<80xi32, #tpu.memory_space<vmem>>, %arg14: memref<!tpu.dma_semaphore, #tpu.memory_space<semaphore_mem>>, %arg15: memref<!tpu.dma_semaphore, #tpu.memory_space<semaphore_mem>>, %arg16: memref<!tpu.dma_semaphore, #tpu.memory_space<semaphore_mem>>, %arg17: memref<!tpu.dma_semaphore, #tpu.memory_space<semaphore_mem>>, %arg18: memref<!tpu.dma_semaphore, #tpu.memory_space<semaphore_mem>>, %arg19: memref<!tpu.dma_semaphore, #tpu.memory_space<semaphore_mem>>, %arg20: memref<!tpu.dma_semaphore, #tpu.memory_space<semaphore_mem>>, %arg21: memref<!tpu.dma_semaphore, #tpu.memory_space<semaphore_mem>>, %arg22: memref<!tpu.dma_semaphore, #tpu.memory_space<semaphore_mem>>, %arg23: memref<!tpu.dma_semaphore, #tpu.memory_space<semaphore_mem>>) attributes {dimension_semantics = [#tpu.dimension_semantics<core_parallel>, #tpu.dimension_semantics<subcore_parallel>], iteration_bounds = array<i64: 2, 16>, scalar_prefetch = 0 : i64, scratch_operands = 18 : i64, tpu.core_type = #tpu.core_type<sc_vector_subcore>, window_params = [{transform_indices = #map}, {transform_indices = #map1}, {transform_indices = #map1}, {transform_indices = #map2}]} {
    %mul3A = arith.constant 16 : i32
    %mul3A_0 = arith.muli %arg0, %mul3A : i32
    %add3A = arith.addi %mul3A_0, %arg1 : i32
    %mul3A_1 = arith.constant 10000 : i32
    %mul3A_2 = arith.muli %add3A, %mul3A_1 : i32
    %dma_start3A = tpu.memref_slice %arg3[%mul3A_2] : memref<320000xi32, #tpu.memory_space<hbm>> -> memref<10000xi32, #tpu.memory_space<hbm>>
    %dma_start3A_3 = tpu.memref_slice %arg3[%mul3A_2] : memref<320000xi32, #tpu.memory_space<hbm>> -> memref<10000xi32, #tpu.memory_space<hbm>>
    tpu.enqueue_dma source(%dma_start3A_3 : memref<10000xi32, #tpu.memory_space<hbm>>) target(%arg10 : memref<10000xi32, #tpu.memory_space<vmem>>) target_semaphore(%arg23 : memref<!tpu.dma_semaphore, #tpu.memory_space<semaphore_mem>>)
    %scan3A = arith.constant 0 : i32
    %scan3A_4 = arith.constant 80 : i32
    %scan3A_5 = arith.addi %scan3A, %scan3A_4 : i32
    %scan3A_6 = arith.constant 1 : i32
    scf.for %scan3A_93 = %scan3A to %scan3A_5 step %scan3A_6  : i32 {
      %mul3A_94 = arith.constant 1 : i32
      %mul3A_95 = arith.muli %scan3A_93, %mul3A_94 : i32
      %add3A_96 = arith.constant 0 : i32
      %add3A_97 = arith.addi %add3A_96, %mul3A_95 : i32
      %scan3A_98 = arith.constant 0 : i32
      %scan3A_99 = arith.constant 8 : i32
      %scan3A_100 = arith.addi %scan3A_98, %scan3A_99 : i32
      %scan3A_101 = arith.constant 1 : i32
      scf.for %scan3A_103 = %scan3A_98 to %scan3A_100 step %scan3A_101  : i32 {
        %mul3A_104 = arith.constant 16 : i32
        %mul3A_105 = arith.muli %scan3A_103, %mul3A_104 : i32
        %add3A_106 = arith.constant 0 : i32
        %add3A_107 = arith.addi %add3A_106, %mul3A_105 : i32
        %broadcast_in_dim3A = arith.constant 0.000000e+00 : f32
        %broadcast_in_dim3A_108 = vector.broadcast %broadcast_in_dim3A : f32 to vector<16xf32>
        %swap3A = arith.index_cast %add3A_97 : i32 to index
        %swap3A_109 = arith.index_cast %add3A_107 : i32 to index
        %swap3A_110 = tpu.vector_load %arg7[%swap3A, %swap3A_109] {strides = array<i32>} : memref<80x128xf32, #tpu.memory_space<vmem>>, vector<1x16xf32>,
        %swap3A_111 = vector.shape_cast %swap3A_110 : vector<1x16xf32> to vector<16xf32>
        %swap3A_112 = vector.shape_cast %broadcast_in_dim3A_108 : vector<16xf32> to vector<1x16xf32>
        tpu.vector_store %arg7[%swap3A, %swap3A_109], %swap3A_112 {strides = array<i32>} : memref<80x128xf32, #tpu.memory_space<vmem>>, vector<1x16xf32>,
      }
      %scan3A_102 = arith.constant 8 : i32
    }
    %scan3A_7 = arith.constant 80 : i32
    %sub3A = arith.constant 125 : i32
    %sub3A_8 = arith.subi %sub3A, %arg1 : i32
    %sub3A_9 = arith.constant 16 : i32
    %sub3A_10 = arith.constant 1 : i32
    %sub3A_11 = arith.subi %sub3A_9, %sub3A_10 : i32
    %add3A_12 = arith.addi %sub3A_8, %sub3A_11 : i32
    %div3A = arith.constant 16 : i32
    %div3A_13 = arith.divsi %add3A_12, %div3A : i32
    %while3A = arith.constant 16 : i32
    %while3A_14 = arith.constant 0 : i32
    %while3A_15 = arith.subi %div3A_13, %while3A_14 : i32
    %while3A_16 = arith.addi %while3A_14, %while3A_15 : i32
    %while3A_17 = arith.constant 1 : i32
    %while3A_18 = arith.divsi %while3A_15, %while3A_17 : i32
    %while3A_19 = arith.muli %while3A_18, %while3A_17 : i32
    %while3A_20 = arith.addi %while3A_14, %while3A_19 : i32
    %while3A_21 = arith.constant 1 : i32
    scf.for %while3A_93 = %while3A_14 to %while3A_20 step %while3A_21  : i32 {
      %mul3A_94 = arith.muli %while3A_93, %while3A : i32
      %add3A_95 = arith.addi %arg1, %mul3A_94 : i32
      %mul3A_96 = arith.constant 80 : i32
      %mul3A_97 = arith.muli %add3A_95, %mul3A_96 : i32
      "tpu.region"() ({
        %run_scoped3A = tpu.sem_alloc : memref<!tpu.dma_semaphore, #tpu.memory_space<semaphore_mem>>
        %dma_start3A_98 = arith.constant 0 : i32
        %dma_start3A_99 = tpu.memref_slice %arg6[%mul3A_97, %dma_start3A_98] : memref<10000x128xf32, #tpu.memory_space<vmem_shared>> -> memref<80x128xf32, #tpu.memory_space<vmem_shared>>
        %dma_start3A_100 = arith.constant 0 : i32
        %dma_start3A_101 = tpu.memref_slice %arg6[%mul3A_97, %dma_start3A_100] : memref<10000x128xf32, #tpu.memory_space<vmem_shared>> -> memref<80x128xf32, #tpu.memory_space<vmem_shared>>
        tpu.enqueue_dma source(%arg7 : memref<80x128xf32, #tpu.memory_space<vmem>>) target(%dma_start3A_101 : memref<80x128xf32, #tpu.memory_space<vmem_shared>>) target_semaphore(%run_scoped3A : memref<!tpu.dma_semaphore, #tpu.memory_space<semaphore_mem>>)
        %dma_wait3A_102 = arith.constant 0 : i32
        %dma_wait3A_103 = tpu.memref_slice %arg6[%mul3A_97, %dma_wait3A_102] : memref<10000x128xf32, #tpu.memory_space<vmem_shared>> -> memref<80x128xf32, #tpu.memory_space<vmem_shared>>
        %dma_wait3A_104 = arith.constant 0 : i32
        %dma_wait3A_105 = tpu.memref_slice %arg6[%mul3A_97, %dma_wait3A_104] : memref<10000x128xf32, #tpu.memory_space<vmem_shared>> -> memref<80x128xf32, #tpu.memory_space<vmem_shared>>
        tpu.wait_dma2 semaphore(%run_scoped3A : memref<!tpu.dma_semaphore, #tpu.memory_space<semaphore_mem>>) src(%arg7 : memref<80x128xf32, #tpu.memory_space<vmem>>) dst(%dma_wait3A_105 : memref<80x128xf32, #tpu.memory_space<vmem_shared>>)
        tpu.yield
      }) : () -> ()
    }
    %while3A_22 = arith.constant 1 : i32
    scf.for %while3A_93 = %while3A_20 to %while3A_16 step %while3A_22  : i32 {
      %mul3A_94 = arith.muli %while3A_93, %while3A : i32
      %add3A_95 = arith.addi %arg1, %mul3A_94 : i32
      %mul3A_96 = arith.constant 80 : i32
      %mul3A_97 = arith.muli %add3A_95, %mul3A_96 : i32
      "tpu.region"() ({
        %run_scoped3A = tpu.sem_alloc : memref<!tpu.dma_semaphore, #tpu.memory_space<semaphore_mem>>
        %dma_start3A_98 = arith.constant 0 : i32
        %dma_start3A_99 = tpu.memref_slice %arg6[%mul3A_97, %dma_start3A_98] : memref<10000x128xf32, #tpu.memory_space<vmem_shared>> -> memref<80x128xf32, #tpu.memory_space<vmem_shared>>
        %dma_start3A_100 = arith.constant 0 : i32
        %dma_start3A_101 = tpu.memref_slice %arg6[%mul3A_97, %dma_start3A_100] : memref<10000x128xf32, #tpu.memory_space<vmem_shared>> -> memref<80x128xf32, #tpu.memory_space<vmem_shared>>
        tpu.enqueue_dma source(%arg7 : memref<80x128xf32, #tpu.memory_space<vmem>>) target(%dma_start3A_101 : memref<80x128xf32, #tpu.memory_space<vmem_shared>>) target_semaphore(%run_scoped3A : memref<!tpu.dma_semaphore, #tpu.memory_space<semaphore_mem>>)
        %dma_wait3A_102 = arith.constant 0 : i32
        %dma_wait3A_103 = tpu.memref_slice %arg6[%mul3A_97, %dma_wait3A_102] : memref<10000x128xf32, #tpu.memory_space<vmem_shared>> -> memref<80x128xf32, #tpu.memory_space<vmem_shared>>
        %dma_wait3A_104 = arith.constant 0 : i32
        %dma_wait3A_105 = tpu.memref_slice %arg6[%mul3A_97, %dma_wait3A_104] : memref<10000x128xf32, #tpu.memory_space<vmem_shared>> -> memref<80x128xf32, #tpu.memory_space<vmem_shared>>
        tpu.wait_dma2 semaphore(%run_scoped3A : memref<!tpu.dma_semaphore, #tpu.memory_space<semaphore_mem>>) src(%arg7 : memref<80x128xf32, #tpu.memory_space<vmem>>) dst(%dma_wait3A_105 : memref<80x128xf32, #tpu.memory_space<vmem_shared>>)
        tpu.yield
      }) : () -> ()
    }
    %dma_wait3A = tpu.memref_slice %arg3[%mul3A_2] : memref<320000xi32, #tpu.memory_space<hbm>> -> memref<10000xi32, #tpu.memory_space<hbm>>
    %dma_wait3A_23 = tpu.memref_slice %arg3[%mul3A_2] : memref<320000xi32, #tpu.memory_space<hbm>> -> memref<10000xi32, #tpu.memory_space<hbm>>
    tpu.wait_dma2 semaphore(%arg23 : memref<!tpu.dma_semaphore, #tpu.memory_space<semaphore_mem>>) src(%dma_wait3A_23 : memref<10000xi32, #tpu.memory_space<hbm>>) dst(%arg10 : memref<10000xi32, #tpu.memory_space<vmem>>)
    %barrier3A = arith.constant 0 : index
    tpu.barrier barrier_id(%barrier3A)
    %add3A_24 = arith.constant 0 : i32
    %add3A_25 = arith.addi %mul3A_2, %add3A_24 : i32
    %dma_start3A_26 = tpu.memref_slice %arg4[%add3A_25] : memref<320000xi32, #tpu.memory_space<hbm>> -> memref<80xi32, #tpu.memory_space<hbm>>
    %dma_start3A_27 = tpu.memref_slice %arg4[%add3A_25] : memref<320000xi32, #tpu.memory_space<hbm>> -> memref<80xi32, #tpu.memory_space<hbm>>
    tpu.enqueue_dma source(%dma_start3A_27 : memref<80xi32, #tpu.memory_space<hbm>>) target(%arg11 : memref<80xi32, #tpu.memory_space<vmem>>) target_semaphore(%arg20 : memref<!tpu.dma_semaphore, #tpu.memory_space<semaphore_mem>>)
    %dma_start3A_28 = arith.constant 0 : i32
    %dma_start3A_29 = tpu.memref_slice %arg10[%dma_start3A_28] : memref<10000xi32, #tpu.memory_space<vmem>> -> memref<80xi32, #tpu.memory_space<vmem>>
    %dma_start3A_30 = arith.constant 0 : i32
    %dma_start3A_31 = arith.constant 0 : i32
    %dma_start3A_32 = tpu.memref_slice %arg2[%dma_start3A_30, %dma_start3A_31] : memref<10000x128xf32, #tpu.memory_space<hbm>> -> memref<10000x128xf32, #tpu.memory_space<hbm>>
    tpu.enqueue_indirect_dma source(%dma_start3A_32 : memref<10000x128xf32, #tpu.memory_space<hbm>>) target(%arg7 : memref<80x128xf32, #tpu.memory_space<vmem>>) offsets(%dma_start3A_29 : memref<80xi32, #tpu.memory_space<vmem>>) semaphore(%arg14 : memref<!tpu.dma_semaphore, #tpu.memory_space<semaphore_mem>>)
    %add3A_33 = arith.constant 80 : i32
    %add3A_34 = arith.addi %mul3A_2, %add3A_33 : i32
    %dma_start3A_35 = tpu.memref_slice %arg4[%add3A_34] : memref<320000xi32, #tpu.memory_space<hbm>> -> memref<80xi32, #tpu.memory_space<hbm>>
    %dma_start3A_36 = tpu.memref_slice %arg4[%add3A_34] : memref<320000xi32, #tpu.memory_space<hbm>> -> memref<80xi32, #tpu.memory_space<hbm>>
    tpu.enqueue_dma source(%dma_start3A_36 : memref<80xi32, #tpu.memory_space<hbm>>) target(%arg12 : memref<80xi32, #tpu.memory_space<vmem>>) target_semaphore(%arg21 : memref<!tpu.dma_semaphore, #tpu.memory_space<semaphore_mem>>)
    %dma_start3A_37 = arith.constant 80 : i32
    %dma_start3A_38 = tpu.memref_slice %arg10[%dma_start3A_37] : memref<10000xi32, #tpu.memory_space<vmem>> -> memref<80xi32, #tpu.memory_space<vmem>>
    %dma_start3A_39 = arith.constant 0 : i32
    %dma_start3A_40 = arith.constant 0 : i32
    %dma_start3A_41 = tpu.memref_slice %arg2[%dma_start3A_39, %dma_start3A_40] : memref<10000x128xf32, #tpu.memory_space<hbm>> -> memref<10000x128xf32, #tpu.memory_space<hbm>>
    tpu.enqueue_indirect_dma source(%dma_start3A_41 : memref<10000x128xf32, #tpu.memory_space<hbm>>) target(%arg8 : memref<80x128xf32, #tpu.memory_space<vmem>>) offsets(%dma_start3A_38 : memref<80xi32, #tpu.memory_space<vmem>>) semaphore(%arg15 : memref<!tpu.dma_semaphore, #tpu.memory_space<semaphore_mem>>)
    %add3A_42 = arith.constant 160 : i32
    %add3A_43 = arith.addi %mul3A_2, %add3A_42 : i32
    %dma_start3A_44 = tpu.memref_slice %arg4[%add3A_43] : memref<320000xi32, #tpu.memory_space<hbm>> -> memref<80xi32, #tpu.memory_space<hbm>>
    %dma_start3A_45 = tpu.memref_slice %arg4[%add3A_43] : memref<320000xi32, #tpu.memory_space<hbm>> -> memref<80xi32, #tpu.memory_space<hbm>>
    tpu.enqueue_dma source(%dma_start3A_45 : memref<80xi32, #tpu.memory_space<hbm>>) target(%arg13 : memref<80xi32, #tpu.memory_space<vmem>>) target_semaphore(%arg22 : memref<!tpu.dma_semaphore, #tpu.memory_space<semaphore_mem>>)
    %dma_start3A_46 = arith.constant 160 : i32
    %dma_start3A_47 = tpu.memref_slice %arg10[%dma_start3A_46] : memref<10000xi32, #tpu.memory_space<vmem>> -> memref<80xi32, #tpu.memory_space<vmem>>
    %dma_start3A_48 = arith.constant 0 : i32
    %dma_start3A_49 = arith.constant 0 : i32
    %dma_start3A_50 = tpu.memref_slice %arg2[%dma_start3A_48, %dma_start3A_49] : memref<10000x128xf32, #tpu.memory_space<hbm>> -> memref<10000x128xf32, #tpu.memory_space<hbm>>
    tpu.enqueue_indirect_dma source(%dma_start3A_50 : memref<10000x128xf32, #tpu.memory_space<hbm>>) target(%arg9 : memref<80x128xf32, #tpu.memory_space<vmem>>) offsets(%dma_start3A_47 : memref<80xi32, #tpu.memory_space<vmem>>) semaphore(%arg16 : memref<!tpu.dma_semaphore, #tpu.memory_space<semaphore_mem>>)
    %scan3A_51 = arith.constant 0 : i32
    %scan3A_52 = arith.constant 41 : i32
    %scan3A_53 = arith.addi %scan3A_51, %scan3A_52 : i32
    %scan3A_54 = arith.constant 1 : i32
    scf.for %scan3A_93 = %scan3A_51 to %scan3A_53 step %scan3A_54  : i32 {
      %mul3A_94 = arith.constant 1 : i32
      %mul3A_95 = arith.muli %scan3A_93, %mul3A_94 : i32
      %add3A_96 = arith.constant 0 : i32
      %add3A_97 = arith.addi %add3A_96, %mul3A_95 : i32
      %mul3A_98 = arith.constant 3 : i32
      %mul3A_99 = arith.muli %mul3A_98, %add3A_97 : i32
      %add3A_100 = arith.constant 0 : i32
      %add3A_101 = arith.addi %mul3A_99, %add3A_100 : i32
      %mul3A_102 = arith.constant 80 : i32
      %mul3A_103 = arith.muli %add3A_101, %mul3A_102 : i32
      %dma_wait3A_104 = tpu.memref_slice %arg10[%mul3A_103] : memref<10000xi32, #tpu.memory_space<vmem>> -> memref<80xi32, #tpu.memory_space<vmem>>
      %dma_wait3A_105 = arith.constant 0 : i32
      %dma_wait3A_106 = arith.constant 0 : i32
      %dma_wait3A_107 = tpu.memref_slice %arg2[%dma_wait3A_105, %dma_wait3A_106] : memref<10000x128xf32, #tpu.memory_space<hbm>> -> memref<10000x128xf32, #tpu.memory_space<hbm>>
      tpu.wait_indirect_dma semaphore(%arg14 : memref<!tpu.dma_semaphore, #tpu.memory_space<semaphore_mem>>) src(%dma_wait3A_107 : memref<10000x128xf32, #tpu.memory_space<hbm>>) dst(%arg7 : memref<80x128xf32, #tpu.memory_space<vmem>>)
      %add3A_108 = arith.constant 0 : i32
      %add3A_109 = arith.addi %mul3A_99, %add3A_108 : i32
      %mul3A_110 = arith.constant 80 : i32
      %mul3A_111 = arith.muli %add3A_109, %mul3A_110 : i32
      %add3A_112 = arith.addi %mul3A_2, %mul3A_111 : i32
      %dma_wait3A_113 = tpu.memref_slice %arg4[%add3A_112] : memref<320000xi32, #tpu.memory_space<hbm>> -> memref<80xi32, #tpu.memory_space<hbm>>
      %dma_wait3A_114 = tpu.memref_slice %arg4[%add3A_112] : memref<320000xi32, #tpu.memory_space<hbm>> -> memref<80xi32, #tpu.memory_space<hbm>>
      tpu.wait_dma2 semaphore(%arg20 : memref<!tpu.dma_semaphore, #tpu.memory_space<semaphore_mem>>) src(%dma_wait3A_114 : memref<80xi32, #tpu.memory_space<hbm>>) dst(%arg11 : memref<80xi32, #tpu.memory_space<vmem>>)
      %dma_start3A_115 = arith.constant 0 : i32
      %dma_start3A_116 = arith.constant 0 : i32
      %dma_start3A_117 = tpu.memref_slice %arg6[%dma_start3A_115, %dma_start3A_116] : memref<10000x128xf32, #tpu.memory_space<vmem_shared>> -> memref<10000x128xf32, #tpu.memory_space<vmem_shared>>
      tpu.enqueue_indirect_dma source(%arg7 : memref<80x128xf32, #tpu.memory_space<vmem>>) target(%dma_start3A_117 : memref<10000x128xf32, #tpu.memory_space<vmem_shared>>) offsets(%arg11 : memref<80xi32, #tpu.memory_space<vmem>>) semaphore(%arg17 : memref<!tpu.dma_semaphore, #tpu.memory_space<semaphore_mem>>) {add = true}
      %add3A_118 = arith.constant 1 : i32
      %add3A_119 = arith.addi %mul3A_99, %add3A_118 : i32
      %mul3A_120 = arith.constant 80 : i32
      %mul3A_121 = arith.muli %add3A_119, %mul3A_120 : i32
      %dma_wait3A_122 = tpu.memref_slice %arg10[%mul3A_121] : memref<10000xi32, #tpu.memory_space<vmem>> -> memref<80xi32, #tpu.memory_space<vmem>>
      %dma_wait3A_123 = arith.constant 0 : i32
      %dma_wait3A_124 = arith.constant 0 : i32
      %dma_wait3A_125 = tpu.memref_slice %arg2[%dma_wait3A_123, %dma_wait3A_124] : memref<10000x128xf32, #tpu.memory_space<hbm>> -> memref<10000x128xf32, #tpu.memory_space<hbm>>
      tpu.wait_indirect_dma semaphore(%arg15 : memref<!tpu.dma_semaphore, #tpu.memory_space<semaphore_mem>>) src(%dma_wait3A_125 : memref<10000x128xf32, #tpu.memory_space<hbm>>) dst(%arg8 : memref<80x128xf32, #tpu.memory_space<vmem>>)
      %add3A_126 = arith.constant 1 : i32
      %add3A_127 = arith.addi %mul3A_99, %add3A_126 : i32
      %mul3A_128 = arith.constant 80 : i32
      %mul3A_129 = arith.muli %add3A_127, %mul3A_128 : i32
      %add3A_130 = arith.addi %mul3A_2, %mul3A_129 : i32
      %dma_wait3A_131 = tpu.memref_slice %arg4[%add3A_130] : memref<320000xi32, #tpu.memory_space<hbm>> -> memref<80xi32, #tpu.memory_space<hbm>>
      %dma_wait3A_132 = tpu.memref_slice %arg4[%add3A_130] : memref<320000xi32, #tpu.memory_space<hbm>> -> memref<80xi32, #tpu.memory_space<hbm>>
      tpu.wait_dma2 semaphore(%arg21 : memref<!tpu.dma_semaphore, #tpu.memory_space<semaphore_mem>>) src(%dma_wait3A_132 : memref<80xi32, #tpu.memory_space<hbm>>) dst(%arg12 : memref<80xi32, #tpu.memory_space<vmem>>)
      %dma_start3A_133 = arith.constant 0 : i32
      %dma_start3A_134 = arith.constant 0 : i32
      %dma_start3A_135 = tpu.memref_slice %arg6[%dma_start3A_133, %dma_start3A_134] : memref<10000x128xf32, #tpu.memory_space<vmem_shared>> -> memref<10000x128xf32, #tpu.memory_space<vmem_shared>>
      tpu.enqueue_indirect_dma source(%arg8 : memref<80x128xf32, #tpu.memory_space<vmem>>) target(%dma_start3A_135 : memref<10000x128xf32, #tpu.memory_space<vmem_shared>>) offsets(%arg12 : memref<80xi32, #tpu.memory_space<vmem>>) semaphore(%arg18 : memref<!tpu.dma_semaphore, #tpu.memory_space<semaphore_mem>>) {add = true}
      %add3A_136 = arith.constant 2 : i32
      %add3A_137 = arith.addi %mul3A_99, %add3A_136 : i32
      %mul3A_138 = arith.constant 80 : i32
      %mul3A_139 = arith.muli %add3A_137, %mul3A_138 : i32
      %dma_wait3A_140 = tpu.memref_slice %arg10[%mul3A_139] : memref<10000xi32, #tpu.memory_space<vmem>> -> memref<80xi32, #tpu.memory_space<vmem>>
      %dma_wait3A_141 = arith.constant 0 : i32
      %dma_wait3A_142 = arith.constant 0 : i32
      %dma_wait3A_143 = tpu.memref_slice %arg2[%dma_wait3A_141, %dma_wait3A_142] : memref<10000x128xf32, #tpu.memory_space<hbm>> -> memref<10000x128xf32, #tpu.memory_space<hbm>>
      tpu.wait_indirect_dma semaphore(%arg16 : memref<!tpu.dma_semaphore, #tpu.memory_space<semaphore_mem>>) src(%dma_wait3A_143 : memref<10000x128xf32, #tpu.memory_space<hbm>>) dst(%arg9 : memref<80x128xf32, #tpu.memory_space<vmem>>)
      %add3A_144 = arith.constant 2 : i32
      %add3A_145 = arith.addi %mul3A_99, %add3A_144 : i32
      %mul3A_146 = arith.constant 80 : i32
      %mul3A_147 = arith.muli %add3A_145, %mul3A_146 : i32
      %add3A_148 = arith.addi %mul3A_2, %mul3A_147 : i32
      %dma_wait3A_149 = tpu.memref_slice %arg4[%add3A_148] : memref<320000xi32, #tpu.memory_space<hbm>> -> memref<80xi32, #tpu.memory_space<hbm>>
      %dma_wait3A_150 = tpu.memref_slice %arg4[%add3A_148] : memref<320000xi32, #tpu.memory_space<hbm>> -> memref<80xi32, #tpu.memory_space<hbm>>
      tpu.wait_dma2 semaphore(%arg22 : memref<!tpu.dma_semaphore, #tpu.memory_space<semaphore_mem>>) src(%dma_wait3A_150 : memref<80xi32, #tpu.memory_space<hbm>>) dst(%arg13 : memref<80xi32, #tpu.memory_space<vmem>>)
      %dma_start3A_151 = arith.constant 0 : i32
      %dma_start3A_152 = arith.constant 0 : i32
      %dma_start3A_153 = tpu.memref_slice %arg6[%dma_start3A_151, %dma_start3A_152] : memref<10000x128xf32, #tpu.memory_space<vmem_shared>> -> memref<10000x128xf32, #tpu.memory_space<vmem_shared>>
      tpu.enqueue_indirect_dma source(%arg9 : memref<80x128xf32, #tpu.memory_space<vmem>>) target(%dma_start3A_153 : memref<10000x128xf32, #tpu.memory_space<vmem_shared>>) offsets(%arg13 : memref<80xi32, #tpu.memory_space<vmem>>) semaphore(%arg19 : memref<!tpu.dma_semaphore, #tpu.memory_space<semaphore_mem>>) {add = true}
      %dma_wait3A_154 = arith.constant 0 : i32
      %dma_wait3A_155 = arith.constant 0 : i32
      %dma_wait3A_156 = tpu.memref_slice %arg6[%dma_wait3A_154, %dma_wait3A_155] : memref<10000x128xf32, #tpu.memory_space<vmem_shared>> -> memref<10000x128xf32, #tpu.memory_space<vmem_shared>>
      tpu.wait_indirect_dma semaphore(%arg17 : memref<!tpu.dma_semaphore, #tpu.memory_space<semaphore_mem>>) src(%arg7 : memref<80x128xf32, #tpu.memory_space<vmem>>) dst(%dma_wait3A_156 : memref<10000x128xf32, #tpu.memory_space<vmem_shared>>)
      %add3A_157 = arith.constant 3 : i32
      %add3A_158 = arith.addi %mul3A_99, %add3A_157 : i32
      %add3A_159 = arith.constant 0 : i32
      %add3A_160 = arith.addi %add3A_158, %add3A_159 : i32
      %lt3A = arith.constant 125 : i32
      %lt3A_161 = arith.cmpi slt, %add3A_160, %lt3A : i32
      %convert_element_type3A = arith.extui %lt3A_161 : i1 to i32
      %cond3A = arith.constant 0 : i32
      %cond3A_162 = arith.cmpi ne, %convert_element_type3A, %cond3A : i32
      scf.if %cond3A_162 {
        %add3A_187 = arith.constant 3 : i32
        %add3A_188 = arith.addi %mul3A_99, %add3A_187 : i32
        %add3A_189 = arith.constant 0 : i32
        %add3A_190 = arith.addi %add3A_188, %add3A_189 : i32
        %mul3A_191 = arith.constant 80 : i32
        %mul3A_192 = arith.muli %add3A_190, %mul3A_191 : i32
        %add3A_193 = arith.addi %mul3A_2, %mul3A_192 : i32
        %dma_start3A_194 = tpu.memref_slice %arg4[%add3A_193] : memref<320000xi32, #tpu.memory_space<hbm>> -> memref<80xi32, #tpu.memory_space<hbm>>
        %dma_start3A_195 = tpu.memref_slice %arg4[%add3A_193] : memref<320000xi32, #tpu.memory_space<hbm>> -> memref<80xi32, #tpu.memory_space<hbm>>
        tpu.enqueue_dma source(%dma_start3A_195 : memref<80xi32, #tpu.memory_space<hbm>>) target(%arg11 : memref<80xi32, #tpu.memory_space<vmem>>) target_semaphore(%arg20 : memref<!tpu.dma_semaphore, #tpu.memory_space<semaphore_mem>>)
        %add3A_196 = arith.constant 3 : i32
        %add3A_197 = arith.addi %mul3A_99, %add3A_196 : i32
        %add3A_198 = arith.constant 0 : i32
        %add3A_199 = arith.addi %add3A_197, %add3A_198 : i32
        %mul3A_200 = arith.constant 80 : i32
        %mul3A_201 = arith.muli %add3A_199, %mul3A_200 : i32
        %dma_start3A_202 = tpu.memref_slice %arg10[%mul3A_201] : memref<10000xi32, #tpu.memory_space<vmem>> -> memref<80xi32, #tpu.memory_space<vmem>>
        %dma_start3A_203 = arith.constant 0 : i32
        %dma_start3A_204 = arith.constant 0 : i32
        %dma_start3A_205 = tpu.memref_slice %arg2[%dma_start3A_203, %dma_start3A_204] : memref<10000x128xf32, #tpu.memory_space<hbm>> -> memref<10000x128xf32, #tpu.memory_space<hbm>>
        tpu.enqueue_indirect_dma source(%dma_start3A_205 : memref<10000x128xf32, #tpu.memory_space<hbm>>) target(%arg7 : memref<80x128xf32, #tpu.memory_space<vmem>>) offsets(%dma_start3A_202 : memref<80xi32, #tpu.memory_space<vmem>>) semaphore(%arg14 : memref<!tpu.dma_semaphore, #tpu.memory_space<semaphore_mem>>)
      } else {
      }
      %dma_wait3A_163 = arith.constant 0 : i32
      %dma_wait3A_164 = arith.constant 0 : i32
      %dma_wait3A_165 = tpu.memref_slice %arg6[%dma_wait3A_163, %dma_wait3A_164] : memref<10000x128xf32, #tpu.memory_space<vmem_shared>> -> memref<10000x128xf32, #tpu.memory_space<vmem_shared>>
      tpu.wait_indirect_dma semaphore(%arg18 : memref<!tpu.dma_semaphore, #tpu.memory_space<semaphore_mem>>) src(%arg8 : memref<80x128xf32, #tpu.memory_space<vmem>>) dst(%dma_wait3A_165 : memref<10000x128xf32, #tpu.memory_space<vmem_shared>>)
      %add3A_166 = arith.constant 3 : i32
      %add3A_167 = arith.addi %mul3A_99, %add3A_166 : i32
      %add3A_168 = arith.constant 1 : i32
      %add3A_169 = arith.addi %add3A_167, %add3A_168 : i32
      %lt3A_170 = arith.constant 125 : i32
      %lt3A_171 = arith.cmpi slt, %add3A_169, %lt3A_170 : i32
      %convert_element_type3A_172 = arith.extui %lt3A_171 : i1 to i32
      %cond3A_173 = arith.constant 0 : i32
      %cond3A_174 = arith.cmpi ne, %convert_element_type3A_172, %cond3A_173 : i32
      scf.if %cond3A_174 {
        %add3A_187 = arith.constant 3 : i32
        %add3A_188 = arith.addi %mul3A_99, %add3A_187 : i32
        %add3A_189 = arith.constant 1 : i32
        %add3A_190 = arith.addi %add3A_188, %add3A_189 : i32
        %mul3A_191 = arith.constant 80 : i32
        %mul3A_192 = arith.muli %add3A_190, %mul3A_191 : i32
        %add3A_193 = arith.addi %mul3A_2, %mul3A_192 : i32
        %dma_start3A_194 = tpu.memref_slice %arg4[%add3A_193] : memref<320000xi32, #tpu.memory_space<hbm>> -> memref<80xi32, #tpu.memory_space<hbm>>
        %dma_start3A_195 = tpu.memref_slice %arg4[%add3A_193] : memref<320000xi32, #tpu.memory_space<hbm>> -> memref<80xi32, #tpu.memory_space<hbm>>
        tpu.enqueue_dma source(%dma_start3A_195 : memref<80xi32, #tpu.memory_space<hbm>>) target(%arg12 : memref<80xi32, #tpu.memory_space<vmem>>) target_semaphore(%arg21 : memref<!tpu.dma_semaphore, #tpu.memory_space<semaphore_mem>>)
        %add3A_196 = arith.constant 3 : i32
        %add3A_197 = arith.addi %mul3A_99, %add3A_196 : i32
        %add3A_198 = arith.constant 1 : i32
        %add3A_199 = arith.addi %add3A_197, %add3A_198 : i32
        %mul3A_200 = arith.constant 80 : i32
        %mul3A_201 = arith.muli %add3A_199, %mul3A_200 : i32
        %dma_start3A_202 = tpu.memref_slice %arg10[%mul3A_201] : memref<10000xi32, #tpu.memory_space<vmem>> -> memref<80xi32, #tpu.memory_space<vmem>>
        %dma_start3A_203 = arith.constant 0 : i32
        %dma_start3A_204 = arith.constant 0 : i32
        %dma_start3A_205 = tpu.memref_slice %arg2[%dma_start3A_203, %dma_start3A_204] : memref<10000x128xf32, #tpu.memory_space<hbm>> -> memref<10000x128xf32, #tpu.memory_space<hbm>>
        tpu.enqueue_indirect_dma source(%dma_start3A_205 : memref<10000x128xf32, #tpu.memory_space<hbm>>) target(%arg8 : memref<80x128xf32, #tpu.memory_space<vmem>>) offsets(%dma_start3A_202 : memref<80xi32, #tpu.memory_space<vmem>>) semaphore(%arg15 : memref<!tpu.dma_semaphore, #tpu.memory_space<semaphore_mem>>)
      } else {
      }
      %dma_wait3A_175 = arith.constant 0 : i32
      %dma_wait3A_176 = arith.constant 0 : i32
      %dma_wait3A_177 = tpu.memref_slice %arg6[%dma_wait3A_175, %dma_wait3A_176] : memref<10000x128xf32, #tpu.memory_space<vmem_shared>> -> memref<10000x128xf32, #tpu.memory_space<vmem_shared>>
      tpu.wait_indirect_dma semaphore(%arg19 : memref<!tpu.dma_semaphore, #tpu.memory_space<semaphore_mem>>) src(%arg9 : memref<80x128xf32, #tpu.memory_space<vmem>>) dst(%dma_wait3A_177 : memref<10000x128xf32, #tpu.memory_space<vmem_shared>>)
      %add3A_178 = arith.constant 3 : i32
      %add3A_179 = arith.addi %mul3A_99, %add3A_178 : i32
      %add3A_180 = arith.constant 2 : i32
      %add3A_181 = arith.addi %add3A_179, %add3A_180 : i32
      %lt3A_182 = arith.constant 125 : i32
      %lt3A_183 = arith.cmpi slt, %add3A_181, %lt3A_182 : i32
      %convert_element_type3A_184 = arith.extui %lt3A_183 : i1 to i32
      %cond3A_185 = arith.constant 0 : i32
      %cond3A_186 = arith.cmpi ne, %convert_element_type3A_184, %cond3A_185 : i32
      scf.if %cond3A_186 {
        %add3A_187 = arith.constant 3 : i32
        %add3A_188 = arith.addi %mul3A_99, %add3A_187 : i32
        %add3A_189 = arith.constant 2 : i32
        %add3A_190 = arith.addi %add3A_188, %add3A_189 : i32
        %mul3A_191 = arith.constant 80 : i32
        %mul3A_192 = arith.muli %add3A_190, %mul3A_191 : i32
        %add3A_193 = arith.addi %mul3A_2, %mul3A_192 : i32
        %dma_start3A_194 = tpu.memref_slice %arg4[%add3A_193] : memref<320000xi32, #tpu.memory_space<hbm>> -> memref<80xi32, #tpu.memory_space<hbm>>
        %dma_start3A_195 = tpu.memref_slice %arg4[%add3A_193] : memref<320000xi32, #tpu.memory_space<hbm>> -> memref<80xi32, #tpu.memory_space<hbm>>
        tpu.enqueue_dma source(%dma_start3A_195 : memref<80xi32, #tpu.memory_space<hbm>>) target(%arg13 : memref<80xi32, #tpu.memory_space<vmem>>) target_semaphore(%arg22 : memref<!tpu.dma_semaphore, #tpu.memory_space<semaphore_mem>>)
        %add3A_196 = arith.constant 3 : i32
        %add3A_197 = arith.addi %mul3A_99, %add3A_196 : i32
        %add3A_198 = arith.constant 2 : i32
        %add3A_199 = arith.addi %add3A_197, %add3A_198 : i32
        %mul3A_200 = arith.constant 80 : i32
        %mul3A_201 = arith.muli %add3A_199, %mul3A_200 : i32
        %dma_start3A_202 = tpu.memref_slice %arg10[%mul3A_201] : memref<10000xi32, #tpu.memory_space<vmem>> -> memref<80xi32, #tpu.memory_space<vmem>>
        %dma_start3A_203 = arith.constant 0 : i32
        %dma_start3A_204 = arith.constant 0 : i32
        %dma_start3A_205 = tpu.memref_slice %arg2[%dma_start3A_203, %dma_start3A_204] : memref<10000x128xf32, #tpu.memory_space<hbm>> -> memref<10000x128xf32, #tpu.memory_space<hbm>>
        tpu.enqueue_indirect_dma source(%dma_start3A_205 : memref<10000x128xf32, #tpu.memory_space<hbm>>) target(%arg9 : memref<80x128xf32, #tpu.memory_space<vmem>>) offsets(%dma_start3A_202 : memref<80xi32, #tpu.memory_space<vmem>>) semaphore(%arg16 : memref<!tpu.dma_semaphore, #tpu.memory_space<semaphore_mem>>)
      } else {
      }
    }
    %scan3A_55 = arith.constant 41 : i32
    %dma_wait3A_56 = arith.constant 9840 : i32
    %dma_wait3A_57 = tpu.memref_slice %arg10[%dma_wait3A_56] : memref<10000xi32, #tpu.memory_space<vmem>> -> memref<80xi32, #tpu.memory_space<vmem>>
    %dma_wait3A_58 = arith.constant 0 : i32
    %dma_wait3A_59 = arith.constant 0 : i32
    %dma_wait3A_60 = tpu.memref_slice %arg2[%dma_wait3A_58, %dma_wait3A_59] : memref<10000x128xf32, #tpu.memory_space<hbm>> -> memref<10000x128xf32, #tpu.memory_space<hbm>>
    tpu.wait_indirect_dma semaphore(%arg14 : memref<!tpu.dma_semaphore, #tpu.memory_space<semaphore_mem>>) src(%dma_wait3A_60 : memref<10000x128xf32, #tpu.memory_space<hbm>>) dst(%arg7 : memref<80x128xf32, #tpu.memory_space<vmem>>)
    %add3A_61 = arith.constant 9840 : i32
    %add3A_62 = arith.addi %mul3A_2, %add3A_61 : i32
    %dma_wait3A_63 = tpu.memref_slice %arg4[%add3A_62] : memref<320000xi32, #tpu.memory_space<hbm>> -> memref<80xi32, #tpu.memory_space<hbm>>
    %dma_wait3A_64 = tpu.memref_slice %arg4[%add3A_62] : memref<320000xi32, #tpu.memory_space<hbm>> -> memref<80xi32, #tpu.memory_space<hbm>>
    tpu.wait_dma2 semaphore(%arg20 : memref<!tpu.dma_semaphore, #tpu.memory_space<semaphore_mem>>) src(%dma_wait3A_64 : memref<80xi32, #tpu.memory_space<hbm>>) dst(%arg11 : memref<80xi32, #tpu.memory_space<vmem>>)
    "tpu.region"() ({
      %run_scoped3A = tpu.sem_alloc : memref<!tpu.dma_semaphore, #tpu.memory_space<semaphore_mem>>
      %dma_start3A_93 = arith.constant 0 : i32
      %dma_start3A_94 = arith.constant 0 : i32
      %dma_start3A_95 = tpu.memref_slice %arg6[%dma_start3A_93, %dma_start3A_94] : memref<10000x128xf32, #tpu.memory_space<vmem_shared>> -> memref<10000x128xf32, #tpu.memory_space<vmem_shared>>
      tpu.enqueue_indirect_dma source(%arg7 : memref<80x128xf32, #tpu.memory_space<vmem>>) target(%dma_start3A_95 : memref<10000x128xf32, #tpu.memory_space<vmem_shared>>) offsets(%arg11 : memref<80xi32, #tpu.memory_space<vmem>>) semaphore(%run_scoped3A : memref<!tpu.dma_semaphore, #tpu.memory_space<semaphore_mem>>) {add = true}
      %dma_wait3A_96 = arith.constant 0 : i32
      %dma_wait3A_97 = arith.constant 0 : i32
      %dma_wait3A_98 = tpu.memref_slice %arg6[%dma_wait3A_96, %dma_wait3A_97] : memref<10000x128xf32, #tpu.memory_space<vmem_shared>> -> memref<10000x128xf32, #tpu.memory_space<vmem_shared>>
      tpu.wait_indirect_dma semaphore(%run_scoped3A : memref<!tpu.dma_semaphore, #tpu.memory_space<semaphore_mem>>) src(%arg7 : memref<80x128xf32, #tpu.memory_space<vmem>>) dst(%dma_wait3A_98 : memref<10000x128xf32, #tpu.memory_space<vmem_shared>>)
      tpu.yield
    }) : () -> ()
    %dma_wait3A_65 = arith.constant 9920 : i32
    %dma_wait3A_66 = tpu.memref_slice %arg10[%dma_wait3A_65] : memref<10000xi32, #tpu.memory_space<vmem>> -> memref<80xi32, #tpu.memory_space<vmem>>
    %dma_wait3A_67 = arith.constant 0 : i32
    %dma_wait3A_68 = arith.constant 0 : i32
    %dma_wait3A_69 = tpu.memref_slice %arg2[%dma_wait3A_67, %dma_wait3A_68] : memref<10000x128xf32, #tpu.memory_space<hbm>> -> memref<10000x128xf32, #tpu.memory_space<hbm>>
    tpu.wait_indirect_dma semaphore(%arg15 : memref<!tpu.dma_semaphore, #tpu.memory_space<semaphore_mem>>) src(%dma_wait3A_69 : memref<10000x128xf32, #tpu.memory_space<hbm>>) dst(%arg8 : memref<80x128xf32, #tpu.memory_space<vmem>>)
    %add3A_70 = arith.constant 9920 : i32
    %add3A_71 = arith.addi %mul3A_2, %add3A_70 : i32
    %dma_wait3A_72 = tpu.memref_slice %arg4[%add3A_71] : memref<320000xi32, #tpu.memory_space<hbm>> -> memref<80xi32, #tpu.memory_space<hbm>>
    %dma_wait3A_73 = tpu.memref_slice %arg4[%add3A_71] : memref<320000xi32, #tpu.memory_space<hbm>> -> memref<80xi32, #tpu.memory_space<hbm>>
    tpu.wait_dma2 semaphore(%arg21 : memref<!tpu.dma_semaphore, #tpu.memory_space<semaphore_mem>>) src(%dma_wait3A_73 : memref<80xi32, #tpu.memory_space<hbm>>) dst(%arg12 : memref<80xi32, #tpu.memory_space<vmem>>)
    "tpu.region"() ({
      %run_scoped3A = tpu.sem_alloc : memref<!tpu.dma_semaphore, #tpu.memory_space<semaphore_mem>>
      %dma_start3A_93 = arith.constant 0 : i32
      %dma_start3A_94 = arith.constant 0 : i32
      %dma_start3A_95 = tpu.memref_slice %arg6[%dma_start3A_93, %dma_start3A_94] : memref<10000x128xf32, #tpu.memory_space<vmem_shared>> -> memref<10000x128xf32, #tpu.memory_space<vmem_shared>>
      tpu.enqueue_indirect_dma source(%arg8 : memref<80x128xf32, #tpu.memory_space<vmem>>) target(%dma_start3A_95 : memref<10000x128xf32, #tpu.memory_space<vmem_shared>>) offsets(%arg12 : memref<80xi32, #tpu.memory_space<vmem>>) semaphore(%run_scoped3A : memref<!tpu.dma_semaphore, #tpu.memory_space<semaphore_mem>>) {add = true}
      %dma_wait3A_96 = arith.constant 0 : i32
      %dma_wait3A_97 = arith.constant 0 : i32
      %dma_wait3A_98 = tpu.memref_slice %arg6[%dma_wait3A_96, %dma_wait3A_97] : memref<10000x128xf32, #tpu.memory_space<vmem_shared>> -> memref<10000x128xf32, #tpu.memory_space<vmem_shared>>
      tpu.wait_indirect_dma semaphore(%run_scoped3A : memref<!tpu.dma_semaphore, #tpu.memory_space<semaphore_mem>>) src(%arg8 : memref<80x128xf32, #tpu.memory_space<vmem>>) dst(%dma_wait3A_98 : memref<10000x128xf32, #tpu.memory_space<vmem_shared>>)
      tpu.yield
    }) : () -> ()
    %barrier3A_74 = arith.constant 0 : index
    tpu.barrier barrier_id(%barrier3A_74)
    %sub3A_75 = arith.constant 125 : i32
    %sub3A_76 = arith.subi %sub3A_75, %arg1 : i32
    %sub3A_77 = arith.constant 16 : i32
    %sub3A_78 = arith.constant 1 : i32
    %sub3A_79 = arith.subi %sub3A_77, %sub3A_78 : i32
    %add3A_80 = arith.addi %sub3A_76, %sub3A_79 : i32
    %div3A_81 = arith.constant 16 : i32
    %div3A_82 = arith.divsi %add3A_80, %div3A_81 : i32
    %while3A_83 = arith.constant 16 : i32
    %while3A_84 = arith.constant 0 : i32
    %while3A_85 = arith.subi %div3A_82, %while3A_84 : i32
    %while3A_86 = arith.addi %while3A_84, %while3A_85 : i32
    %while3A_87 = arith.constant 1 : i32
    %while3A_88 = arith.divsi %while3A_85, %while3A_87 : i32
    %while3A_89 = arith.muli %while3A_88, %while3A_87 : i32
    %while3A_90 = arith.addi %while3A_84, %while3A_89 : i32
    %while3A_91 = arith.constant 1 : i32
    scf.for %while3A_93 = %while3A_84 to %while3A_90 step %while3A_91  : i32 {
      %mul3A_94 = arith.muli %while3A_93, %while3A_83 : i32
      %add3A_95 = arith.addi %arg1, %mul3A_94 : i32
      %mul3A_96 = arith.constant 80 : i32
      %mul3A_97 = arith.muli %add3A_95, %mul3A_96 : i32
      "tpu.region"() ({
        %run_scoped3A = tpu.sem_alloc : memref<!tpu.dma_semaphore, #tpu.memory_space<semaphore_mem>>
        %dma_start3A_100 = arith.constant 0 : i32
        %dma_start3A_101 = tpu.memref_slice %arg6[%mul3A_97, %dma_start3A_100] : memref<10000x128xf32, #tpu.memory_space<vmem_shared>> -> memref<80x128xf32, #tpu.memory_space<vmem_shared>>
        %dma_start3A_102 = arith.constant 0 : i32
        %dma_start3A_103 = tpu.memref_slice %arg6[%mul3A_97, %dma_start3A_102] : memref<10000x128xf32, #tpu.memory_space<vmem_shared>> -> memref<80x128xf32, #tpu.memory_space<vmem_shared>>
        tpu.enqueue_dma source(%dma_start3A_103 : memref<80x128xf32, #tpu.memory_space<vmem_shared>>) target(%arg7 : memref<80x128xf32, #tpu.memory_space<vmem>>) target_semaphore(%run_scoped3A : memref<!tpu.dma_semaphore, #tpu.memory_space<semaphore_mem>>)
        %dma_wait3A_104 = arith.constant 0 : i32
        %dma_wait3A_105 = tpu.memref_slice %arg6[%mul3A_97, %dma_wait3A_104] : memref<10000x128xf32, #tpu.memory_space<vmem_shared>> -> memref<80x128xf32, #tpu.memory_space<vmem_shared>>
        %dma_wait3A_106 = arith.constant 0 : i32
        %dma_wait3A_107 = tpu.memref_slice %arg6[%mul3A_97, %dma_wait3A_106] : memref<10000x128xf32, #tpu.memory_space<vmem_shared>> -> memref<80x128xf32, #tpu.memory_space<vmem_shared>>
        tpu.wait_dma2 semaphore(%run_scoped3A : memref<!tpu.dma_semaphore, #tpu.memory_space<semaphore_mem>>) src(%dma_wait3A_107 : memref<80x128xf32, #tpu.memory_space<vmem_shared>>) dst(%arg7 : memref<80x128xf32, #tpu.memory_space<vmem>>)
        tpu.yield
      }) : () -> ()
      %mul3A_98 = arith.constant 80 : i32
      %mul3A_99 = arith.muli %add3A_95, %mul3A_98 : i32
      "tpu.region"() ({
        %run_scoped3A = tpu.sem_alloc : memref<!tpu.dma_semaphore, #tpu.memory_space<semaphore_mem>>
        %dma_start3A_100 = arith.constant 0 : i32
        %dma_start3A_101 = tpu.memref_slice %arg5[%arg0, %mul3A_99, %dma_start3A_100] : memref<2x10000x128xf32, #tpu.memory_space<hbm>> -> memref<1x80x128xf32, #tpu.memory_space<hbm>>
        %dma_start3A_102 = tpu.memref_squeeze %dma_start3A_101 : memref<1x80x128xf32, #tpu.memory_space<hbm>> -> memref<80x128xf32, #tpu.memory_space<hbm>>
        %dma_start3A_103 = arith.constant 0 : i32
        %dma_start3A_104 = tpu.memref_slice %arg5[%arg0, %mul3A_99, %dma_start3A_103] : memref<2x10000x128xf32, #tpu.memory_space<hbm>> -> memref<1x80x128xf32, #tpu.memory_space<hbm>>
        %dma_start3A_105 = tpu.memref_squeeze %dma_start3A_104 : memref<1x80x128xf32, #tpu.memory_space<hbm>> -> memref<80x128xf32, #tpu.memory_space<hbm>>
        tpu.enqueue_dma source(%arg7 : memref<80x128xf32, #tpu.memory_space<vmem>>) target(%dma_start3A_105 : memref<80x128xf32, #tpu.memory_space<hbm>>) target_semaphore(%run_scoped3A : memref<!tpu.dma_semaphore, #tpu.memory_space<semaphore_mem>>)
        %dma_wait3A_106 = arith.constant 0 : i32
        %dma_wait3A_107 = tpu.memref_slice %arg5[%arg0, %mul3A_99, %dma_wait3A_106] : memref<2x10000x128xf32, #tpu.memory_space<hbm>> -> memref<1x80x128xf32, #tpu.memory_space<hbm>>
        %dma_wait3A_108 = tpu.memref_squeeze %dma_wait3A_107 : memref<1x80x128xf32, #tpu.memory_space<hbm>> -> memref<80x128xf32, #tpu.memory_space<hbm>>
        %dma_wait3A_109 = arith.constant 0 : i32
        %dma_wait3A_110 = tpu.memref_slice %arg5[%arg0, %mul3A_99, %dma_wait3A_109] : memref<2x10000x128xf32, #tpu.memory_space<hbm>> -> memref<1x80x128xf32, #tpu.memory_space<hbm>>
        %dma_wait3A_111 = tpu.memref_squeeze %dma_wait3A_110 : memref<1x80x128xf32, #tpu.memory_space<hbm>> -> memref<80x128xf32, #tpu.memory_space<hbm>>
        tpu.wait_dma2 semaphore(%run_scoped3A : memref<!tpu.dma_semaphore, #tpu.memory_space<semaphore_mem>>) src(%arg7 : memref<80x128xf32, #tpu.memory_space<vmem>>) dst(%dma_wait3A_111 : memref<80x128xf32, #tpu.memory_space<hbm>>)
        tpu.yield
      }) : () -> ()
    }
    %while3A_92 = arith.constant 1 : i32
    scf.for %while3A_93 = %while3A_90 to %while3A_86 step %while3A_92  : i32 {
      %mul3A_94 = arith.muli %while3A_93, %while3A_83 : i32
      %add3A_95 = arith.addi %arg1, %mul3A_94 : i32
      %mul3A_96 = arith.constant 80 : i32
      %mul3A_97 = arith.muli %add3A_95, %mul3A_96 : i32
      "tpu.region"() ({
        %run_scoped3A = tpu.sem_alloc : memref<!tpu.dma_semaphore, #tpu.memory_space<semaphore_mem>>
        %dma_start3A_100 = arith.constant 0 : i32
        %dma_start3A_101 = tpu.memref_slice %arg6[%mul3A_97, %dma_start3A_100] : memref<10000x128xf32, #tpu.memory_space<vmem_shared>> -> memref<80x128xf32, #tpu.memory_space<vmem_shared>>
        %dma_start3A_102 = arith.constant 0 : i32
        %dma_start3A_103 = tpu.memref_slice %arg6[%mul3A_97, %dma_start3A_102] : memref<10000x128xf32, #tpu.memory_space<vmem_shared>> -> memref<80x128xf32, #tpu.memory_space<vmem_shared>>
        tpu.enqueue_dma source(%dma_start3A_103 : memref<80x128xf32, #tpu.memory_space<vmem_shared>>) target(%arg7 : memref<80x128xf32, #tpu.memory_space<vmem>>) target_semaphore(%run_scoped3A : memref<!tpu.dma_semaphore, #tpu.memory_space<semaphore_mem>>)
        %dma_wait3A_104 = arith.constant 0 : i32
        %dma_wait3A_105 = tpu.memref_slice %arg6[%mul3A_97, %dma_wait3A_104] : memref<10000x128xf32, #tpu.memory_space<vmem_shared>> -> memref<80x128xf32, #tpu.memory_space<vmem_shared>>
        %dma_wait3A_106 = arith.constant 0 : i32
        %dma_wait3A_107 = tpu.memref_slice %arg6[%mul3A_97, %dma_wait3A_106] : memref<10000x128xf32, #tpu.memory_space<vmem_shared>> -> memref<80x128xf32, #tpu.memory_space<vmem_shared>>
        tpu.wait_dma2 semaphore(%run_scoped3A : memref<!tpu.dma_semaphore, #tpu.memory_space<semaphore_mem>>) src(%dma_wait3A_107 : memref<80x128xf32, #tpu.memory_space<vmem_shared>>) dst(%arg7 : memref<80x128xf32, #tpu.memory_space<vmem>>)
        tpu.yield
      }) : () -> ()
      %mul3A_98 = arith.constant 80 : i32
      %mul3A_99 = arith.muli %add3A_95, %mul3A_98 : i32
      "tpu.region"() ({
        %run_scoped3A = tpu.sem_alloc : memref<!tpu.dma_semaphore, #tpu.memory_space<semaphore_mem>>
        %dma_start3A_100 = arith.constant 0 : i32
        %dma_start3A_101 = tpu.memref_slice %arg5[%arg0, %mul3A_99, %dma_start3A_100] : memref<2x10000x128xf32, #tpu.memory_space<hbm>> -> memref<1x80x128xf32, #tpu.memory_space<hbm>>
        %dma_start3A_102 = tpu.memref_squeeze %dma_start3A_101 : memref<1x80x128xf32, #tpu.memory_space<hbm>> -> memref<80x128xf32, #tpu.memory_space<hbm>>
        %dma_start3A_103 = arith.constant 0 : i32
        %dma_start3A_104 = tpu.memref_slice %arg5[%arg0, %mul3A_99, %dma_start3A_103] : memref<2x10000x128xf32, #tpu.memory_space<hbm>> -> memref<1x80x128xf32, #tpu.memory_space<hbm>>
        %dma_start3A_105 = tpu.memref_squeeze %dma_start3A_104 : memref<1x80x128xf32, #tpu.memory_space<hbm>> -> memref<80x128xf32, #tpu.memory_space<hbm>>
        tpu.enqueue_dma source(%arg7 : memref<80x128xf32, #tpu.memory_space<vmem>>) target(%dma_start3A_105 : memref<80x128xf32, #tpu.memory_space<hbm>>) target_semaphore(%run_scoped3A : memref<!tpu.dma_semaphore, #tpu.memory_space<semaphore_mem>>)
        %dma_wait3A_106 = arith.constant 0 : i32
        %dma_wait3A_107 = tpu.memref_slice %arg5[%arg0, %mul3A_99, %dma_wait3A_106] : memref<2x10000x128xf32, #tpu.memory_space<hbm>> -> memref<1x80x128xf32, #tpu.memory_space<hbm>>
        %dma_wait3A_108 = tpu.memref_squeeze %dma_wait3A_107 : memref<1x80x128xf32, #tpu.memory_space<hbm>> -> memref<80x128xf32, #tpu.memory_space<hbm>>
        %dma_wait3A_109 = arith.constant 0 : i32
        %dma_wait3A_110 = tpu.memref_slice %arg5[%arg0, %mul3A_99, %dma_wait3A_109] : memref<2x10000x128xf32, #tpu.memory_space<hbm>> -> memref<1x80x128xf32, #tpu.memory_space<hbm>>
        %dma_wait3A_111 = tpu.memref_squeeze %dma_wait3A_110 : memref<1x80x128xf32, #tpu.memory_space<hbm>> -> memref<80x128xf32, #tpu.memory_space<hbm>>
        tpu.wait_dma2 semaphore(%run_scoped3A : memref<!tpu.dma_semaphore, #tpu.memory_space<semaphore_mem>>) src(%arg7 : memref<80x128xf32, #tpu.memory_space<vmem>>) dst(%dma_wait3A_111 : memref<80x128xf32, #tpu.memory_space<hbm>>)
        tpu.yield
      }) : () -> ()
    }
    return
  }
}

#map = affine_map<(d0, d1) -> (0, 0)>
#map1 = affine_map<(d0, d1) -> (0)>
#map2 = affine_map<(d0, d1) -> (0, 0, 0)>
module attributes {stable_mosaic.version = 14 : i64} {
  func.func @_agg_body(%arg0: i32, %arg1: i32, %arg2: memref<10000x128xf32, #tpu.memory_space<hbm>>, %arg3: memref<320000xi32, #tpu.memory_space<hbm>>, %arg4: memref<320000xi32, #tpu.memory_space<hbm>>, %arg5: memref<2x10000x128xf32, #tpu.memory_space<hbm>>, %arg6: memref<10000x128xf32, #tpu.memory_space<vmem_shared>>, %arg7: memref<80x128xf32, #tpu.memory_space<vmem>>, %arg8: memref<80x128xf32, #tpu.memory_space<vmem>>, %arg9: memref<80x128xf32, #tpu.memory_space<vmem>>, %arg10: memref<10000xi32, #tpu.memory_space<vmem>>, %arg11: memref<80xi32, #tpu.memory_space<vmem>>, %arg12: memref<80xi32, #tpu.memory_space<vmem>>, %arg13: memref<80xi32, #tpu.memory_space<vmem>>, %arg14: memref<!tpu.dma_semaphore, #tpu.memory_space<semaphore_mem>>, %arg15: memref<!tpu.dma_semaphore, #tpu.memory_space<semaphore_mem>>, %arg16: memref<!tpu.dma_semaphore, #tpu.memory_space<semaphore_mem>>, %arg17: memref<!tpu.dma_semaphore, #tpu.memory_space<semaphore_mem>>, %arg18: memref<!tpu.dma_semaphore, #tpu.memory_space<semaphore_mem>>, %arg19: memref<!tpu.dma_semaphore, #tpu.memory_space<semaphore_mem>>, %arg20: memref<!tpu.dma_semaphore, #tpu.memory_space<semaphore_mem>>, %arg21: memref<!tpu.dma_semaphore, #tpu.memory_space<semaphore_mem>>, %arg22: memref<!tpu.dma_semaphore, #tpu.memory_space<semaphore_mem>>, %arg23: memref<!tpu.dma_semaphore, #tpu.memory_space<semaphore_mem>>) attributes {dimension_semantics = [#tpu.dimension_semantics<core_parallel>, #tpu.dimension_semantics<subcore_parallel>], iteration_bounds = array<i64: 2, 16>, scalar_prefetch = 0 : i64, scratch_operands = 18 : i64, tpu.core_type = #tpu.core_type<sc_vector_subcore>, window_params = [{transform_indices = #map}, {transform_indices = #map1}, {transform_indices = #map1}, {transform_indices = #map2}]} {
    %mul3A = arith.constant 16 : i32
    %mul3A_0 = arith.muli %arg0, %mul3A : i32
    %add3A = arith.addi %mul3A_0, %arg1 : i32
    %mul3A_1 = arith.constant 10000 : i32
    %mul3A_2 = arith.muli %add3A, %mul3A_1 : i32
    %dma_start3A = tpu.memref_slice %arg3[%mul3A_2] : memref<320000xi32, #tpu.memory_space<hbm>> -> memref<10000xi32, #tpu.memory_space<hbm>>
    %dma_start3A_3 = tpu.memref_slice %arg3[%mul3A_2] : memref<320000xi32, #tpu.memory_space<hbm>> -> memref<10000xi32, #tpu.memory_space<hbm>>
    tpu.enqueue_dma source(%dma_start3A_3 : memref<10000xi32, #tpu.memory_space<hbm>>) target(%arg10 : memref<10000xi32, #tpu.memory_space<vmem>>) target_semaphore(%arg23 : memref<!tpu.dma_semaphore, #tpu.memory_space<semaphore_mem>>)
    %scan3A = arith.constant 0 : i32
    %scan3A_4 = arith.constant 80 : i32
    %scan3A_5 = arith.addi %scan3A, %scan3A_4 : i32
    %scan3A_6 = arith.constant 1 : i32
    scf.for %scan3A_93 = %scan3A to %scan3A_5 step %scan3A_6  : i32 {
      %mul3A_94 = arith.constant 1 : i32
      %mul3A_95 = arith.muli %scan3A_93, %mul3A_94 : i32
      %add3A_96 = arith.constant 0 : i32
      %add3A_97 = arith.addi %add3A_96, %mul3A_95 : i32
      %scan3A_98 = arith.constant 0 : i32
      %scan3A_99 = arith.constant 8 : i32
      %scan3A_100 = arith.addi %scan3A_98, %scan3A_99 : i32
      %scan3A_101 = arith.constant 1 : i32
      scf.for %scan3A_103 = %scan3A_98 to %scan3A_100 step %scan3A_101  : i32 {
        %mul3A_104 = arith.constant 16 : i32
        %mul3A_105 = arith.muli %scan3A_103, %mul3A_104 : i32
        %add3A_106 = arith.constant 0 : i32
        %add3A_107 = arith.addi %add3A_106, %mul3A_105 : i32
        %broadcast_in_dim3A = arith.constant 0.000000e+00 : f32
        %broadcast_in_dim3A_108 = vector.broadcast %broadcast_in_dim3A : f32 to vector<16xf32>
        %swap3A = arith.index_cast %add3A_97 : i32 to index
        %swap3A_109 = arith.index_cast %add3A_107 : i32 to index
        %swap3A_110 = tpu.vector_load %arg7[%swap3A, %swap3A_109] {strides = array<i32>} : memref<80x128xf32, #tpu.memory_space<vmem>>, vector<1x16xf32>,
        %swap3A_111 = vector.shape_cast %swap3A_110 : vector<1x16xf32> to vector<16xf32>
        %swap3A_112 = vector.shape_cast %broadcast_in_dim3A_108 : vector<16xf32> to vector<1x16xf32>
        tpu.vector_store %arg7[%swap3A, %swap3A_109], %swap3A_112 {strides = array<i32>} : memref<80x128xf32, #tpu.memory_space<vmem>>, vector<1x16xf32>,
      }
      %scan3A_102 = arith.constant 8 : i32
    }
    %scan3A_7 = arith.constant 80 : i32
    %sub3A = arith.constant 125 : i32
    %sub3A_8 = arith.subi %sub3A, %arg1 : i32
    %sub3A_9 = arith.constant 16 : i32
    %sub3A_10 = arith.constant 1 : i32
    %sub3A_11 = arith.subi %sub3A_9, %sub3A_10 : i32
    %add3A_12 = arith.addi %sub3A_8, %sub3A_11 : i32
    %div3A = arith.constant 16 : i32
    %div3A_13 = arith.divsi %add3A_12, %div3A : i32
    %while3A = arith.constant 16 : i32
    %while3A_14 = arith.constant 0 : i32
    %while3A_15 = arith.subi %div3A_13, %while3A_14 : i32
    %while3A_16 = arith.addi %while3A_14, %while3A_15 : i32
    %while3A_17 = arith.constant 1 : i32
    %while3A_18 = arith.divsi %while3A_15, %while3A_17 : i32
    %while3A_19 = arith.muli %while3A_18, %while3A_17 : i32
    %while3A_20 = arith.addi %while3A_14, %while3A_19 : i32
    %while3A_21 = arith.constant 1 : i32
    scf.for %while3A_93 = %while3A_14 to %while3A_20 step %while3A_21  : i32 {
      %mul3A_94 = arith.muli %while3A_93, %while3A : i32
      %add3A_95 = arith.addi %arg1, %mul3A_94 : i32
      %mul3A_96 = arith.constant 80 : i32
      %mul3A_97 = arith.muli %add3A_95, %mul3A_96 : i32
      "tpu.region"() ({
        %run_scoped3A = tpu.sem_alloc : memref<!tpu.dma_semaphore, #tpu.memory_space<semaphore_mem>>
        %dma_start3A_98 = arith.constant 0 : i32
        %dma_start3A_99 = tpu.memref_slice %arg6[%mul3A_97, %dma_start3A_98] : memref<10000x128xf32, #tpu.memory_space<vmem_shared>> -> memref<80x128xf32, #tpu.memory_space<vmem_shared>>
        %dma_start3A_100 = arith.constant 0 : i32
        %dma_start3A_101 = tpu.memref_slice %arg6[%mul3A_97, %dma_start3A_100] : memref<10000x128xf32, #tpu.memory_space<vmem_shared>> -> memref<80x128xf32, #tpu.memory_space<vmem_shared>>
        tpu.enqueue_dma source(%arg7 : memref<80x128xf32, #tpu.memory_space<vmem>>) target(%dma_start3A_101 : memref<80x128xf32, #tpu.memory_space<vmem_shared>>) target_semaphore(%run_scoped3A : memref<!tpu.dma_semaphore, #tpu.memory_space<semaphore_mem>>)
        %dma_wait3A_102 = arith.constant 0 : i32
        %dma_wait3A_103 = tpu.memref_slice %arg6[%mul3A_97, %dma_wait3A_102] : memref<10000x128xf32, #tpu.memory_space<vmem_shared>> -> memref<80x128xf32, #tpu.memory_space<vmem_shared>>
        %dma_wait3A_104 = arith.constant 0 : i32
        %dma_wait3A_105 = tpu.memref_slice %arg6[%mul3A_97, %dma_wait3A_104] : memref<10000x128xf32, #tpu.memory_space<vmem_shared>> -> memref<80x128xf32, #tpu.memory_space<vmem_shared>>
        tpu.wait_dma2 semaphore(%run_scoped3A : memref<!tpu.dma_semaphore, #tpu.memory_space<semaphore_mem>>) src(%arg7 : memref<80x128xf32, #tpu.memory_space<vmem>>) dst(%dma_wait3A_105 : memref<80x128xf32, #tpu.memory_space<vmem_shared>>)
        tpu.yield
      }) : () -> ()
    }
    %while3A_22 = arith.constant 1 : i32
    scf.for %while3A_93 = %while3A_20 to %while3A_16 step %while3A_22  : i32 {
      %mul3A_94 = arith.muli %while3A_93, %while3A : i32
      %add3A_95 = arith.addi %arg1, %mul3A_94 : i32
      %mul3A_96 = arith.constant 80 : i32
      %mul3A_97 = arith.muli %add3A_95, %mul3A_96 : i32
      "tpu.region"() ({
        %run_scoped3A = tpu.sem_alloc : memref<!tpu.dma_semaphore, #tpu.memory_space<semaphore_mem>>
        %dma_start3A_98 = arith.constant 0 : i32
        %dma_start3A_99 = tpu.memref_slice %arg6[%mul3A_97, %dma_start3A_98] : memref<10000x128xf32, #tpu.memory_space<vmem_shared>> -> memref<80x128xf32, #tpu.memory_space<vmem_shared>>
        %dma_start3A_100 = arith.constant 0 : i32
        %dma_start3A_101 = tpu.memref_slice %arg6[%mul3A_97, %dma_start3A_100] : memref<10000x128xf32, #tpu.memory_space<vmem_shared>> -> memref<80x128xf32, #tpu.memory_space<vmem_shared>>
        tpu.enqueue_dma source(%arg7 : memref<80x128xf32, #tpu.memory_space<vmem>>) target(%dma_start3A_101 : memref<80x128xf32, #tpu.memory_space<vmem_shared>>) target_semaphore(%run_scoped3A : memref<!tpu.dma_semaphore, #tpu.memory_space<semaphore_mem>>)
        %dma_wait3A_102 = arith.constant 0 : i32
        %dma_wait3A_103 = tpu.memref_slice %arg6[%mul3A_97, %dma_wait3A_102] : memref<10000x128xf32, #tpu.memory_space<vmem_shared>> -> memref<80x128xf32, #tpu.memory_space<vmem_shared>>
        %dma_wait3A_104 = arith.constant 0 : i32
        %dma_wait3A_105 = tpu.memref_slice %arg6[%mul3A_97, %dma_wait3A_104] : memref<10000x128xf32, #tpu.memory_space<vmem_shared>> -> memref<80x128xf32, #tpu.memory_space<vmem_shared>>
        tpu.wait_dma2 semaphore(%run_scoped3A : memref<!tpu.dma_semaphore, #tpu.memory_space<semaphore_mem>>) src(%arg7 : memref<80x128xf32, #tpu.memory_space<vmem>>) dst(%dma_wait3A_105 : memref<80x128xf32, #tpu.memory_space<vmem_shared>>)
        tpu.yield
      }) : () -> ()
    }
    %dma_wait3A = tpu.memref_slice %arg3[%mul3A_2] : memref<320000xi32, #tpu.memory_space<hbm>> -> memref<10000xi32, #tpu.memory_space<hbm>>
    %dma_wait3A_23 = tpu.memref_slice %arg3[%mul3A_2] : memref<320000xi32, #tpu.memory_space<hbm>> -> memref<10000xi32, #tpu.memory_space<hbm>>
    tpu.wait_dma2 semaphore(%arg23 : memref<!tpu.dma_semaphore, #tpu.memory_space<semaphore_mem>>) src(%dma_wait3A_23 : memref<10000xi32, #tpu.memory_space<hbm>>) dst(%arg10 : memref<10000xi32, #tpu.memory_space<vmem>>)
    %barrier3A = arith.constant 0 : index
    tpu.barrier barrier_id(%barrier3A)
    %add3A_24 = arith.constant 0 : i32
    %add3A_25 = arith.addi %mul3A_2, %add3A_24 : i32
    %dma_start3A_26 = tpu.memref_slice %arg4[%add3A_25] : memref<320000xi32, #tpu.memory_space<hbm>> -> memref<80xi32, #tpu.memory_space<hbm>>
    %dma_start3A_27 = tpu.memref_slice %arg4[%add3A_25] : memref<320000xi32, #tpu.memory_space<hbm>> -> memref<80xi32, #tpu.memory_space<hbm>>
    tpu.enqueue_dma source(%dma_start3A_27 : memref<80xi32, #tpu.memory_space<hbm>>) target(%arg11 : memref<80xi32, #tpu.memory_space<vmem>>) target_semaphore(%arg20 : memref<!tpu.dma_semaphore, #tpu.memory_space<semaphore_mem>>)
    %dma_start3A_28 = arith.constant 0 : i32
    %dma_start3A_29 = tpu.memref_slice %arg10[%dma_start3A_28] : memref<10000xi32, #tpu.memory_space<vmem>> -> memref<80xi32, #tpu.memory_space<vmem>>
    %dma_start3A_30 = arith.constant 0 : i32
    %dma_start3A_31 = arith.constant 0 : i32
    %dma_start3A_32 = tpu.memref_slice %arg2[%dma_start3A_30, %dma_start3A_31] : memref<10000x128xf32, #tpu.memory_space<hbm>> -> memref<10000x128xf32, #tpu.memory_space<hbm>>
    tpu.enqueue_indirect_dma source(%dma_start3A_32 : memref<10000x128xf32, #tpu.memory_space<hbm>>) target(%arg7 : memref<80x128xf32, #tpu.memory_space<vmem>>) offsets(%dma_start3A_29 : memref<80xi32, #tpu.memory_space<vmem>>) semaphore(%arg14 : memref<!tpu.dma_semaphore, #tpu.memory_space<semaphore_mem>>)
    %add3A_33 = arith.constant 80 : i32
    %add3A_34 = arith.addi %mul3A_2, %add3A_33 : i32
    %dma_start3A_35 = tpu.memref_slice %arg4[%add3A_34] : memref<320000xi32, #tpu.memory_space<hbm>> -> memref<80xi32, #tpu.memory_space<hbm>>
    %dma_start3A_36 = tpu.memref_slice %arg4[%add3A_34] : memref<320000xi32, #tpu.memory_space<hbm>> -> memref<80xi32, #tpu.memory_space<hbm>>
    tpu.enqueue_dma source(%dma_start3A_36 : memref<80xi32, #tpu.memory_space<hbm>>) target(%arg12 : memref<80xi32, #tpu.memory_space<vmem>>) target_semaphore(%arg21 : memref<!tpu.dma_semaphore, #tpu.memory_space<semaphore_mem>>)
    %dma_start3A_37 = arith.constant 80 : i32
    %dma_start3A_38 = tpu.memref_slice %arg10[%dma_start3A_37] : memref<10000xi32, #tpu.memory_space<vmem>> -> memref<80xi32, #tpu.memory_space<vmem>>
    %dma_start3A_39 = arith.constant 0 : i32
    %dma_start3A_40 = arith.constant 0 : i32
    %dma_start3A_41 = tpu.memref_slice %arg2[%dma_start3A_39, %dma_start3A_40] : memref<10000x128xf32, #tpu.memory_space<hbm>> -> memref<10000x128xf32, #tpu.memory_space<hbm>>
    tpu.enqueue_indirect_dma source(%dma_start3A_41 : memref<10000x128xf32, #tpu.memory_space<hbm>>) target(%arg8 : memref<80x128xf32, #tpu.memory_space<vmem>>) offsets(%dma_start3A_38 : memref<80xi32, #tpu.memory_space<vmem>>) semaphore(%arg15 : memref<!tpu.dma_semaphore, #tpu.memory_space<semaphore_mem>>)
    %add3A_42 = arith.constant 160 : i32
    %add3A_43 = arith.addi %mul3A_2, %add3A_42 : i32
    %dma_start3A_44 = tpu.memref_slice %arg4[%add3A_43] : memref<320000xi32, #tpu.memory_space<hbm>> -> memref<80xi32, #tpu.memory_space<hbm>>
    %dma_start3A_45 = tpu.memref_slice %arg4[%add3A_43] : memref<320000xi32, #tpu.memory_space<hbm>> -> memref<80xi32, #tpu.memory_space<hbm>>
    tpu.enqueue_dma source(%dma_start3A_45 : memref<80xi32, #tpu.memory_space<hbm>>) target(%arg13 : memref<80xi32, #tpu.memory_space<vmem>>) target_semaphore(%arg22 : memref<!tpu.dma_semaphore, #tpu.memory_space<semaphore_mem>>)
    %dma_start3A_46 = arith.constant 160 : i32
    %dma_start3A_47 = tpu.memref_slice %arg10[%dma_start3A_46] : memref<10000xi32, #tpu.memory_space<vmem>> -> memref<80xi32, #tpu.memory_space<vmem>>
    %dma_start3A_48 = arith.constant 0 : i32
    %dma_start3A_49 = arith.constant 0 : i32
    %dma_start3A_50 = tpu.memref_slice %arg2[%dma_start3A_48, %dma_start3A_49] : memref<10000x128xf32, #tpu.memory_space<hbm>> -> memref<10000x128xf32, #tpu.memory_space<hbm>>
    tpu.enqueue_indirect_dma source(%dma_start3A_50 : memref<10000x128xf32, #tpu.memory_space<hbm>>) target(%arg9 : memref<80x128xf32, #tpu.memory_space<vmem>>) offsets(%dma_start3A_47 : memref<80xi32, #tpu.memory_space<vmem>>) semaphore(%arg16 : memref<!tpu.dma_semaphore, #tpu.memory_space<semaphore_mem>>)
    %scan3A_51 = arith.constant 0 : i32
    %scan3A_52 = arith.constant 41 : i32
    %scan3A_53 = arith.addi %scan3A_51, %scan3A_52 : i32
    %scan3A_54 = arith.constant 1 : i32
    scf.for %scan3A_93 = %scan3A_51 to %scan3A_53 step %scan3A_54  : i32 {
      %mul3A_94 = arith.constant 1 : i32
      %mul3A_95 = arith.muli %scan3A_93, %mul3A_94 : i32
      %add3A_96 = arith.constant 0 : i32
      %add3A_97 = arith.addi %add3A_96, %mul3A_95 : i32
      %mul3A_98 = arith.constant 3 : i32
      %mul3A_99 = arith.muli %mul3A_98, %add3A_97 : i32
      %add3A_100 = arith.constant 0 : i32
      %add3A_101 = arith.addi %mul3A_99, %add3A_100 : i32
      %mul3A_102 = arith.constant 80 : i32
      %mul3A_103 = arith.muli %add3A_101, %mul3A_102 : i32
      %dma_wait3A_104 = tpu.memref_slice %arg10[%mul3A_103] : memref<10000xi32, #tpu.memory_space<vmem>> -> memref<80xi32, #tpu.memory_space<vmem>>
      %dma_wait3A_105 = arith.constant 0 : i32
      %dma_wait3A_106 = arith.constant 0 : i32
      %dma_wait3A_107 = tpu.memref_slice %arg2[%dma_wait3A_105, %dma_wait3A_106] : memref<10000x128xf32, #tpu.memory_space<hbm>> -> memref<10000x128xf32, #tpu.memory_space<hbm>>
      tpu.wait_indirect_dma semaphore(%arg14 : memref<!tpu.dma_semaphore, #tpu.memory_space<semaphore_mem>>) src(%dma_wait3A_107 : memref<10000x128xf32, #tpu.memory_space<hbm>>) dst(%arg7 : memref<80x128xf32, #tpu.memory_space<vmem>>)
      %add3A_108 = arith.constant 0 : i32
      %add3A_109 = arith.addi %mul3A_99, %add3A_108 : i32
      %mul3A_110 = arith.constant 80 : i32
      %mul3A_111 = arith.muli %add3A_109, %mul3A_110 : i32
      %add3A_112 = arith.addi %mul3A_2, %mul3A_111 : i32
      %dma_wait3A_113 = tpu.memref_slice %arg4[%add3A_112] : memref<320000xi32, #tpu.memory_space<hbm>> -> memref<80xi32, #tpu.memory_space<hbm>>
      %dma_wait3A_114 = tpu.memref_slice %arg4[%add3A_112] : memref<320000xi32, #tpu.memory_space<hbm>> -> memref<80xi32, #tpu.memory_space<hbm>>
      tpu.wait_dma2 semaphore(%arg20 : memref<!tpu.dma_semaphore, #tpu.memory_space<semaphore_mem>>) src(%dma_wait3A_114 : memref<80xi32, #tpu.memory_space<hbm>>) dst(%arg11 : memref<80xi32, #tpu.memory_space<vmem>>)
      %dma_start3A_115 = arith.constant 0 : i32
      %dma_start3A_116 = arith.constant 0 : i32
      %dma_start3A_117 = tpu.memref_slice %arg6[%dma_start3A_115, %dma_start3A_116] : memref<10000x128xf32, #tpu.memory_space<vmem_shared>> -> memref<10000x128xf32, #tpu.memory_space<vmem_shared>>
      tpu.enqueue_indirect_dma source(%arg7 : memref<80x128xf32, #tpu.memory_space<vmem>>) target(%dma_start3A_117 : memref<10000x128xf32, #tpu.memory_space<vmem_shared>>) offsets(%arg11 : memref<80xi32, #tpu.memory_space<vmem>>) semaphore(%arg17 : memref<!tpu.dma_semaphore, #tpu.memory_space<semaphore_mem>>) {add = true}
      %add3A_118 = arith.constant 1 : i32
      %add3A_119 = arith.addi %mul3A_99, %add3A_118 : i32
      %mul3A_120 = arith.constant 80 : i32
      %mul3A_121 = arith.muli %add3A_119, %mul3A_120 : i32
      %dma_wait3A_122 = tpu.memref_slice %arg10[%mul3A_121] : memref<10000xi32, #tpu.memory_space<vmem>> -> memref<80xi32, #tpu.memory_space<vmem>>
      %dma_wait3A_123 = arith.constant 0 : i32
      %dma_wait3A_124 = arith.constant 0 : i32
      %dma_wait3A_125 = tpu.memref_slice %arg2[%dma_wait3A_123, %dma_wait3A_124] : memref<10000x128xf32, #tpu.memory_space<hbm>> -> memref<10000x128xf32, #tpu.memory_space<hbm>>
      tpu.wait_indirect_dma semaphore(%arg15 : memref<!tpu.dma_semaphore, #tpu.memory_space<semaphore_mem>>) src(%dma_wait3A_125 : memref<10000x128xf32, #tpu.memory_space<hbm>>) dst(%arg8 : memref<80x128xf32, #tpu.memory_space<vmem>>)
      %add3A_126 = arith.constant 1 : i32
      %add3A_127 = arith.addi %mul3A_99, %add3A_126 : i32
      %mul3A_128 = arith.constant 80 : i32
      %mul3A_129 = arith.muli %add3A_127, %mul3A_128 : i32
      %add3A_130 = arith.addi %mul3A_2, %mul3A_129 : i32
      %dma_wait3A_131 = tpu.memref_slice %arg4[%add3A_130] : memref<320000xi32, #tpu.memory_space<hbm>> -> memref<80xi32, #tpu.memory_space<hbm>>
      %dma_wait3A_132 = tpu.memref_slice %arg4[%add3A_130] : memref<320000xi32, #tpu.memory_space<hbm>> -> memref<80xi32, #tpu.memory_space<hbm>>
      tpu.wait_dma2 semaphore(%arg21 : memref<!tpu.dma_semaphore, #tpu.memory_space<semaphore_mem>>) src(%dma_wait3A_132 : memref<80xi32, #tpu.memory_space<hbm>>) dst(%arg12 : memref<80xi32, #tpu.memory_space<vmem>>)
      %dma_start3A_133 = arith.constant 0 : i32
      %dma_start3A_134 = arith.constant 0 : i32
      %dma_start3A_135 = tpu.memref_slice %arg6[%dma_start3A_133, %dma_start3A_134] : memref<10000x128xf32, #tpu.memory_space<vmem_shared>> -> memref<10000x128xf32, #tpu.memory_space<vmem_shared>>
      tpu.enqueue_indirect_dma source(%arg8 : memref<80x128xf32, #tpu.memory_space<vmem>>) target(%dma_start3A_135 : memref<10000x128xf32, #tpu.memory_space<vmem_shared>>) offsets(%arg12 : memref<80xi32, #tpu.memory_space<vmem>>) semaphore(%arg18 : memref<!tpu.dma_semaphore, #tpu.memory_space<semaphore_mem>>) {add = true}
      %add3A_136 = arith.constant 2 : i32
      %add3A_137 = arith.addi %mul3A_99, %add3A_136 : i32
      %mul3A_138 = arith.constant 80 : i32
      %mul3A_139 = arith.muli %add3A_137, %mul3A_138 : i32
      %dma_wait3A_140 = tpu.memref_slice %arg10[%mul3A_139] : memref<10000xi32, #tpu.memory_space<vmem>> -> memref<80xi32, #tpu.memory_space<vmem>>
      %dma_wait3A_141 = arith.constant 0 : i32
      %dma_wait3A_142 = arith.constant 0 : i32
      %dma_wait3A_143 = tpu.memref_slice %arg2[%dma_wait3A_141, %dma_wait3A_142] : memref<10000x128xf32, #tpu.memory_space<hbm>> -> memref<10000x128xf32, #tpu.memory_space<hbm>>
      tpu.wait_indirect_dma semaphore(%arg16 : memref<!tpu.dma_semaphore, #tpu.memory_space<semaphore_mem>>) src(%dma_wait3A_143 : memref<10000x128xf32, #tpu.memory_space<hbm>>) dst(%arg9 : memref<80x128xf32, #tpu.memory_space<vmem>>)
      %add3A_144 = arith.constant 2 : i32
      %add3A_145 = arith.addi %mul3A_99, %add3A_144 : i32
      %mul3A_146 = arith.constant 80 : i32
      %mul3A_147 = arith.muli %add3A_145, %mul3A_146 : i32
      %add3A_148 = arith.addi %mul3A_2, %mul3A_147 : i32
      %dma_wait3A_149 = tpu.memref_slice %arg4[%add3A_148] : memref<320000xi32, #tpu.memory_space<hbm>> -> memref<80xi32, #tpu.memory_space<hbm>>
      %dma_wait3A_150 = tpu.memref_slice %arg4[%add3A_148] : memref<320000xi32, #tpu.memory_space<hbm>> -> memref<80xi32, #tpu.memory_space<hbm>>
      tpu.wait_dma2 semaphore(%arg22 : memref<!tpu.dma_semaphore, #tpu.memory_space<semaphore_mem>>) src(%dma_wait3A_150 : memref<80xi32, #tpu.memory_space<hbm>>) dst(%arg13 : memref<80xi32, #tpu.memory_space<vmem>>)
      %dma_start3A_151 = arith.constant 0 : i32
      %dma_start3A_152 = arith.constant 0 : i32
      %dma_start3A_153 = tpu.memref_slice %arg6[%dma_start3A_151, %dma_start3A_152] : memref<10000x128xf32, #tpu.memory_space<vmem_shared>> -> memref<10000x128xf32, #tpu.memory_space<vmem_shared>>
      tpu.enqueue_indirect_dma source(%arg9 : memref<80x128xf32, #tpu.memory_space<vmem>>) target(%dma_start3A_153 : memref<10000x128xf32, #tpu.memory_space<vmem_shared>>) offsets(%arg13 : memref<80xi32, #tpu.memory_space<vmem>>) semaphore(%arg19 : memref<!tpu.dma_semaphore, #tpu.memory_space<semaphore_mem>>) {add = true}
      %dma_wait3A_154 = arith.constant 0 : i32
      %dma_wait3A_155 = arith.constant 0 : i32
      %dma_wait3A_156 = tpu.memref_slice %arg6[%dma_wait3A_154, %dma_wait3A_155] : memref<10000x128xf32, #tpu.memory_space<vmem_shared>> -> memref<10000x128xf32, #tpu.memory_space<vmem_shared>>
      tpu.wait_indirect_dma semaphore(%arg17 : memref<!tpu.dma_semaphore, #tpu.memory_space<semaphore_mem>>) src(%arg7 : memref<80x128xf32, #tpu.memory_space<vmem>>) dst(%dma_wait3A_156 : memref<10000x128xf32, #tpu.memory_space<vmem_shared>>)
      %add3A_157 = arith.constant 3 : i32
      %add3A_158 = arith.addi %mul3A_99, %add3A_157 : i32
      %add3A_159 = arith.constant 0 : i32
      %add3A_160 = arith.addi %add3A_158, %add3A_159 : i32
      %lt3A = arith.constant 125 : i32
      %lt3A_161 = arith.cmpi slt, %add3A_160, %lt3A : i32
      %convert_element_type3A = arith.extui %lt3A_161 : i1 to i32
      %cond3A = arith.constant 0 : i32
      %cond3A_162 = arith.cmpi ne, %convert_element_type3A, %cond3A : i32
      scf.if %cond3A_162 {
        %add3A_187 = arith.constant 3 : i32
        %add3A_188 = arith.addi %mul3A_99, %add3A_187 : i32
        %add3A_189 = arith.constant 0 : i32
        %add3A_190 = arith.addi %add3A_188, %add3A_189 : i32
        %mul3A_191 = arith.constant 80 : i32
        %mul3A_192 = arith.muli %add3A_190, %mul3A_191 : i32
        %add3A_193 = arith.addi %mul3A_2, %mul3A_192 : i32
        %dma_start3A_194 = tpu.memref_slice %arg4[%add3A_193] : memref<320000xi32, #tpu.memory_space<hbm>> -> memref<80xi32, #tpu.memory_space<hbm>>
        %dma_start3A_195 = tpu.memref_slice %arg4[%add3A_193] : memref<320000xi32, #tpu.memory_space<hbm>> -> memref<80xi32, #tpu.memory_space<hbm>>
        tpu.enqueue_dma source(%dma_start3A_195 : memref<80xi32, #tpu.memory_space<hbm>>) target(%arg11 : memref<80xi32, #tpu.memory_space<vmem>>) target_semaphore(%arg20 : memref<!tpu.dma_semaphore, #tpu.memory_space<semaphore_mem>>)
        %add3A_196 = arith.constant 3 : i32
        %add3A_197 = arith.addi %mul3A_99, %add3A_196 : i32
        %add3A_198 = arith.constant 0 : i32
        %add3A_199 = arith.addi %add3A_197, %add3A_198 : i32
        %mul3A_200 = arith.constant 80 : i32
        %mul3A_201 = arith.muli %add3A_199, %mul3A_200 : i32
        %dma_start3A_202 = tpu.memref_slice %arg10[%mul3A_201] : memref<10000xi32, #tpu.memory_space<vmem>> -> memref<80xi32, #tpu.memory_space<vmem>>
        %dma_start3A_203 = arith.constant 0 : i32
        %dma_start3A_204 = arith.constant 0 : i32
        %dma_start3A_205 = tpu.memref_slice %arg2[%dma_start3A_203, %dma_start3A_204] : memref<10000x128xf32, #tpu.memory_space<hbm>> -> memref<10000x128xf32, #tpu.memory_space<hbm>>
        tpu.enqueue_indirect_dma source(%dma_start3A_205 : memref<10000x128xf32, #tpu.memory_space<hbm>>) target(%arg7 : memref<80x128xf32, #tpu.memory_space<vmem>>) offsets(%dma_start3A_202 : memref<80xi32, #tpu.memory_space<vmem>>) semaphore(%arg14 : memref<!tpu.dma_semaphore, #tpu.memory_space<semaphore_mem>>)
      } else {
      }
      %dma_wait3A_163 = arith.constant 0 : i32
      %dma_wait3A_164 = arith.constant 0 : i32
      %dma_wait3A_165 = tpu.memref_slice %arg6[%dma_wait3A_163, %dma_wait3A_164] : memref<10000x128xf32, #tpu.memory_space<vmem_shared>> -> memref<10000x128xf32, #tpu.memory_space<vmem_shared>>
      tpu.wait_indirect_dma semaphore(%arg18 : memref<!tpu.dma_semaphore, #tpu.memory_space<semaphore_mem>>) src(%arg8 : memref<80x128xf32, #tpu.memory_space<vmem>>) dst(%dma_wait3A_165 : memref<10000x128xf32, #tpu.memory_space<vmem_shared>>)
      %add3A_166 = arith.constant 3 : i32
      %add3A_167 = arith.addi %mul3A_99, %add3A_166 : i32
      %add3A_168 = arith.constant 1 : i32
      %add3A_169 = arith.addi %add3A_167, %add3A_168 : i32
      %lt3A_170 = arith.constant 125 : i32
      %lt3A_171 = arith.cmpi slt, %add3A_169, %lt3A_170 : i32
      %convert_element_type3A_172 = arith.extui %lt3A_171 : i1 to i32
      %cond3A_173 = arith.constant 0 : i32
      %cond3A_174 = arith.cmpi ne, %convert_element_type3A_172, %cond3A_173 : i32
      scf.if %cond3A_174 {
        %add3A_187 = arith.constant 3 : i32
        %add3A_188 = arith.addi %mul3A_99, %add3A_187 : i32
        %add3A_189 = arith.constant 1 : i32
        %add3A_190 = arith.addi %add3A_188, %add3A_189 : i32
        %mul3A_191 = arith.constant 80 : i32
        %mul3A_192 = arith.muli %add3A_190, %mul3A_191 : i32
        %add3A_193 = arith.addi %mul3A_2, %mul3A_192 : i32
        %dma_start3A_194 = tpu.memref_slice %arg4[%add3A_193] : memref<320000xi32, #tpu.memory_space<hbm>> -> memref<80xi32, #tpu.memory_space<hbm>>
        %dma_start3A_195 = tpu.memref_slice %arg4[%add3A_193] : memref<320000xi32, #tpu.memory_space<hbm>> -> memref<80xi32, #tpu.memory_space<hbm>>
        tpu.enqueue_dma source(%dma_start3A_195 : memref<80xi32, #tpu.memory_space<hbm>>) target(%arg12 : memref<80xi32, #tpu.memory_space<vmem>>) target_semaphore(%arg21 : memref<!tpu.dma_semaphore, #tpu.memory_space<semaphore_mem>>)
        %add3A_196 = arith.constant 3 : i32
        %add3A_197 = arith.addi %mul3A_99, %add3A_196 : i32
        %add3A_198 = arith.constant 1 : i32
        %add3A_199 = arith.addi %add3A_197, %add3A_198 : i32
        %mul3A_200 = arith.constant 80 : i32
        %mul3A_201 = arith.muli %add3A_199, %mul3A_200 : i32
        %dma_start3A_202 = tpu.memref_slice %arg10[%mul3A_201] : memref<10000xi32, #tpu.memory_space<vmem>> -> memref<80xi32, #tpu.memory_space<vmem>>
        %dma_start3A_203 = arith.constant 0 : i32
        %dma_start3A_204 = arith.constant 0 : i32
        %dma_start3A_205 = tpu.memref_slice %arg2[%dma_start3A_203, %dma_start3A_204] : memref<10000x128xf32, #tpu.memory_space<hbm>> -> memref<10000x128xf32, #tpu.memory_space<hbm>>
        tpu.enqueue_indirect_dma source(%dma_start3A_205 : memref<10000x128xf32, #tpu.memory_space<hbm>>) target(%arg8 : memref<80x128xf32, #tpu.memory_space<vmem>>) offsets(%dma_start3A_202 : memref<80xi32, #tpu.memory_space<vmem>>) semaphore(%arg15 : memref<!tpu.dma_semaphore, #tpu.memory_space<semaphore_mem>>)
      } else {
      }
      %dma_wait3A_175 = arith.constant 0 : i32
      %dma_wait3A_176 = arith.constant 0 : i32
      %dma_wait3A_177 = tpu.memref_slice %arg6[%dma_wait3A_175, %dma_wait3A_176] : memref<10000x128xf32, #tpu.memory_space<vmem_shared>> -> memref<10000x128xf32, #tpu.memory_space<vmem_shared>>
      tpu.wait_indirect_dma semaphore(%arg19 : memref<!tpu.dma_semaphore, #tpu.memory_space<semaphore_mem>>) src(%arg9 : memref<80x128xf32, #tpu.memory_space<vmem>>) dst(%dma_wait3A_177 : memref<10000x128xf32, #tpu.memory_space<vmem_shared>>)
      %add3A_178 = arith.constant 3 : i32
      %add3A_179 = arith.addi %mul3A_99, %add3A_178 : i32
      %add3A_180 = arith.constant 2 : i32
      %add3A_181 = arith.addi %add3A_179, %add3A_180 : i32
      %lt3A_182 = arith.constant 125 : i32
      %lt3A_183 = arith.cmpi slt, %add3A_181, %lt3A_182 : i32
      %convert_element_type3A_184 = arith.extui %lt3A_183 : i1 to i32
      %cond3A_185 = arith.constant 0 : i32
      %cond3A_186 = arith.cmpi ne, %convert_element_type3A_184, %cond3A_185 : i32
      scf.if %cond3A_186 {
        %add3A_187 = arith.constant 3 : i32
        %add3A_188 = arith.addi %mul3A_99, %add3A_187 : i32
        %add3A_189 = arith.constant 2 : i32
        %add3A_190 = arith.addi %add3A_188, %add3A_189 : i32
        %mul3A_191 = arith.constant 80 : i32
        %mul3A_192 = arith.muli %add3A_190, %mul3A_191 : i32
        %add3A_193 = arith.addi %mul3A_2, %mul3A_192 : i32
        %dma_start3A_194 = tpu.memref_slice %arg4[%add3A_193] : memref<320000xi32, #tpu.memory_space<hbm>> -> memref<80xi32, #tpu.memory_space<hbm>>
        %dma_start3A_195 = tpu.memref_slice %arg4[%add3A_193] : memref<320000xi32, #tpu.memory_space<hbm>> -> memref<80xi32, #tpu.memory_space<hbm>>
        tpu.enqueue_dma source(%dma_start3A_195 : memref<80xi32, #tpu.memory_space<hbm>>) target(%arg13 : memref<80xi32, #tpu.memory_space<vmem>>) target_semaphore(%arg22 : memref<!tpu.dma_semaphore, #tpu.memory_space<semaphore_mem>>)
        %add3A_196 = arith.constant 3 : i32
        %add3A_197 = arith.addi %mul3A_99, %add3A_196 : i32
        %add3A_198 = arith.constant 2 : i32
        %add3A_199 = arith.addi %add3A_197, %add3A_198 : i32
        %mul3A_200 = arith.constant 80 : i32
        %mul3A_201 = arith.muli %add3A_199, %mul3A_200 : i32
        %dma_start3A_202 = tpu.memref_slice %arg10[%mul3A_201] : memref<10000xi32, #tpu.memory_space<vmem>> -> memref<80xi32, #tpu.memory_space<vmem>>
        %dma_start3A_203 = arith.constant 0 : i32
        %dma_start3A_204 = arith.constant 0 : i32
        %dma_start3A_205 = tpu.memref_slice %arg2[%dma_start3A_203, %dma_start3A_204] : memref<10000x128xf32, #tpu.memory_space<hbm>> -> memref<10000x128xf32, #tpu.memory_space<hbm>>
        tpu.enqueue_indirect_dma source(%dma_start3A_205 : memref<10000x128xf32, #tpu.memory_space<hbm>>) target(%arg9 : memref<80x128xf32, #tpu.memory_space<vmem>>) offsets(%dma_start3A_202 : memref<80xi32, #tpu.memory_space<vmem>>) semaphore(%arg16 : memref<!tpu.dma_semaphore, #tpu.memory_space<semaphore_mem>>)
      } else {
      }
    }
    %scan3A_55 = arith.constant 41 : i32
    %dma_wait3A_56 = arith.constant 9840 : i32
    %dma_wait3A_57 = tpu.memref_slice %arg10[%dma_wait3A_56] : memref<10000xi32, #tpu.memory_space<vmem>> -> memref<80xi32, #tpu.memory_space<vmem>>
    %dma_wait3A_58 = arith.constant 0 : i32
    %dma_wait3A_59 = arith.constant 0 : i32
    %dma_wait3A_60 = tpu.memref_slice %arg2[%dma_wait3A_58, %dma_wait3A_59] : memref<10000x128xf32, #tpu.memory_space<hbm>> -> memref<10000x128xf32, #tpu.memory_space<hbm>>
    tpu.wait_indirect_dma semaphore(%arg14 : memref<!tpu.dma_semaphore, #tpu.memory_space<semaphore_mem>>) src(%dma_wait3A_60 : memref<10000x128xf32, #tpu.memory_space<hbm>>) dst(%arg7 : memref<80x128xf32, #tpu.memory_space<vmem>>)
    %add3A_61 = arith.constant 9840 : i32
    %add3A_62 = arith.addi %mul3A_2, %add3A_61 : i32
    %dma_wait3A_63 = tpu.memref_slice %arg4[%add3A_62] : memref<320000xi32, #tpu.memory_space<hbm>> -> memref<80xi32, #tpu.memory_space<hbm>>
    %dma_wait3A_64 = tpu.memref_slice %arg4[%add3A_62] : memref<320000xi32, #tpu.memory_space<hbm>> -> memref<80xi32, #tpu.memory_space<hbm>>
    tpu.wait_dma2 semaphore(%arg20 : memref<!tpu.dma_semaphore, #tpu.memory_space<semaphore_mem>>) src(%dma_wait3A_64 : memref<80xi32, #tpu.memory_space<hbm>>) dst(%arg11 : memref<80xi32, #tpu.memory_space<vmem>>)
    "tpu.region"() ({
      %run_scoped3A = tpu.sem_alloc : memref<!tpu.dma_semaphore, #tpu.memory_space<semaphore_mem>>
      %dma_start3A_93 = arith.constant 0 : i32
      %dma_start3A_94 = arith.constant 0 : i32
      %dma_start3A_95 = tpu.memref_slice %arg6[%dma_start3A_93, %dma_start3A_94] : memref<10000x128xf32, #tpu.memory_space<vmem_shared>> -> memref<10000x128xf32, #tpu.memory_space<vmem_shared>>
      tpu.enqueue_indirect_dma source(%arg7 : memref<80x128xf32, #tpu.memory_space<vmem>>) target(%dma_start3A_95 : memref<10000x128xf32, #tpu.memory_space<vmem_shared>>) offsets(%arg11 : memref<80xi32, #tpu.memory_space<vmem>>) semaphore(%run_scoped3A : memref<!tpu.dma_semaphore, #tpu.memory_space<semaphore_mem>>) {add = true}
      %dma_wait3A_96 = arith.constant 0 : i32
      %dma_wait3A_97 = arith.constant 0 : i32
      %dma_wait3A_98 = tpu.memref_slice %arg6[%dma_wait3A_96, %dma_wait3A_97] : memref<10000x128xf32, #tpu.memory_space<vmem_shared>> -> memref<10000x128xf32, #tpu.memory_space<vmem_shared>>
      tpu.wait_indirect_dma semaphore(%run_scoped3A : memref<!tpu.dma_semaphore, #tpu.memory_space<semaphore_mem>>) src(%arg7 : memref<80x128xf32, #tpu.memory_space<vmem>>) dst(%dma_wait3A_98 : memref<10000x128xf32, #tpu.memory_space<vmem_shared>>)
      tpu.yield
    }) : () -> ()
    %dma_wait3A_65 = arith.constant 9920 : i32
    %dma_wait3A_66 = tpu.memref_slice %arg10[%dma_wait3A_65] : memref<10000xi32, #tpu.memory_space<vmem>> -> memref<80xi32, #tpu.memory_space<vmem>>
    %dma_wait3A_67 = arith.constant 0 : i32
    %dma_wait3A_68 = arith.constant 0 : i32
    %dma_wait3A_69 = tpu.memref_slice %arg2[%dma_wait3A_67, %dma_wait3A_68] : memref<10000x128xf32, #tpu.memory_space<hbm>> -> memref<10000x128xf32, #tpu.memory_space<hbm>>
    tpu.wait_indirect_dma semaphore(%arg15 : memref<!tpu.dma_semaphore, #tpu.memory_space<semaphore_mem>>) src(%dma_wait3A_69 : memref<10000x128xf32, #tpu.memory_space<hbm>>) dst(%arg8 : memref<80x128xf32, #tpu.memory_space<vmem>>)
    %add3A_70 = arith.constant 9920 : i32
    %add3A_71 = arith.addi %mul3A_2, %add3A_70 : i32
    %dma_wait3A_72 = tpu.memref_slice %arg4[%add3A_71] : memref<320000xi32, #tpu.memory_space<hbm>> -> memref<80xi32, #tpu.memory_space<hbm>>
    %dma_wait3A_73 = tpu.memref_slice %arg4[%add3A_71] : memref<320000xi32, #tpu.memory_space<hbm>> -> memref<80xi32, #tpu.memory_space<hbm>>
    tpu.wait_dma2 semaphore(%arg21 : memref<!tpu.dma_semaphore, #tpu.memory_space<semaphore_mem>>) src(%dma_wait3A_73 : memref<80xi32, #tpu.memory_space<hbm>>) dst(%arg12 : memref<80xi32, #tpu.memory_space<vmem>>)
    "tpu.region"() ({
      %run_scoped3A = tpu.sem_alloc : memref<!tpu.dma_semaphore, #tpu.memory_space<semaphore_mem>>
      %dma_start3A_93 = arith.constant 0 : i32
      %dma_start3A_94 = arith.constant 0 : i32
      %dma_start3A_95 = tpu.memref_slice %arg6[%dma_start3A_93, %dma_start3A_94] : memref<10000x128xf32, #tpu.memory_space<vmem_shared>> -> memref<10000x128xf32, #tpu.memory_space<vmem_shared>>
      tpu.enqueue_indirect_dma source(%arg8 : memref<80x128xf32, #tpu.memory_space<vmem>>) target(%dma_start3A_95 : memref<10000x128xf32, #tpu.memory_space<vmem_shared>>) offsets(%arg12 : memref<80xi32, #tpu.memory_space<vmem>>) semaphore(%run_scoped3A : memref<!tpu.dma_semaphore, #tpu.memory_space<semaphore_mem>>) {add = true}
      %dma_wait3A_96 = arith.constant 0 : i32
      %dma_wait3A_97 = arith.constant 0 : i32
      %dma_wait3A_98 = tpu.memref_slice %arg6[%dma_wait3A_96, %dma_wait3A_97] : memref<10000x128xf32, #tpu.memory_space<vmem_shared>> -> memref<10000x128xf32, #tpu.memory_space<vmem_shared>>
      tpu.wait_indirect_dma semaphore(%run_scoped3A : memref<!tpu.dma_semaphore, #tpu.memory_space<semaphore_mem>>) src(%arg8 : memref<80x128xf32, #tpu.memory_space<vmem>>) dst(%dma_wait3A_98 : memref<10000x128xf32, #tpu.memory_space<vmem_shared>>)
      tpu.yield
    }) : () -> ()
    %barrier3A_74 = arith.constant 0 : index
    tpu.barrier barrier_id(%barrier3A_74)
    %sub3A_75 = arith.constant 125 : i32
    %sub3A_76 = arith.subi %sub3A_75, %arg1 : i32
    %sub3A_77 = arith.constant 16 : i32
    %sub3A_78 = arith.constant 1 : i32
    %sub3A_79 = arith.subi %sub3A_77, %sub3A_78 : i32
    %add3A_80 = arith.addi %sub3A_76, %sub3A_79 : i32
    %div3A_81 = arith.constant 16 : i32
    %div3A_82 = arith.divsi %add3A_80, %div3A_81 : i32
    %while3A_83 = arith.constant 16 : i32
    %while3A_84 = arith.constant 0 : i32
    %while3A_85 = arith.subi %div3A_82, %while3A_84 : i32
    %while3A_86 = arith.addi %while3A_84, %while3A_85 : i32
    %while3A_87 = arith.constant 1 : i32
    %while3A_88 = arith.divsi %while3A_85, %while3A_87 : i32
    %while3A_89 = arith.muli %while3A_88, %while3A_87 : i32
    %while3A_90 = arith.addi %while3A_84, %while3A_89 : i32
    %while3A_91 = arith.constant 1 : i32
    scf.for %while3A_93 = %while3A_84 to %while3A_90 step %while3A_91  : i32 {
      %mul3A_94 = arith.muli %while3A_93, %while3A_83 : i32
      %add3A_95 = arith.addi %arg1, %mul3A_94 : i32
      %mul3A_96 = arith.constant 80 : i32
      %mul3A_97 = arith.muli %add3A_95, %mul3A_96 : i32
      "tpu.region"() ({
        %run_scoped3A = tpu.sem_alloc : memref<!tpu.dma_semaphore, #tpu.memory_space<semaphore_mem>>
        %dma_start3A_100 = arith.constant 0 : i32
        %dma_start3A_101 = tpu.memref_slice %arg6[%mul3A_97, %dma_start3A_100] : memref<10000x128xf32, #tpu.memory_space<vmem_shared>> -> memref<80x128xf32, #tpu.memory_space<vmem_shared>>
        %dma_start3A_102 = arith.constant 0 : i32
        %dma_start3A_103 = tpu.memref_slice %arg6[%mul3A_97, %dma_start3A_102] : memref<10000x128xf32, #tpu.memory_space<vmem_shared>> -> memref<80x128xf32, #tpu.memory_space<vmem_shared>>
        tpu.enqueue_dma source(%dma_start3A_103 : memref<80x128xf32, #tpu.memory_space<vmem_shared>>) target(%arg7 : memref<80x128xf32, #tpu.memory_space<vmem>>) target_semaphore(%run_scoped3A : memref<!tpu.dma_semaphore, #tpu.memory_space<semaphore_mem>>)
        %dma_wait3A_104 = arith.constant 0 : i32
        %dma_wait3A_105 = tpu.memref_slice %arg6[%mul3A_97, %dma_wait3A_104] : memref<10000x128xf32, #tpu.memory_space<vmem_shared>> -> memref<80x128xf32, #tpu.memory_space<vmem_shared>>
        %dma_wait3A_106 = arith.constant 0 : i32
        %dma_wait3A_107 = tpu.memref_slice %arg6[%mul3A_97, %dma_wait3A_106] : memref<10000x128xf32, #tpu.memory_space<vmem_shared>> -> memref<80x128xf32, #tpu.memory_space<vmem_shared>>
        tpu.wait_dma2 semaphore(%run_scoped3A : memref<!tpu.dma_semaphore, #tpu.memory_space<semaphore_mem>>) src(%dma_wait3A_107 : memref<80x128xf32, #tpu.memory_space<vmem_shared>>) dst(%arg7 : memref<80x128xf32, #tpu.memory_space<vmem>>)
        tpu.yield
      }) : () -> ()
      %mul3A_98 = arith.constant 80 : i32
      %mul3A_99 = arith.muli %add3A_95, %mul3A_98 : i32
      "tpu.region"() ({
        %run_scoped3A = tpu.sem_alloc : memref<!tpu.dma_semaphore, #tpu.memory_space<semaphore_mem>>
        %dma_start3A_100 = arith.constant 0 : i32
        %dma_start3A_101 = tpu.memref_slice %arg5[%arg0, %mul3A_99, %dma_start3A_100] : memref<2x10000x128xf32, #tpu.memory_space<hbm>> -> memref<1x80x128xf32, #tpu.memory_space<hbm>>
        %dma_start3A_102 = tpu.memref_squeeze %dma_start3A_101 : memref<1x80x128xf32, #tpu.memory_space<hbm>> -> memref<80x128xf32, #tpu.memory_space<hbm>>
        %dma_start3A_103 = arith.constant 0 : i32
        %dma_start3A_104 = tpu.memref_slice %arg5[%arg0, %mul3A_99, %dma_start3A_103] : memref<2x10000x128xf32, #tpu.memory_space<hbm>> -> memref<1x80x128xf32, #tpu.memory_space<hbm>>
        %dma_start3A_105 = tpu.memref_squeeze %dma_start3A_104 : memref<1x80x128xf32, #tpu.memory_space<hbm>> -> memref<80x128xf32, #tpu.memory_space<hbm>>
        tpu.enqueue_dma source(%arg7 : memref<80x128xf32, #tpu.memory_space<vmem>>) target(%dma_start3A_105 : memref<80x128xf32, #tpu.memory_space<hbm>>) target_semaphore(%run_scoped3A : memref<!tpu.dma_semaphore, #tpu.memory_space<semaphore_mem>>)
        %dma_wait3A_106 = arith.constant 0 : i32
        %dma_wait3A_107 = tpu.memref_slice %arg5[%arg0, %mul3A_99, %dma_wait3A_106] : memref<2x10000x128xf32, #tpu.memory_space<hbm>> -> memref<1x80x128xf32, #tpu.memory_space<hbm>>
        %dma_wait3A_108 = tpu.memref_squeeze %dma_wait3A_107 : memref<1x80x128xf32, #tpu.memory_space<hbm>> -> memref<80x128xf32, #tpu.memory_space<hbm>>
        %dma_wait3A_109 = arith.constant 0 : i32
        %dma_wait3A_110 = tpu.memref_slice %arg5[%arg0, %mul3A_99, %dma_wait3A_109] : memref<2x10000x128xf32, #tpu.memory_space<hbm>> -> memref<1x80x128xf32, #tpu.memory_space<hbm>>
        %dma_wait3A_111 = tpu.memref_squeeze %dma_wait3A_110 : memref<1x80x128xf32, #tpu.memory_space<hbm>> -> memref<80x128xf32, #tpu.memory_space<hbm>>
        tpu.wait_dma2 semaphore(%run_scoped3A : memref<!tpu.dma_semaphore, #tpu.memory_space<semaphore_mem>>) src(%arg7 : memref<80x128xf32, #tpu.memory_space<vmem>>) dst(%dma_wait3A_111 : memref<80x128xf32, #tpu.memory_space<hbm>>)
        tpu.yield
      }) : () -> ()
    }
    %while3A_92 = arith.constant 1 : i32
    scf.for %while3A_93 = %while3A_90 to %while3A_86 step %while3A_92  : i32 {
      %mul3A_94 = arith.muli %while3A_93, %while3A_83 : i32
      %add3A_95 = arith.addi %arg1, %mul3A_94 : i32
      %mul3A_96 = arith.constant 80 : i32
      %mul3A_97 = arith.muli %add3A_95, %mul3A_96 : i32
      "tpu.region"() ({
        %run_scoped3A = tpu.sem_alloc : memref<!tpu.dma_semaphore, #tpu.memory_space<semaphore_mem>>
        %dma_start3A_100 = arith.constant 0 : i32
        %dma_start3A_101 = tpu.memref_slice %arg6[%mul3A_97, %dma_start3A_100] : memref<10000x128xf32, #tpu.memory_space<vmem_shared>> -> memref<80x128xf32, #tpu.memory_space<vmem_shared>>
        %dma_start3A_102 = arith.constant 0 : i32
        %dma_start3A_103 = tpu.memref_slice %arg6[%mul3A_97, %dma_start3A_102] : memref<10000x128xf32, #tpu.memory_space<vmem_shared>> -> memref<80x128xf32, #tpu.memory_space<vmem_shared>>
        tpu.enqueue_dma source(%dma_start3A_103 : memref<80x128xf32, #tpu.memory_space<vmem_shared>>) target(%arg7 : memref<80x128xf32, #tpu.memory_space<vmem>>) target_semaphore(%run_scoped3A : memref<!tpu.dma_semaphore, #tpu.memory_space<semaphore_mem>>)
        %dma_wait3A_104 = arith.constant 0 : i32
        %dma_wait3A_105 = tpu.memref_slice %arg6[%mul3A_97, %dma_wait3A_104] : memref<10000x128xf32, #tpu.memory_space<vmem_shared>> -> memref<80x128xf32, #tpu.memory_space<vmem_shared>>
        %dma_wait3A_106 = arith.constant 0 : i32
        %dma_wait3A_107 = tpu.memref_slice %arg6[%mul3A_97, %dma_wait3A_106] : memref<10000x128xf32, #tpu.memory_space<vmem_shared>> -> memref<80x128xf32, #tpu.memory_space<vmem_shared>>
        tpu.wait_dma2 semaphore(%run_scoped3A : memref<!tpu.dma_semaphore, #tpu.memory_space<semaphore_mem>>) src(%dma_wait3A_107 : memref<80x128xf32, #tpu.memory_space<vmem_shared>>) dst(%arg7 : memref<80x128xf32, #tpu.memory_space<vmem>>)
        tpu.yield
      }) : () -> ()
      %mul3A_98 = arith.constant 80 : i32
      %mul3A_99 = arith.muli %add3A_95, %mul3A_98 : i32
      "tpu.region"() ({
        %run_scoped3A = tpu.sem_alloc : memref<!tpu.dma_semaphore, #tpu.memory_space<semaphore_mem>>
        %dma_start3A_100 = arith.constant 0 : i32
        %dma_start3A_101 = tpu.memref_slice %arg5[%arg0, %mul3A_99, %dma_start3A_100] : memref<2x10000x128xf32, #tpu.memory_space<hbm>> -> memref<1x80x128xf32, #tpu.memory_space<hbm>>
        %dma_start3A_102 = tpu.memref_squeeze %dma_start3A_101 : memref<1x80x128xf32, #tpu.memory_space<hbm>> -> memref<80x128xf32, #tpu.memory_space<hbm>>
        %dma_start3A_103 = arith.constant 0 : i32
        %dma_start3A_104 = tpu.memref_slice %arg5[%arg0, %mul3A_99, %dma_start3A_103] : memref<2x10000x128xf32, #tpu.memory_space<hbm>> -> memref<1x80x128xf32, #tpu.memory_space<hbm>>
        %dma_start3A_105 = tpu.memref_squeeze %dma_start3A_104 : memref<1x80x128xf32, #tpu.memory_space<hbm>> -> memref<80x128xf32, #tpu.memory_space<hbm>>
        tpu.enqueue_dma source(%arg7 : memref<80x128xf32, #tpu.memory_space<vmem>>) target(%dma_start3A_105 : memref<80x128xf32, #tpu.memory_space<hbm>>) target_semaphore(%run_scoped3A : memref<!tpu.dma_semaphore, #tpu.memory_space<semaphore_mem>>)
        %dma_wait3A_106 = arith.constant 0 : i32
        %dma_wait3A_107 = tpu.memref_slice %arg5[%arg0, %mul3A_99, %dma_wait3A_106] : memref<2x10000x128xf32, #tpu.memory_space<hbm>> -> memref<1x80x128xf32, #tpu.memory_space<hbm>>
        %dma_wait3A_108 = tpu.memref_squeeze %dma_wait3A_107 : memref<1x80x128xf32, #tpu.memory_space<hbm>> -> memref<80x128xf32, #tpu.memory_space<hbm>>
        %dma_wait3A_109 = arith.constant 0 : i32
        %dma_wait3A_110 = tpu.memref_slice %arg5[%arg0, %mul3A_99, %dma_wait3A_109] : memref<2x10000x128xf32, #tpu.memory_space<hbm>> -> memref<1x80x128xf32, #tpu.memory_space<hbm>>
        %dma_wait3A_111 = tpu.memref_squeeze %dma_wait3A_110 : memref<1x80x128xf32, #tpu.memory_space<hbm>> -> memref<80x128xf32, #tpu.memory_space<hbm>>
        tpu.wait_dma2 semaphore(%run_scoped3A : memref<!tpu.dma_semaphore, #tpu.memory_space<semaphore_mem>>) src(%arg7 : memref<80x128xf32, #tpu.memory_space<vmem>>) dst(%dma_wait3A_111 : memref<80x128xf32, #tpu.memory_space<hbm>>)
        tpu.yield
      }) : () -> ()
    }
    return
  }
}

module attributes {stable_mosaic.version = 14 : i64} {
  func.func @_combine_body(%arg0: i32, %arg1: memref<2x1000x128xf32, #tpu.memory_space<vmem>>, %arg2: memref<2x1000x128xf32, #tpu.memory_space<vmem>>, %arg3: memref<1000x128xf32, #tpu.memory_space<vmem>>, %arg4: memref<128x128xf32, #tpu.memory_space<vmem>>, %arg5: memref<1x128xf32, #tpu.memory_space<vmem>>, %arg6: memref<128x128xf32, #tpu.memory_space<vmem>>, %arg7: memref<1000x128xf32, #tpu.memory_space<vmem>>) attributes {dimension_semantics = [#tpu.dimension_semantics<arbitrary>], iteration_bounds = array<i64: 10>, scalar_prefetch = 0 : i64, scratch_operands = 0 : i64, tpu.core_type = #tpu.core_type<tc>, window_params = [{transform_indices = @transform_0, window_bounds = array<i64: 2, 1000, 128>}, {transform_indices = @transform_1, window_bounds = array<i64: 2, 1000, 128>}, {transform_indices = @transform_2, window_bounds = array<i64: 1000, 128>}, {pipeline_mode = #tpu.pipeline_mode<synchronous>, transform_indices = @transform_3, window_bounds = array<i64: 128, 128>}, {pipeline_mode = #tpu.pipeline_mode<synchronous>, transform_indices = @transform_4, window_bounds = array<i64: 1, 128>}, {pipeline_mode = #tpu.pipeline_mode<synchronous>, transform_indices = @transform_5, window_bounds = array<i64: 128, 128>}, {transform_indices = @transform_6, window_bounds = array<i64: 1000, 128>}]} {
    %get3A = arith.constant 0 : index
    %get3A_0 = arith.constant 0 : index
    %get3A_1 = arith.constant 0 : index
    %get3A_2 = vector.load %arg1[%get3A, %get3A_0, %get3A_1] : memref<2x1000x128xf32, #tpu.memory_space<vmem>>, vector<1x1000x128xf32>
    %get3A_3 = vector.shape_cast %get3A_2 : vector<1x1000x128xf32> to vector<1000x128xf32>
    %get3A_4 = arith.constant 1 : index
    %get3A_5 = arith.constant 0 : index
    %get3A_6 = arith.constant 0 : index
    %get3A_7 = vector.load %arg1[%get3A_4, %get3A_5, %get3A_6] : memref<2x1000x128xf32, #tpu.memory_space<vmem>>, vector<1x1000x128xf32>
    %get3A_8 = vector.shape_cast %get3A_7 : vector<1x1000x128xf32> to vector<1000x128xf32>
    %add3A = arith.addf %get3A_3, %get3A_8 : vector<1000x128xf32>
    %get3A_9 = arith.constant 0 : index
    %get3A_10 = arith.constant 0 : index
    %get3A_11 = arith.constant 0 : index
    %get3A_12 = vector.load %arg2[%get3A_9, %get3A_10, %get3A_11] : memref<2x1000x128xf32, #tpu.memory_space<vmem>>, vector<1x1000x1xf32>
    %get3A_13 = vector.shape_cast %get3A_12 : vector<1x1000x1xf32> to vector<1000x1xf32>
    %get3A_14 = arith.constant 1 : index
    %get3A_15 = arith.constant 0 : index
    %get3A_16 = arith.constant 0 : index
    %get3A_17 = vector.load %arg2[%get3A_14, %get3A_15, %get3A_16] : memref<2x1000x128xf32, #tpu.memory_space<vmem>>, vector<1x1000x1xf32>
    %get3A_18 = vector.shape_cast %get3A_17 : vector<1x1000x1xf32> to vector<1000x1xf32>
    %add3A_19 = arith.addf %get3A_13, %get3A_18 : vector<1000x1xf32>
    %max3A = arith.constant 1.000000e+00 : f32
    %max3A_20 = vector.broadcast %max3A : f32 to vector<1000x1xf32>
    %max3A_21 = arith.maximumf %add3A_19, %max3A_20 : vector<1000x1xf32>
    %div3A = vector.broadcast %max3A_21 : vector<1000x1xf32> to vector<1000x128xf32>
    %div3A_22 = arith.divf %add3A, %div3A : vector<1000x128xf32>
    %get3A_23 = arith.constant 0 : index
    %get3A_24 = arith.constant 0 : index
    %get3A_25 = vector.load %arg4[%get3A_23, %get3A_24] : memref<128x128xf32, #tpu.memory_space<vmem>>, vector<128x128xf32>
    %dot_general3A = arith.constant dense<0.000000e+00> : vector<1000x128xf32>
    %dot_general3A_26 = tpu.matmul %div3A_22, %get3A_25, %dot_general3A {dimension_numbers = #tpu.dot_dimension_numbers<[1], [0], [0], [1], [0, 0, 1, 1], [], []>, transpose_lhs_hint = false} : vector<1000x128xf32>, vector<128x128xf32>, vector<1000x128xf32> -> vector<1000x128xf32>
    %get3A_27 = arith.constant 0 : index
    %get3A_28 = arith.constant 0 : index
    %get3A_29 = vector.load %arg5[%get3A_27, %get3A_28] : memref<1x128xf32, #tpu.memory_space<vmem>>, vector<1x128xf32>
    %add3A_30 = vector.broadcast %get3A_29 : vector<1x128xf32> to vector<1000x128xf32>
    %add3A_31 = arith.addf %dot_general3A_26, %add3A_30 : vector<1000x128xf32>
    %get3A_32 = arith.constant 0 : index
    %get3A_33 = arith.constant 0 : index
    %get3A_34 = vector.load %arg3[%get3A_32, %get3A_33] : memref<1000x128xf32, #tpu.memory_space<vmem>>, vector<1000x128xf32>
    %get3A_35 = arith.constant 0 : index
    %get3A_36 = arith.constant 0 : index
    %get3A_37 = vector.load %arg6[%get3A_35, %get3A_36] : memref<128x128xf32, #tpu.memory_space<vmem>>, vector<128x128xf32>
    %dot_general3A_38 = arith.constant dense<0.000000e+00> : vector<1000x128xf32>
    %dot_general3A_39 = tpu.matmul %get3A_34, %get3A_37, %dot_general3A_38 {dimension_numbers = #tpu.dot_dimension_numbers<[1], [0], [0], [1], [0, 0, 1, 1], [], []>, transpose_lhs_hint = false} : vector<1000x128xf32>, vector<128x128xf32>, vector<1000x128xf32> -> vector<1000x128xf32>
    %add3A_40 = arith.addf %add3A_31, %dot_general3A_39 : vector<1000x128xf32>
    %swap3A = arith.constant 0 : index
    %swap3A_41 = arith.constant 0 : index
    %swap3A_42 = vector.load %arg7[%swap3A, %swap3A_41] : memref<1000x128xf32, #tpu.memory_space<vmem>>, vector<1000x128xf32>
    tpu.vector_store %arg7[%swap3A, %swap3A_41], %add3A_40 {strides = array<i32>} : memref<1000x128xf32, #tpu.memory_space<vmem>>, vector<1000x128xf32>,
    return
  }
  func.func @transform_0(%arg0: i32) -> (i32, i32, i32) {
    %c0_i32 = arith.constant 0 : i32
    %c0_i32_0 = arith.constant 0 : i32
    %c0_i32_1 = arith.constant 0 : i32
    return %c0_i32, %arg0, %c0_i32_0 : i32, i32, i32
  }
  func.func @transform_1(%arg0: i32) -> (i32, i32, i32) {
    %c0_i32 = arith.constant 0 : i32
    %c0_i32_0 = arith.constant 0 : i32
    %c0_i32_1 = arith.constant 0 : i32
    return %c0_i32, %arg0, %c0_i32_0 : i32, i32, i32
  }
  func.func @transform_2(%arg0: i32) -> (i32, i32) {
    %c0_i32 = arith.constant 0 : i32
    %c0_i32_0 = arith.constant 0 : i32
    return %arg0, %c0_i32 : i32, i32
  }
  func.func @transform_3(%arg0: i32) -> (i32, i32) {
    %c0_i32 = arith.constant 0 : i32
    %c0_i32_0 = arith.constant 0 : i32
    %c0_i32_1 = arith.constant 0 : i32
    return %c0_i32, %c0_i32_0 : i32, i32
  }
  func.func @transform_4(%arg0: i32) -> (i32, i32) {
    %c0_i32 = arith.constant 0 : i32
    %c0_i32_0 = arith.constant 0 : i32
    %c0_i32_1 = arith.constant 0 : i32
    return %c0_i32, %c0_i32_0 : i32, i32
  }
  func.func @transform_5(%arg0: i32) -> (i32, i32) {
    %c0_i32 = arith.constant 0 : i32
    %c0_i32_0 = arith.constant 0 : i32
    %c0_i32_1 = arith.constant 0 : i32
    return %c0_i32, %c0_i32_0 : i32, i32
  }
  func.func @transform_6(%arg0: i32) -> (i32, i32) {
    %c0_i32 = arith.constant 0 : i32
    %c0_i32_0 = arith.constant 0 : i32
    return %arg0, %c0_i32 : i32, i32
  }
}

module attributes {stable_mosaic.version = 14 : i64} {
  func.func @_combine_body(%arg0: i32, %arg1: memref<2x1000x128xf32, #tpu.memory_space<vmem>>, %arg2: memref<2x1000x128xf32, #tpu.memory_space<vmem>>, %arg3: memref<1000x128xf32, #tpu.memory_space<vmem>>, %arg4: memref<128x128xf32, #tpu.memory_space<vmem>>, %arg5: memref<1x128xf32, #tpu.memory_space<vmem>>, %arg6: memref<128x128xf32, #tpu.memory_space<vmem>>, %arg7: memref<1000x128xf32, #tpu.memory_space<vmem>>) attributes {dimension_semantics = [#tpu.dimension_semantics<arbitrary>], iteration_bounds = array<i64: 10>, scalar_prefetch = 0 : i64, scratch_operands = 0 : i64, tpu.core_type = #tpu.core_type<tc>, window_params = [{transform_indices = @transform_0, window_bounds = array<i64: 2, 1000, 128>}, {transform_indices = @transform_1, window_bounds = array<i64: 2, 1000, 128>}, {transform_indices = @transform_2, window_bounds = array<i64: 1000, 128>}, {pipeline_mode = #tpu.pipeline_mode<synchronous>, transform_indices = @transform_3, window_bounds = array<i64: 128, 128>}, {pipeline_mode = #tpu.pipeline_mode<synchronous>, transform_indices = @transform_4, window_bounds = array<i64: 1, 128>}, {pipeline_mode = #tpu.pipeline_mode<synchronous>, transform_indices = @transform_5, window_bounds = array<i64: 128, 128>}, {transform_indices = @transform_6, window_bounds = array<i64: 1000, 128>}]} {
    %get3A = arith.constant 0 : index
    %get3A_0 = arith.constant 0 : index
    %get3A_1 = arith.constant 0 : index
    %get3A_2 = vector.load %arg1[%get3A, %get3A_0, %get3A_1] : memref<2x1000x128xf32, #tpu.memory_space<vmem>>, vector<1x1000x128xf32>
    %get3A_3 = vector.shape_cast %get3A_2 : vector<1x1000x128xf32> to vector<1000x128xf32>
    %get3A_4 = arith.constant 1 : index
    %get3A_5 = arith.constant 0 : index
    %get3A_6 = arith.constant 0 : index
    %get3A_7 = vector.load %arg1[%get3A_4, %get3A_5, %get3A_6] : memref<2x1000x128xf32, #tpu.memory_space<vmem>>, vector<1x1000x128xf32>
    %get3A_8 = vector.shape_cast %get3A_7 : vector<1x1000x128xf32> to vector<1000x128xf32>
    %add3A = arith.addf %get3A_3, %get3A_8 : vector<1000x128xf32>
    %get3A_9 = arith.constant 0 : index
    %get3A_10 = arith.constant 0 : index
    %get3A_11 = arith.constant 0 : index
    %get3A_12 = vector.load %arg2[%get3A_9, %get3A_10, %get3A_11] : memref<2x1000x128xf32, #tpu.memory_space<vmem>>, vector<1x1000x1xf32>
    %get3A_13 = vector.shape_cast %get3A_12 : vector<1x1000x1xf32> to vector<1000x1xf32>
    %get3A_14 = arith.constant 1 : index
    %get3A_15 = arith.constant 0 : index
    %get3A_16 = arith.constant 0 : index
    %get3A_17 = vector.load %arg2[%get3A_14, %get3A_15, %get3A_16] : memref<2x1000x128xf32, #tpu.memory_space<vmem>>, vector<1x1000x1xf32>
    %get3A_18 = vector.shape_cast %get3A_17 : vector<1x1000x1xf32> to vector<1000x1xf32>
    %add3A_19 = arith.addf %get3A_13, %get3A_18 : vector<1000x1xf32>
    %max3A = arith.constant 1.000000e+00 : f32
    %max3A_20 = vector.broadcast %max3A : f32 to vector<1000x1xf32>
    %max3A_21 = arith.maximumf %add3A_19, %max3A_20 : vector<1000x1xf32>
    %div3A = vector.broadcast %max3A_21 : vector<1000x1xf32> to vector<1000x128xf32>
    %div3A_22 = arith.divf %add3A, %div3A : vector<1000x128xf32>
    %get3A_23 = arith.constant 0 : index
    %get3A_24 = arith.constant 0 : index
    %get3A_25 = vector.load %arg4[%get3A_23, %get3A_24] : memref<128x128xf32, #tpu.memory_space<vmem>>, vector<128x128xf32>
    %dot_general3A = arith.constant dense<0.000000e+00> : vector<1000x128xf32>
    %dot_general3A_26 = tpu.matmul %div3A_22, %get3A_25, %dot_general3A {dimension_numbers = #tpu.dot_dimension_numbers<[1], [0], [0], [1], [0, 0, 1, 1], [], []>, transpose_lhs_hint = false} : vector<1000x128xf32>, vector<128x128xf32>, vector<1000x128xf32> -> vector<1000x128xf32>
    %get3A_27 = arith.constant 0 : index
    %get3A_28 = arith.constant 0 : index
    %get3A_29 = vector.load %arg5[%get3A_27, %get3A_28] : memref<1x128xf32, #tpu.memory_space<vmem>>, vector<1x128xf32>
    %add3A_30 = vector.broadcast %get3A_29 : vector<1x128xf32> to vector<1000x128xf32>
    %add3A_31 = arith.addf %dot_general3A_26, %add3A_30 : vector<1000x128xf32>
    %get3A_32 = arith.constant 0 : index
    %get3A_33 = arith.constant 0 : index
    %get3A_34 = vector.load %arg3[%get3A_32, %get3A_33] : memref<1000x128xf32, #tpu.memory_space<vmem>>, vector<1000x128xf32>
    %get3A_35 = arith.constant 0 : index
    %get3A_36 = arith.constant 0 : index
    %get3A_37 = vector.load %arg6[%get3A_35, %get3A_36] : memref<128x128xf32, #tpu.memory_space<vmem>>, vector<128x128xf32>
    %dot_general3A_38 = arith.constant dense<0.000000e+00> : vector<1000x128xf32>
    %dot_general3A_39 = tpu.matmul %get3A_34, %get3A_37, %dot_general3A_38 {dimension_numbers = #tpu.dot_dimension_numbers<[1], [0], [0], [1], [0, 0, 1, 1], [], []>, transpose_lhs_hint = false} : vector<1000x128xf32>, vector<128x128xf32>, vector<1000x128xf32> -> vector<1000x128xf32>
    %add3A_40 = arith.addf %add3A_31, %dot_general3A_39 : vector<1000x128xf32>
    %max3A_41 = arith.constant 0.000000e+00 : f32
    %max3A_42 = vector.broadcast %max3A_41 : f32 to vector<1000x128xf32>
    %max3A_43 = arith.maximumf %add3A_40, %max3A_42 : vector<1000x128xf32>
    %swap3A = arith.constant 0 : index
    %swap3A_44 = arith.constant 0 : index
    %swap3A_45 = vector.load %arg7[%swap3A, %swap3A_44] : memref<1000x128xf32, #tpu.memory_space<vmem>>, vector<1000x128xf32>
    tpu.vector_store %arg7[%swap3A, %swap3A_44], %max3A_43 {strides = array<i32>} : memref<1000x128xf32, #tpu.memory_space<vmem>>, vector<1000x128xf32>,
    return
  }
  func.func @transform_0(%arg0: i32) -> (i32, i32, i32) {
    %c0_i32 = arith.constant 0 : i32
    %c0_i32_0 = arith.constant 0 : i32
    %c0_i32_1 = arith.constant 0 : i32
    return %c0_i32, %arg0, %c0_i32_0 : i32, i32, i32
  }
  func.func @transform_1(%arg0: i32) -> (i32, i32, i32) {
    %c0_i32 = arith.constant 0 : i32
    %c0_i32_0 = arith.constant 0 : i32
    %c0_i32_1 = arith.constant 0 : i32
    return %c0_i32, %arg0, %c0_i32_0 : i32, i32, i32
  }
  func.func @transform_2(%arg0: i32) -> (i32, i32) {
    %c0_i32 = arith.constant 0 : i32
    %c0_i32_0 = arith.constant 0 : i32
    return %arg0, %c0_i32 : i32, i32
  }
  func.func @transform_3(%arg0: i32) -> (i32, i32) {
    %c0_i32 = arith.constant 0 : i32
    %c0_i32_0 = arith.constant 0 : i32
    %c0_i32_1 = arith.constant 0 : i32
    return %c0_i32, %c0_i32_0 : i32, i32
  }
  func.func @transform_4(%arg0: i32) -> (i32, i32) {
    %c0_i32 = arith.constant 0 : i32
    %c0_i32_0 = arith.constant 0 : i32
    %c0_i32_1 = arith.constant 0 : i32
    return %c0_i32, %c0_i32_0 : i32, i32
  }
  func.func @transform_5(%arg0: i32) -> (i32, i32) {
    %c0_i32 = arith.constant 0 : i32
    %c0_i32_0 = arith.constant 0 : i32
    %c0_i32_1 = arith.constant 0 : i32
    return %c0_i32, %c0_i32_0 : i32, i32
  }
  func.func @transform_6(%arg0: i32) -> (i32, i32) {
    %c0_i32 = arith.constant 0 : i32
    %c0_i32_0 = arith.constant 0 : i32
    return %arg0, %c0_i32 : i32, i32
  }
}

</mosaic_0001>

<sc_bundles>
// kernel: kernel.12.cloned.1.call-start
scs
__scs_entry_jumppad:
0x0: {  	(pc) =	sbr.rel $0x88, $3  }
0x1: {  	(tag) =	ssettag $0x0;
	lr =	simm.s32 $0x1  }
0x2: {  	[smem:$0x3F96] =	sst lr;
	_ =	strace $0xD0000000  }
0x3: {  	_ = 	snop  }
0x4: {  	_ = 	snop  }
0x5: {  	_ = 	snop  }
0x6: {  	_ = 	snop  }
0x7: {  	_ = 	snop  }
__scs_overlays_trampoline_lowered:
0x8: {  	[smem:$0x3FA5] =	sst s0  }
0x9: {  	[smem:$0x3FA6] =	sst s1  }
0xa: {  	[smem:$0x3FA7] =	sst s2  }
0xb: {  	[smem:$0x3FA8] =	sst s3  }
0xc: {  	[smem:$0x3FA9] =	sst s4  }
0xd: {  	[smem:$0x3FAA] =	sst s5  }
0xe: {  	[smem:$0x3FAB] =	sst s6  }
0xf: {  	[smem:$0x3FAC] =	sst s7  }
0x10: {  	[smem:$0x3FAD] =	sst s8  }
0x11: {  	[smem:$0x3FAE] =	sst s9;
	s0 =	simm.s32 @!p0 $0x0  }
0x12: {  	s1 =	sld [smem:$0x3F94];
	s0 =	simm.s32 @p0 $0x1  }
0x13: {  	[smem:$0x3FAF] =	sst s0;
	s0 =	simm.s32 @!p1 $0x0  }
0x14: {  	s2 =	sld [smem:$0x3F93];
	s0 =	simm.s32 @p1 $0x1  }
0x15: {  	[smem:$0x3FB0] =	sst s0;
	s0 =	simm.s32 @!p2 $0x0  }
0x16: {  	s3 =	sld [smem:$0x3FDB];
	s0 =	simm.s32 @p2 $0x1  }
0x17: {  	s4 =	simm.s32 $0x1BF5;
	[smem:$0x3FB2] =	sst s0  }
0x18: {  	s0 =	sld [smem:$0x3F95];
	_ =	swait.ge [sflag:s4], $0x0  }
0x19: {  	s7 =	sld [smem:$0x3F96]  }
0x1a: {  	s8 =	sadd.s32 $0xFFFFE003, lr  }
0x1b: {  	s9 =	sadd.s32 $0xFFFFFEF7, lr;
	s5 =	simm.s32 $0xFFFFFFFF;
	p2 =	slt.u32 s8, $0xFFFFF086  }
0x1c: {  	p1 =	slt.u32 s9, $0xF7A;
	s5 =	simm.s32 @!p2 $0x0  }
0x1d: {  	s5 =	simm.s32 @p1 $0x1;
	p0 =	seq.s32 s7, s2  }
0x1e: {  	s7 =	smul.u32 @!p0 $0xF7A, s2;
	p2 =	seq.s32 @!p0 s5, $0x0  }
0x1f: {  	s9 =	smul.u32 $0xF7A, s1;
	s8 =	simm.s32 @!p0 $0x1BF5;
	p2 =	por !p2, p0  }
0x20: {  	[sflag:s8] =	ssyncset.s32 @!p0 $0xFFFFF086;
	s6 =	sadd.s32 @!p0 s3, s7;
	s7 =	simm.s32 @!p0 $0x108  }
0x21: {  	s3 =	sadd.s32 s3, s9;
	s6 =	sadd.s32 @!p0 $0x88, s6;
	s7 =	simm.s32 @p2 $0x1082  }
0x22: {  	[simem:s7], [sflag:s8] =	dma.local @!p0 [hbm:s6], $0xF7A  }
0x23: {  	s9 =	sor.u32 $0xD0000000, s2;
	s6 =	simm.s32 $0x108;
	_ =	swait.ge @!p0 [sflag:s8], $0x0  }
0x24: {  	s3 =	sadd.s32 $0x88, s3;
	s6 =	simm.s32 @!p1 $0x1082;
	[sflag:s4] =	ssyncset.s32 $0xFFFFF086  }
0x25: {  	[simem:s6], [sflag:s4] =	dma.local [hbm:s3], $0xF7A  }
0x26: {  	[smem:$0x3F96] =	sst s1;
	(tag) =	ssettag s2;
	_ =	strace s9  }
0x27: {  	s1 =	sld [smem:$0x3FA6]  }
0x28: {  	s2 =	sld [smem:$0x3FA7]  }
0x29: {  	s4 =	sld [smem:$0x3FA9]  }
0x2a: {  	p0 =	seq.s32 s5, $0x0;
	s5 =	sld [smem:$0x3FAA]  }
0x2b: {  	s6 =	sld [smem:$0x3FAB]  }
0x2c: {  	s7 =	sld [smem:$0x3FAC]  }
0x2d: {  	s3 =	simm.s32 $0x108;
	s8 =	sld [smem:$0x3FAD]  }
0x2e: {  	s3 =	simm.s32 @!p0 $0x1082;
	s9 =	sld [smem:$0x3FAE]  }
0x2f: {  	lr =	sadd.s32 s0, s3;
	s0 =	sld [smem:$0x3FA5]  }
0x30: {  	s3 =	sld [smem:$0x3FA8]  }
0x31: {  	[smem:$0x3FB1] =	sst s10  }
0x32: {  	s10 =	sld [smem:$0x3FAF];
	_ =	sdelay $0x3  }
0x33: {  	p0 =	seq.s32 s10, $0x1;
	s10 =	sld [smem:$0x3FB1];
	_ =	sdelay $0x3  }
0x34: {  	[smem:$0x3FB1] =	sst s10  }
0x35: {  	s10 =	sld [smem:$0x3FB0];
	_ =	sdelay $0x3  }
0x36: {  	p1 =	seq.s32 s10, $0x1;
	s10 =	sld [smem:$0x3FB1];
	_ =	sdelay $0x3  }
0x37: {  	[smem:$0x3FB1] =	sst s10  }
0x38: {  	s10 =	sld [smem:$0x3FB2]  }
0x39: {  	_ = 	snop;
	(pc) =	sbr.ind lr, $3  }
0x3a: {  	_ = 	snop  }
0x3b: {  	_ = 	snop  }
0x3c: {  	p2 =	seq.s32 s10, $0x1;
	s10 =	sld [smem:$0x3FB1]  }
0x3d: {  	_ =	shalt  }
0x3e: {  	_ =	shalt  }
0x3f: {  	_ =	shalt  }
0x40: {  	_ =	shalt  }
0x41: {  	_ =	shalt  }
0x42: {  	_ =	shalt  }
0x43: {  	_ =	shalt  }
0x44: {  	_ =	shalt  }
0x45: {  	_ =	shalt  }
0x46: {  	_ =	shalt  }
0x47: {  	_ =	shalt  }
0x48: {  	_ =	shalt  }
0x49: {  	_ =	shalt  }
0x4a: {  	_ =	shalt  }
0x4b: {  	_ =	shalt  }
0x4c: {  	_ =	shalt  }
0x4d: {  	_ =	shalt  }
0x4e: {  	_ =	shalt  }
0x4f: {  	_ =	shalt  }
0x50: {  	_ =	shalt  }
0x51: {  	_ =	shalt  }
0x52: {  	_ =	shalt  }
0x53: {  	_ =	shalt  }
0x54: {  	_ =	shalt  }
0x55: {  	_ =	shalt  }
0x56: {  	_ =	shalt  }
0x57: {  	_ =	shalt  }
0x58: {  	_ =	shalt  }
0x59: {  	_ =	shalt  }
0x5a: {  	_ =	shalt  }
0x5b: {  	_ =	shalt  }
0x5c: {  	_ =	shalt  }
0x5d: {  	_ =	shalt  }
0x5e: {  	_ =	shalt  }
0x5f: {  	_ =	shalt  }
0x60: {  	_ =	shalt  }
0x61: {  	_ =	shalt  }
0x62: {  	_ =	shalt  }
0x63: {  	_ =	shalt  }
0x64: {  	_ =	shalt  }
0x65: {  	_ =	shalt  }
0x66: {  	_ =	shalt  }
0x67: {  	_ =	shalt  }
0x68: {  	_ =	shalt  }
0x69: {  	_ =	shalt  }
0x6a: {  	_ =	shalt  }
0x6b: {  	_ =	shalt  }
0x6c: {  	_ =	shalt  }
0x6d: {  	_ =	shalt  }
0x6e: {  	_ =	shalt  }
0x6f: {  	_ =	shalt  }
0x70: {  	_ =	shalt  }
0x71: {  	_ =	shalt  }
0x72: {  	_ =	shalt  }
0x73: {  	_ =	shalt  }
0x74: {  	_ =	shalt  }
0x75: {  	_ =	shalt  }
0x76: {  	_ =	shalt  }
0x77: {  	_ =	shalt  }
0x78: {  	_ =	shalt  }
0x79: {  	_ =	shalt  }
0x7a: {  	_ =	shalt  }
0x7b: {  	_ =	shalt  }
0x7c: {  	_ =	shalt  }
0x7d: {  	_ =	shalt  }
0x7e: {  	_ =	shalt  }
0x7f: {  	_ =	shalt  }
0x80: {  	_ =	shalt  }
0x81: {  	_ =	shalt  }
0x82: {  	_ =	shalt  }
0x83: {  	_ =	shalt  }
0x84: {  	_ =	shalt  }
0x85: {  	_ =	shalt  }
0x86: {  	_ =	shalt  }
0x87: {  	_ =	shalt  }
.Lfunc_end0:
.L_simem_size_0:
called_computation.1_lowered:
.L_overlay_start_0:
0x88: {  	s2 =	sld [smem:$0x3FD9]  }
0x89: {  	s3 =	sld [smem:$0x3FFE];
	_ =	sdelay $0x1  }
0x8a: {  	s1 =	srdreg.scid  }
0x8b: {  	s0 =	sand.u32 $0x1, s1  }
0x8c: {  	s17 =	sshll.u32 s0, $0xA;
	s2 =	sadd.s32 s3, s2  }
0x8d: {  	s2 =	sadd.s32 s2, s17  }
0x8e: {  	[smem:$0x3FBD] =	sst s2  }
0x8f: {  	_ = 	snop  }
0x90: {  	s2 =	sld [smem:$0x3FC9];
	(tm) =	ssettm $0x1  }
0x91: {  	s18 =	sld [smem:$0x3FFB];
	_ =	sdelay $0x3  }
0x92: {  	_ =	strace s18  }
0x93: {  	s3 =	sld [smem:$0x3FFC];
	_ =	sdelay $0x3  }
0x94: {  	_ =	strace s3  }
0x95: {  	s3 =	sld [smem:$0x3FFD];
	_ =	sdelay $0x3  }
0x96: {  	_ =	strace s3  }
0x97: {  	_ =	strace $0x8FFFFFFF  }
0x98: {  	s19 =	sld [smem:$0x3FDB];
	_ =	sdelay $0x1  }
0x99: {  	s4 =	simm.s32 $_scs_section_size  }
0x9a: {  	s5 =	simm.s32 $_size__tile_overlayer_lowered;
	s6 =	simm.s32 $_tile_overlayer_lowered  }
0x9b: {  	s22 =	simm.s32 $0x1BFF;
	s21 =	sshll.u32 s6, $0x1;
	s3 =	sadd.s32 s4, s19  }
0x9c: {  	s7 =	simm.s32 $0x0;
	s20 =	sshll.u32 s5, $0x1;
	s5 =	sadd.s32 s21, s3  }
0x9d: {  	[timem:s7], [sflag:s22] =	dma.local [hbm:s5], s20  }
0x9e: {  	_ =	swait.ge [sflag:s22], s20  }
0x9f: {  	s4 =	ssub.s32 $0x0, s20;
	[sflag:s22] =	ssyncset.done $0x0  }
0xa0: {  	[sflag:s22] =	ssyncadd.s32 s4;
	_ =	sdelay $0x1  }
0xa1: {  	s23 =	simm.s32 $0x1B8B  }
0xa2: {  	_ =	swait.ge [sflag:s23], $0x1  }
0xa3: {  	[sflag:s23] =	ssyncset.done $0x0  }
0xa4: {  	s25 =	simm.s32 $0x1B8E;
	s24 =	sld [smem:$0x3FFE];
	[sflag:s23] =	ssyncadd.s32 $0xFFFFFFFF  }
0xa5: {  	s26 =	simm.s32 $execute0_lowered;
	[smem:$0x3FD2] =	sst s25  }
0xa6: {  	s5 =	sshll.u32 s26, $0x1;
	_ =	strace $0x80000046;
	[dreg:$0x1] =	wrdreg $0xFFFFFFFF  }
0xa7: {  	s28 =	simm.s32 $_size_execute0_lowered;
	s3 =	sadd.s32 s3, s5;
	[dreg:$0x0] =	wrdreg $0x0  }
0xa8: {  	s5 =	sshll.u32 s28, $0x1;
	[dreg:$0x2] =	wrdreg s3  }
0xa9: {  	[dreg:$0x3] =	wrdreg s5  }
0xaa: {  	[dreg:$0x4] =	wrdreg $0xC0  }
0xab: {  	_ =	task [dreg:s7], $0x5FFFF  }
0xac: {  	[dreg:$0x1] =	wrdreg $0xFFFFFFFF  }
0xad: {  	[dreg:$0x0] =	wrdreg $0x60  }
0xae: {  	[dreg:$0x2] =	wrdreg s2  }
0xaf: {  	[dreg:$0x3] =	wrdreg s24  }
0xb0: {  	[dreg:$0x4] =	wrdreg $0x0  }
0xb1: {  	[dreg:$0x5] =	wrdreg $0xA  }
0xb2: {  	_ =	task.clear_ibuf [dreg:s7], $0x6FFFF;
	_ =	strace $0x90000046  }
0xb3: {  	s29 =	simm.s32 $0xA;
	_ =	strace $0x80000048  }
0xb4: {  	_ =	swait.ge [sflag:s29], $0x1  }
0xb5: {  	[sflag:s29] =	ssyncadd.s32 $0xFFFFFFFF  }
0xb6: {  	_ =	strace $0x90000048  }
0xb7: {  	_ =	sfence  }
0xb8: {  	s30 =	sld [smem:$0x0];
	_ =	sdelay $0x2  }
0xb9: {  	s31 =	sshll.u32 s1, $0xD;
	s1 =	sshrl.u32 s1, $0x2  }
0xba: {  	s3 =	sand.u32 $0x4000, s31;
	s1 =	sadd.s32 s1, s30  }
0xbb: {  	s0 =	sor.u32 s3, s0;
	s1 =	sshll.u32 s1, $0x11  }
0xbc: {  	s0 =	sor.u32 s1, s0  }
0xbd: {  	s0 =	sadd.s32 $0x8F2B, s0  }
0xbe: {  	[sflag:s0] =	ssyncadd.remote.s32 $0x1  }
0xbf: {  	_ =	sfence.sel $0xFFFF  }
0xc0: {  	[dreg:$0x0] =	wrdreg $0xFFFFFFFF;
	(pc) =	sbr.abs _section_cstart, $3  }
0xc1: {  	[dreg:$0x1] =	wrdreg $0xFFFFFFFF  }
0xc2: {  	_ =	task.clear_ibuf [dreg:s7], $0x2FFFF;
	_ =	strace $0x9FFFFFFF  }
0xc3: {  	(tm) =	ssettm $0x7FFFFFFF  }
tec
execute0_lowered:
.L_overlay_start_1:
0x0: {  	(tag) =	ssettag $0x1  }
0x1: {  	s2 =	rddreg [dreg:$0x0]  }
0x2: {  	s0 =	srdreg.scid;
	s6 =	rddreg [dreg:$0x1]  }
0x3: {  	s10 =	stileid.u32;
	s3 =	rddreg [dreg:$0x2];
	s4 =	simm.s32 $0x0  }
0x4: {  	s28 =	simm.s32 $0x16080;
	s29 =	simm.s32 $0x1D900;
	s31 =	simm.s32 $0x18880  }
0x5: {  	s30 =	simm.s32 $0x8;
	s12 =	simm.s32 $0x6;
	s7 =	smul.u32 $0x2800, s10  }
0x6: {  	s13 =	simm.s32 $0x0;
	s0 =	sand.u32 $0x1, s0;
	s17 =	smul.u32 $0x2710, s10  }
0x7: {  	[smem:$0x7FF] =	sst s4;
	s16 =	ssub.s32 $0x8C, s10;
	s21 =	smul.u32 $0xA000, s10  }
0x8: {  	s1 =	sshll.u32 s0, $0x4;
	s5 =	smul.u32 $0x138800, s0;
	_ =	strace $0x80000047  }
0x9: {  	s9 =	ssub.s32 $0x2, s0;
	s0 =	smul.u32 $0x27100, s0;
	s1 =	sor.u32 s10, s1  }
0xa: {  	s15 =	sshrl.u32 s9, $0x1;
	s10 =	simm.s32 $0x4;
	s1 =	smul.u32 $0x2710, s1  }
0xb: {  	s5 =	sadd.s32 s7, s5;
	s9 =	ssub.s32 s9, s15;
	s0 =	sadd.s32 s17, s0  }
0xc: {  	s8 =	sshrl.u32 s5, $0x3;
	s5 =	sadd.s32 $0x3000, s6;
	s20 =	smax.u32 s9, $0x1  }
0xd: {  	s24 =	sadd.s32 $0x190, s0;
	s25 =	sadd.s32 $0x140, s0;
	s0 =	sadd.s32 $0xF0, s0  }
0xe: {  	s9 =	simm.s32 $0x9;
	s1 =	sshrl.u32 s1, $0x3;
	[dreg:$0x8] =	wrdreg s20  }
0xf: {  	s26 =	sshrl.u32 s25, $0x3;
	[dreg:$0xd] =	wrdreg s0;
	s20 =	simm.s32 $0x13880  }
0x10: {  	s25 =	simm.s32 $0x1D880;
	s14 =	sadd.s32 s1, s6;
	s11 =	sadd.s32 s5, s1  }
0x11: {  	s0 =	simm.s32 $0x7;
	s7 =	sadd.s32 $0xCE00, s14;
	[dreg:$0x5] =	wrdreg s11  }
0x12: {  	s6 =	sadd.s32 s8, s6;
	s18 =	sadd.s32 $0xA, s11;
	[dreg:$0x4] =	wrdreg s7  }
0x13: {  	s8 =	sshrl.u32 s16, $0x4;
	s19 =	sadd.s32 $0x14, s11;
	[dreg:$0x6] =	wrdreg s18  }
0x14: {  	s1 =	sshrl.u32 s24, $0x3;
	s22 =	sadd.s32 $0x4CE, s11;
	[dreg:$0x7] =	wrdreg s19  }
0x15: {  	s16 =	simm.s32 $0x1B080;
	s23 =	sadd.s32 $0x4D8, s11;
	[dreg:$0x9] =	wrdreg s22  }
0x16: {  	s24 =	simm.s32 $0x50;
	s1 =	sadd.s32 s1, s5;
	[dreg:$0xa] =	wrdreg s23  }
0x17: {  	s11 =	simm.s32 $0x5;
	s7 =	sshrl.u32 s21, $0x2;
	[dreg:$0xb] =	wrdreg s1  }
0x18: {  	s1 =	sadd.s32 s26, s5;
	s18 =	sadd.s32 $0x16C00, s6;
	s21 =	simm.s32 $0xB  }
0x19: {  	s23 =	simm.s32 $0x1D800;
	s26 =	simm.s32 $0x2;
	s6 =	simm.s32 $0x3  }
0x1a: {  	v0 =	vimm.f32 $0.0e+00;
	s14 =	sadd.s32 s7, s3;
	[dreg:$0xc] =	wrdreg s1;
	s1 =	simm.s32 $0x1  }
.LBB2_1:
0x1b: {  	s7 =	rddreg [dreg:$0x4]  }
0x1c: {  	[tilespmem:s16], [sflag:$0xA] =	stream.linear.gather [hbm4b:s7+s4], $0x2710, $0x38;
	[tilespmem:$0x1D980] =	vst v63  }
0x1d: {  	s15 =	simm.s32 $0x3C0;
	s7 =	simm.s32 $0x70  }
.LBB2_2:
0x1e: {  	p0 =	sne.s32 s15, $0x9FC0;
	[tilespmem:s7+$0x13880] =	vst v0  }
0x1f: {  	[tilespmem:s7+$0x13810] =	vst v0  }
0x20: {  	[tilespmem:s7+$0x13820] =	vst v0  }
.Ltmp0:
0x21: {  	[tilespmem:s7+$0x13830] =	vst v0;
	(pc) =	sbr.rel @p0 .LBB2_2-.Ltmp0, $4  }
0x22: {  	[tilespmem:s7+$0x13840] =	vst v0  }
0x23: {  	[tilespmem:s7+$0x13850] =	vst v0  }
0x24: {  	[tilespmem:s7+$0x13860] =	vst v0  }
0x25: {  	[tilespmem:s7+$0x13870] =	vst v0;
	s7 =	sshra.s32 s15, $0x2;
	s15 =	sadd.s32 $0x200, s15  }
0x26: {  	[tilespmem:s7+$0x13880] =	vst v0  }
0x27: {  	[tilespmem:s7+$0x13810] =	vst v0  }
0x28: {  	[tilespmem:s7+$0x13820] =	vst v0  }
0x29: {  	[tilespmem:s7+$0x13830] =	vst v0  }
0x2a: {  	[tilespmem:s7+$0x13840] =	vst v0  }
0x2b: {  	[tilespmem:s7+$0x13850] =	vst v0;
	p0 =	sne.s32 s8, $0x1  }
.Ltmp1:
0x2c: {  	[tilespmem:s7+$0x13860] =	vst v0;
	(pc) =	sbr.rel @!p0 .LBB2_5-.Ltmp1, $4  }
0x2d: {  	[tilespmem:s7+$0x13870] =	vst v0  }
0x2e: {  	[spmem:s14] =	stream.linear.scatter [tilespmem:s20], [sflag:$0xB], $0x2800, $0x38;
	[tilespmem:$0x1D980] =	vst v63  }
0x2f: {  	_ =	swait.ge [sflag:s21], $0x2800  }
0x30: {  	s7 =	sadd.s32 $0xFFFFFFFF, s8;
	s15 =	smov.u32 s14;
	[sflag:s21] =	ssyncset.done $0x0  }
.LBB2_4:
0x31: {  	p1 =	sne.s32 s7, $0x1;
	[sflag:s21] =	ssyncadd.s32 $0xFFFFD800;
	s15 =	sadd.s32 $0x28000, s15  }
.Ltmp2:
0x32: {  	s7 =	sadd.s32 $0xFFFFFFFF, s7;
	(pc) =	sbr.rel @p1 .LBB2_4-.Ltmp2, $4  }
0x33: {  	_ = 	snop  }
0x34: {  	[spmem:s15] =	stream.linear.scatter [tilespmem:s20], [sflag:$0xB], $0x2800, $0x38;
	[tilespmem:$0x1D980] =	vst v63  }
0x35: {  	_ =	swait.ge [sflag:s21], $0x2800  }
0x36: {  	[sflag:s21] =	ssyncset.done $0x0  }
.LBB2_5:
0x37: {  	[sflag:s21] =	ssyncadd.s32 $0xFFFFD800;
	s7 =	simm.s32 $0xA  }
0x38: {  	_ =	swait.ge [sflag:s7], $0x2710  }
0x39: {  	[sflag:s7] =	ssyncset.done $0x0  }
0x3a: {  	[sflag:s7] =	ssyncadd.s32 $0xFFFFD8F0  }
0x3b: {  	[bflag:$0x0] =	sbarrier.arrive $0xFFFF  }
0x3c: {  	s22 =	simm.s32 $0x0;
	s15 =	rddreg [dreg:$0x5]  }
0x3d: {  	[tilespmem:s23], [sflag:$0x7] =	stream.linear.gather [hbm4b:s15+s22], $0x50, $0x38;
	[tilespmem:$0x1D980] =	vst v63  }
0x3e: {  	_ = 	snop  }
0x3f: {  	[tilespmem:s20], [sflag:$0x1] =	stream.indirect.gather [hbm4b:s2+s24], $0x80, s16, s24, $0xb8;
	[tilespmem:$0x1D980] =	vst v63  }
0x40: {  	s16 =	rddreg [dreg:$0x6]  }
0x41: {  	[tilespmem:s25], [sflag:$0x8] =	stream.linear.gather [hbm4b:s16+s22], $0x50, $0x38;
	[tilespmem:$0x1D980] =	vst v63  }
0x42: {  	s17 =	simm.s32 $0x1B0D0  }
0x43: {  	[tilespmem:s28], [sflag:$0x2] =	stream.indirect.gather [hbm4b:s2+s24], $0x80, s17, s24, $0xb8;
	[tilespmem:$0x1D980] =	vst v63  }
0x44: {  	s19 =	rddreg [dreg:$0x7]  }
0x45: {  	[tilespmem:s29], [sflag:$0x9] =	stream.linear.gather [hbm4b:s19+s22], $0x50, $0x38;
	[tilespmem:$0x1D980] =	vst v63  }
0x46: {  	s22 =	simm.s32 $0x1B120  }
0x47: {  	[tilespmem:s31], [sflag:$0x3] =	stream.indirect.gather [hbm4b:s2+s24], $0x80, s22, s24, $0xb8;
	[tilespmem:$0x1D980] =	vst v63  }
0x48: {  	_ =	swait.ge [sflag:s1], $0x2800  }
0x49: {  	[sflag:s1] =	ssyncset.done $0x0  }
0x4a: {  	[sflag:s1] =	ssyncadd.s32 $0xFFFFD800  }
0x4b: {  	_ =	swait.ge [sflag:s0], $0x50  }
0x4c: {  	[sflag:s0] =	ssyncset.done $0x0  }
0x4d: {  	[sflag:s0] =	ssyncadd.s32 $0xFFFFFFB0  }
0x4e: {  	[spmem:s3] =	stream.indirect.scatter.add.f32 [tilespmem:s20], [sflag:$0x4], $0x80, s23, s24, $0xb8;
	[tilespmem:$0x1D980] =	vst v63  }
0x4f: {  	_ =	swait.ge [sflag:s26], $0x2800  }
0x50: {  	[sflag:s26] =	ssyncset.done $0x0  }
0x51: {  	[sflag:s26] =	ssyncadd.s32 $0xFFFFD800  }
0x52: {  	_ =	swait.ge [sflag:s30], $0x50  }
0x53: {  	[sflag:s30] =	ssyncset.done $0x0  }
0x54: {  	[sflag:s30] =	ssyncadd.s32 $0xFFFFFFB0  }
0x55: {  	[spmem:s3] =	stream.indirect.scatter.add.f32 [tilespmem:s28], [sflag:$0x5], $0x80, s25, s24, $0xb8;
	[tilespmem:$0x1D980] =	vst v63  }
0x56: {  	_ =	swait.ge [sflag:s6], $0x2800  }
0x57: {  	[sflag:s6] =	ssyncset.done $0x0  }
0x58: {  	[sflag:s6] =	ssyncadd.s32 $0xFFFFD800  }
0x59: {  	_ =	swait.ge [sflag:s9], $0x50  }
0x5a: {  	[sflag:s9] =	ssyncset.done $0x0  }
0x5b: {  	[sflag:s9] =	ssyncadd.s32 $0xFFFFFFB0  }
0x5c: {  	[spmem:s3] =	stream.indirect.scatter.add.f32 [tilespmem:s31], [sflag:$0x6], $0x80, s29, s24, $0xb8;
	[tilespmem:$0x1D980] =	vst v63  }
0x5d: {  	_ =	swait.ge [sflag:s10], $0x2800  }
0x5e: {  	s16 =	rddreg [dreg:$0xd]  }
0x5f: {  	[sflag:s10] =	ssyncset.done $0x0;
	s15 =	sshrl.u32 s16, $0x3  }
0x60: {  	[sflag:s10] =	ssyncadd.s32 $0xFFFFD800;
	s7 =	sadd.s32 s5, s15  }
0x61: {  	[tilespmem:s23], [sflag:$0x7] =	stream.linear.gather [hbm4b:s7+s4], $0x50, $0x38;
	[tilespmem:$0x1D980] =	vst v63  }
0x62: {  	s17 =	simm.s32 $0x1B170  }
0x63: {  	[tilespmem:s20], [sflag:$0x1] =	stream.indirect.gather [hbm4b:s2+s24], $0x80, s17, s24, $0xb8;
	[tilespmem:$0x1D980] =	vst v63  }
0x64: {  	_ =	swait.ge [sflag:s11], $0x2800  }
0x65: {  	[sflag:s11] =	ssyncset.done $0x0  }
0x66: {  	s17 =	rddreg [dreg:$0xc];
	[sflag:s11] =	ssyncadd.s32 $0xFFFFD800  }
0x67: {  	[tilespmem:s25], [sflag:$0x8] =	stream.linear.gather [hbm4b:s17+s4], $0x50, $0x38;
	[tilespmem:$0x1D980] =	vst v63  }
0x68: {  	s19 =	simm.s32 $0x1B1C0  }
0x69: {  	[tilespmem:s28], [sflag:$0x2] =	stream.indirect.gather [hbm4b:s2+s24], $0x80, s19, s24, $0xb8;
	[tilespmem:$0x1D980] =	vst v63  }
0x6a: {  	_ =	swait.ge [sflag:s12], $0x2800  }
0x6b: {  	s7 =	sadd.s32 $0xF0, s16;
	[sflag:s12] =	ssyncset.done $0x0  }
0x6c: {  	s16 =	simm.s32 $0x1B210;
	s22 =	rddreg [dreg:$0xb];
	[sflag:s12] =	ssyncadd.s32 $0xFFFFD800  }
0x6d: {  	[tilespmem:s29], [sflag:$0x9] =	stream.linear.gather [hbm4b:s22+s4], $0x50, $0x38;
	[tilespmem:$0x1D980] =	vst v63  }
0x6e: {  	s15 =	sadd.s32 $0x1E, s17;
	s19 =	simm.s32 $0x3C0;
	s22 =	sadd.s32 $0x1E, s22  }
.LBB2_6:
0x6f: {  	[tilespmem:s31], [sflag:$0x3] =	stream.indirect.gather [hbm4b:s2+s24], $0x80, s16, s24, $0xb8;
	[tilespmem:$0x1D980] =	vst v63  }
0x70: {  	s16 =	smov.u32 s19  }
0x71: {  	p1 =	sne.s32 s19, $0x9240;
	s19 =	sadd.s32 $0x3C0, s19;
	_ =	swait.ge [sflag:s1], $0x2800  }
0x72: {  	[sflag:s1] =	ssyncset.done $0x0  }
0x73: {  	[sflag:s1] =	ssyncadd.s32 $0xFFFFD800  }
0x74: {  	_ =	swait.ge [sflag:s0], $0x50  }
0x75: {  	[sflag:s0] =	ssyncset.done $0x0  }
0x76: {  	[sflag:s0] =	ssyncadd.s32 $0xFFFFFFB0  }
0x77: {  	[spmem:s3] =	stream.indirect.scatter.add.f32 [tilespmem:s20], [sflag:$0x4], $0x80, s23, s24, $0xb8;
	[tilespmem:$0x1D980] =	vst v63  }
0x78: {  	_ =	swait.ge [sflag:s26], $0x2800  }
0x79: {  	[sflag:s26] =	ssyncset.done $0x0  }
0x7a: {  	[sflag:s26] =	ssyncadd.s32 $0xFFFFD800  }
0x7b: {  	_ =	swait.ge [sflag:s30], $0x50  }
0x7c: {  	[sflag:s30] =	ssyncset.done $0x0  }
0x7d: {  	[sflag:s30] =	ssyncadd.s32 $0xFFFFFFB0  }
0x7e: {  	[spmem:s3] =	stream.indirect.scatter.add.f32 [tilespmem:s28], [sflag:$0x5], $0x80, s25, s24, $0xb8;
	[tilespmem:$0x1D980] =	vst v63  }
0x7f: {  	_ =	swait.ge [sflag:s6], $0x2800  }
0x80: {  	[sflag:s6] =	ssyncset.done $0x0  }
0x81: {  	[sflag:s6] =	ssyncadd.s32 $0xFFFFD800  }
0x82: {  	_ =	swait.ge [sflag:s9], $0x50  }
0x83: {  	[sflag:s9] =	ssyncset.done $0x0  }
0x84: {  	[sflag:s9] =	ssyncadd.s32 $0xFFFFFFB0  }
0x85: {  	[spmem:s3] =	stream.indirect.scatter.add.f32 [tilespmem:s31], [sflag:$0x6], $0x80, s29, s24, $0xb8;
	[tilespmem:$0x1D980] =	vst v63  }
0x86: {  	_ =	swait.ge [sflag:s10], $0x2800  }
0x87: {  	s17 =	sshrl.u32 s7, $0x3;
	[sflag:s10] =	ssyncset.done $0x0  }
0x88: {  	s17 =	sadd.s32 s5, s17;
	s16 =	sshra.s32 s16, $0x2;
	[sflag:s10] =	ssyncadd.s32 $0xFFFFD800  }
0x89: {  	[tilespmem:s23], [sflag:$0x7] =	stream.linear.gather [hbm4b:s17+s4], $0x50, $0x38;
	[tilespmem:$0x1D980] =	vst v63  }
0x8a: {  	s17 =	sadd.s32 $0x1B170, s16  }
0x8b: {  	[tilespmem:s20], [sflag:$0x1] =	stream.indirect.gather [hbm4b:s2+s24], $0x80, s17, s24, $0xb8;
	[tilespmem:$0x1D980] =	vst v63  }
0x8c: {  	_ =	swait.ge [sflag:s11], $0x2800  }
0x8d: {  	[sflag:s11] =	ssyncset.done $0x0  }
0x8e: {  	[sflag:s11] =	ssyncadd.s32 $0xFFFFD800  }
0x8f: {  	[tilespmem:s25], [sflag:$0x8] =	stream.linear.gather [hbm4b:s15+s4], $0x50, $0x38;
	[tilespmem:$0x1D980] =	vst v63  }
0x90: {  	s17 =	sadd.s32 $0x1B1C0, s16  }
0x91: {  	[tilespmem:s28], [sflag:$0x2] =	stream.indirect.gather [hbm4b:s2+s24], $0x80, s17, s24, $0xb8;
	[tilespmem:$0x1D980] =	vst v63  }
.Ltmp3:
0x92: {  	_ =	swait.ge [sflag:s12], $0x2800;
	(pc) =	sbr.rel @p1 .LBB2_6-.Ltmp3, $4  }
0x93: {  	[sflag:s12] =	ssyncset.done $0x0  }
0x94: {  	s7 =	sadd.s32 $0xF0, s7;
	[sflag:s12] =	ssyncadd.s32 $0xFFFFD800  }
0x95: {  	[tilespmem:s29], [sflag:$0x9] =	stream.linear.gather [hbm4b:s22+s4], $0x50, $0x38;
	[tilespmem:$0x1D980] =	vst v63  }
0x96: {  	s16 =	sadd.s32 $0x1B210, s16;
	s15 =	sadd.s32 $0x1E, s15;
	s22 =	sadd.s32 $0x1E, s22  }
0x97: {  	[tilespmem:s31], [sflag:$0x3] =	stream.indirect.gather [hbm4b:s2+s24], $0x80, s16, s24, $0xb8;
	[tilespmem:$0x1D980] =	vst v63  }
0x98: {  	_ =	swait.ge [sflag:s1], $0x2800  }
0x99: {  	[sflag:s1] =	ssyncset.done $0x0  }
0x9a: {  	[sflag:s1] =	ssyncadd.s32 $0xFFFFD800  }
0x9b: {  	_ =	swait.ge [sflag:s0], $0x50  }
0x9c: {  	[sflag:s0] =	ssyncset.done $0x0  }
0x9d: {  	[sflag:s0] =	ssyncadd.s32 $0xFFFFFFB0  }
0x9e: {  	[spmem:s3] =	stream.indirect.scatter.add.f32 [tilespmem:s20], [sflag:$0x4], $0x80, s23, s24, $0xb8;
	[tilespmem:$0x1D980] =	vst v63  }
0x9f: {  	_ =	swait.ge [sflag:s26], $0x2800  }
0xa0: {  	[sflag:s26] =	ssyncset.done $0x0  }
0xa1: {  	[sflag:s26] =	ssyncadd.s32 $0xFFFFD800  }
0xa2: {  	_ =	swait.ge [sflag:s30], $0x50  }
0xa3: {  	[sflag:s30] =	ssyncset.done $0x0  }
0xa4: {  	[sflag:s30] =	ssyncadd.s32 $0xFFFFFFB0  }
0xa5: {  	[spmem:s3] =	stream.indirect.scatter.add.f32 [tilespmem:s28], [sflag:$0x5], $0x80, s25, s24, $0xb8;
	[tilespmem:$0x1D980] =	vst v63  }
0xa6: {  	_ =	swait.ge [sflag:s6], $0x2800  }
0xa7: {  	[sflag:s6] =	ssyncset.done $0x0  }
0xa8: {  	[sflag:s6] =	ssyncadd.s32 $0xFFFFD800  }
0xa9: {  	_ =	swait.ge [sflag:s9], $0x50  }
0xaa: {  	[sflag:s9] =	ssyncset.done $0x0  }
0xab: {  	[sflag:s9] =	ssyncadd.s32 $0xFFFFFFB0  }
0xac: {  	[spmem:s3] =	stream.indirect.scatter.add.f32 [tilespmem:s31], [sflag:$0x6], $0x80, s29, s24, $0xb8;
	[tilespmem:$0x1D980] =	vst v63  }
0xad: {  	_ =	swait.ge [sflag:s10], $0x2800  }
0xae: {  	[sflag:s10] =	ssyncset.done $0x0  }
0xaf: {  	s7 =	rddreg [dreg:$0x9];
	[sflag:s10] =	ssyncadd.s32 $0xFFFFD800  }
0xb0: {  	[tilespmem:s23], [sflag:$0x7] =	stream.linear.gather [hbm4b:s7+s4], $0x50, $0x38;
	[tilespmem:$0x1D980] =	vst v63  }
0xb1: {  	s17 =	simm.s32 $0x1D6F0  }
0xb2: {  	[tilespmem:s20], [sflag:$0x1] =	stream.indirect.gather [hbm4b:s2+s24], $0x80, s17, s24, $0xb8;
	[tilespmem:$0x1D980] =	vst v63  }
0xb3: {  	_ =	swait.ge [sflag:s11], $0x2800  }
0xb4: {  	[sflag:s11] =	ssyncset.done $0x0  }
0xb5: {  	s19 =	rddreg [dreg:$0xa];
	[sflag:s11] =	ssyncadd.s32 $0xFFFFD800  }
0xb6: {  	[tilespmem:s25], [sflag:$0x8] =	stream.linear.gather [hbm4b:s19+s4], $0x50, $0x38;
	[tilespmem:$0x1D980] =	vst v63  }
0xb7: {  	s22 =	simm.s32 $0x1D740  }
0xb8: {  	[tilespmem:s28], [sflag:$0x2] =	stream.indirect.gather [hbm4b:s2+s24], $0x80, s22, s24, $0xb8;
	[tilespmem:$0x1D980] =	vst v63  }
0xb9: {  	_ =	swait.ge [sflag:s12], $0x2800  }
0xba: {  	[sflag:s12] =	ssyncset.done $0x0  }
0xbb: {  	[sflag:s12] =	ssyncadd.s32 $0xFFFFD800  }
0xbc: {  	_ =	swait.ge [sflag:s1], $0x2800  }
0xbd: {  	[sflag:s1] =	ssyncset.done $0x0  }
0xbe: {  	[sflag:s1] =	ssyncadd.s32 $0xFFFFD800  }
0xbf: {  	_ =	swait.ge [sflag:s0], $0x50  }
0xc0: {  	[sflag:s0] =	ssyncset.done $0x0  }
0xc1: {  	[sflag:s0] =	ssyncadd.s32 $0xFFFFFFB0  }
0xc2: {  	[spmem:s3] =	stream.indirect.scatter.add.f32 [tilespmem:s20], [sflag:$0xB], $0x80, s23, s24, $0xb8;
	[tilespmem:$0x1D980] =	vst v63  }
0xc3: {  	_ =	swait.ge [sflag:s21], $0x2800  }
0xc4: {  	[sflag:s21] =	ssyncset.done $0x0  }
0xc5: {  	[sflag:s21] =	ssyncadd.s32 $0xFFFFD800  }
0xc6: {  	_ =	swait.ge [sflag:s26], $0x2800  }
0xc7: {  	[sflag:s26] =	ssyncset.done $0x0  }
0xc8: {  	[sflag:s26] =	ssyncadd.s32 $0xFFFFD800  }
0xc9: {  	_ =	swait.ge [sflag:s30], $0x50  }
0xca: {  	[sflag:s30] =	ssyncset.done $0x0  }
0xcb: {  	[sflag:s30] =	ssyncadd.s32 $0xFFFFFFB0  }
0xcc: {  	[spmem:s3] =	stream.indirect.scatter.add.f32 [tilespmem:s28], [sflag:$0xB], $0x80, s25, s24, $0xb8;
	[tilespmem:$0x1D980] =	vst v63  }
0xcd: {  	_ =	swait.ge [sflag:s21], $0x2800  }
0xce: {  	[sflag:s21] =	ssyncset.done $0x0  }
0xcf: {  	[sflag:s21] =	ssyncadd.s32 $0xFFFFD800  }
0xd0: {  	[bflag:$0x0] =	sbarrier.arrive $0xFFFF  }
0xd1: {  	[tilespmem:s20], [sflag:$0xB] =	stream.linear.gather [spmem:s14], $0x2800, $0x38;
	[tilespmem:$0x1D980] =	vst v63  }
0xd2: {  	_ =	swait.ge [sflag:s21], $0x2800  }
.Ltmp4:
0xd3: {  	[sflag:s21] =	ssyncset.done $0x0;
	(pc) =	sbr.rel @!p0 .LBB2_9-.Ltmp4, $4  }
0xd4: {  	[sflag:s21] =	ssyncadd.s32 $0xFFFFD800  }
0xd5: {  	[hbm4b:s18+s4] =	stream.linear.scatter [tilespmem:s20], [sflag:$0xB], $0x2800, $0x38;
	[tilespmem:$0x1D980] =	vst v63  }
0xd6: {  	s15 =	smov.u32 s14;
	_ =	swait.ge [sflag:s21], $0x2800  }
0xd7: {  	s7 =	sadd.s32 $0xFFFFFFFF, s8;
	s19 =	smov.u32 s18;
	[sflag:s21] =	ssyncset.done $0x0  }
.LBB2_8:
0xd8: {  	[sflag:s21] =	ssyncadd.s32 $0xFFFFD800;
	s15 =	sadd.s32 $0x28000, s15;
	s19 =	sadd.s32 $0x5000, s19  }
0xd9: {  	[tilespmem:s20], [sflag:$0xB] =	stream.linear.gather [spmem:s15], $0x2800, $0x38;
	[tilespmem:$0x1D980] =	vst v63  }
0xda: {  	p0 =	sne.s32 s7, $0x1;
	s7 =	sadd.s32 $0xFFFFFFFF, s7;
	_ =	swait.ge [sflag:s21], $0x2800  }
.Ltmp5:
0xdb: {  	[sflag:s21] =	ssyncset.done $0x0;
	(pc) =	sbr.rel @p0 .LBB2_8-.Ltmp5, $4  }
0xdc: {  	[sflag:s21] =	ssyncadd.s32 $0xFFFFD800  }
0xdd: {  	[hbm4b:s19+s4] =	stream.linear.scatter [tilespmem:s20], [sflag:$0xB], $0x2800, $0x38;
	[tilespmem:$0x1D980] =	vst v63  }
0xde: {  	_ =	swait.ge [sflag:s21], $0x2800  }
0xdf: {  	[sflag:s21] =	ssyncset.done $0x0  }
.LBB2_9:
0xe0: {  	s13 =	sadd.s32 $0x1, s13;
	s7 =	rddreg [dreg:$0x8]  }
0xe1: {  	p0 =	sne.s32 s13, s7  }
.Ltmp6:
0xe2: {  	_ = 	snop;
	(pc) =	sbr.rel @p0 .LBB2_1-.Ltmp6, $2  }
0xe3: {  	_ =	sdelay $0x2  }
0xe4: {  	[sflag:s21] =	ssyncadd.s32 $0xFFFFD800;
	s16 =	simm.s32 $0x1B080  }
0xe5: {  	_ =	sfence.sel $0x180000  }
0xe6: {  	[bflag:$0x0] =	sbarrier.arrive $0xFFFF  }
0xe7: {  	_ =	strace $0x90000047  }
0xe8: {  	s0 =	stileid.u32;
	[bflag:$0x2] =	sbarrier.arrive $0xFFFF  }
0xe9: {  	p0 =	sne.s32 s0, $0x0;
	s0 =	rddreg [dreg:$0x3]  }
0xea: {  	s0 =	sadd.s32 @!p0 $0x100000, s0  }
0xeb: {  	[sflag:s0] =	ssyncadd.tile.s32 @!p0 $0x1;
	_ =	shalt  }
.Lfunc_end2:
_tile_overlayer_lowered:
.L_overlay_start_2:
0xec: {  	(tag) =	ssettag $0x2  }
0xed: {  	s0 =	rddreg [dreg:$0x0];
	s2 =	stileid.u32  }
0xee: {  	s1 =	rddreg [dreg:$0x1];
	p0 =	sne.s32 s2, $0x0  }
0xef: {  	s3 =	rddreg [dreg:$0x2];
	[bflag:$0x3] =	sbarrier.arrive $0xFFFF;
	s2 =	simm.s32 @!p0 $0x1C0B  }
0xf0: {  	[timem:s3], [sflag:s2] =	dma.local @!p0 [hbm:s0], s1  }
0xf1: {  	s0 =	simm.s32 @!p0 $0xB  }
0xf2: {  	_ =	swait.ge @!p0 [sflag:s0], s1  }
0xf3: {  	s1 =	ssub.s32 @!p0 $0x0, s1;
	[sflag:s0] =	ssyncset.done @!p0 $0x0  }
0xf4: {  	[sflag:s0] =	ssyncadd.s32 @!p0 s1  }
0xf5: {  	[bflag:$0x3] =	sbarrier.arrive $0xFFFF  }
0xf6: {  	_ =	shalt  }

// kernel: kernel.15.cloned.1.call-start
scs
__scs_entry_jumppad:
0x0: {  	(pc) =	sbr.rel $0x88, $3  }
0x1: {  	(tag) =	ssettag $0x0;
	lr =	simm.s32 $0x1  }
0x2: {  	[smem:$0x3F96] =	sst lr;
	_ =	strace $0xD0000000  }
0x3: {  	_ = 	snop  }
0x4: {  	_ = 	snop  }
0x5: {  	_ = 	snop  }
0x6: {  	_ = 	snop  }
0x7: {  	_ = 	snop  }
__scs_overlays_trampoline_lowered:
0x8: {  	[smem:$0x3FA5] =	sst s0  }
0x9: {  	[smem:$0x3FA6] =	sst s1  }
0xa: {  	[smem:$0x3FA7] =	sst s2  }
0xb: {  	[smem:$0x3FA8] =	sst s3  }
0xc: {  	[smem:$0x3FA9] =	sst s4  }
0xd: {  	[smem:$0x3FAA] =	sst s5  }
0xe: {  	[smem:$0x3FAB] =	sst s6  }
0xf: {  	[smem:$0x3FAC] =	sst s7  }
0x10: {  	[smem:$0x3FAD] =	sst s8  }
0x11: {  	[smem:$0x3FAE] =	sst s9;
	s0 =	simm.s32 @!p0 $0x0  }
0x12: {  	s1 =	sld [smem:$0x3F94];
	s0 =	simm.s32 @p0 $0x1  }
0x13: {  	[smem:$0x3FAF] =	sst s0;
	s0 =	simm.s32 @!p1 $0x0  }
0x14: {  	s2 =	sld [smem:$0x3F93];
	s0 =	simm.s32 @p1 $0x1  }
0x15: {  	[smem:$0x3FB0] =	sst s0;
	s0 =	simm.s32 @!p2 $0x0  }
0x16: {  	s3 =	sld [smem:$0x3FDB];
	s0 =	simm.s32 @p2 $0x1  }
0x17: {  	s4 =	simm.s32 $0x1BF5;
	[smem:$0x3FB2] =	sst s0  }
0x18: {  	s0 =	sld [smem:$0x3F95];
	_ =	swait.ge [sflag:s4], $0x0  }
0x19: {  	s7 =	sld [smem:$0x3F96]  }
0x1a: {  	s8 =	sadd.s32 $0xFFFFE003, lr  }
0x1b: {  	s9 =	sadd.s32 $0xFFFFFEF7, lr;
	s5 =	simm.s32 $0xFFFFFFFF;
	p2 =	slt.u32 s8, $0xFFFFF086  }
0x1c: {  	p1 =	slt.u32 s9, $0xF7A;
	s5 =	simm.s32 @!p2 $0x0  }
0x1d: {  	s5 =	simm.s32 @p1 $0x1;
	p0 =	seq.s32 s7, s2  }
0x1e: {  	s7 =	smul.u32 @!p0 $0xF7A, s2;
	p2 =	seq.s32 @!p0 s5, $0x0  }
0x1f: {  	s9 =	smul.u32 $0xF7A, s1;
	s8 =	simm.s32 @!p0 $0x1BF5;
	p2 =	por !p2, p0  }
0x20: {  	[sflag:s8] =	ssyncset.s32 @!p0 $0xFFFFF086;
	s6 =	sadd.s32 @!p0 s3, s7;
	s7 =	simm.s32 @!p0 $0x108  }
0x21: {  	s3 =	sadd.s32 s3, s9;
	s6 =	sadd.s32 @!p0 $0x88, s6;
	s7 =	simm.s32 @p2 $0x1082  }
0x22: {  	[simem:s7], [sflag:s8] =	dma.local @!p0 [hbm:s6], $0xF7A  }
0x23: {  	s9 =	sor.u32 $0xD0000000, s2;
	s6 =	simm.s32 $0x108;
	_ =	swait.ge @!p0 [sflag:s8], $0x0  }
0x24: {  	s3 =	sadd.s32 $0x88, s3;
	s6 =	simm.s32 @!p1 $0x1082;
	[sflag:s4] =	ssyncset.s32 $0xFFFFF086  }
0x25: {  	[simem:s6], [sflag:s4] =	dma.local [hbm:s3], $0xF7A  }
0x26: {  	[smem:$0x3F96] =	sst s1;
	(tag) =	ssettag s2;
	_ =	strace s9  }
0x27: {  	s1 =	sld [smem:$0x3FA6]  }
0x28: {  	s2 =	sld [smem:$0x3FA7]  }
0x29: {  	s4 =	sld [smem:$0x3FA9]  }
0x2a: {  	p0 =	seq.s32 s5, $0x0;
	s5 =	sld [smem:$0x3FAA]  }
0x2b: {  	s6 =	sld [smem:$0x3FAB]  }
0x2c: {  	s7 =	sld [smem:$0x3FAC]  }
0x2d: {  	s3 =	simm.s32 $0x108;
	s8 =	sld [smem:$0x3FAD]  }
0x2e: {  	s3 =	simm.s32 @!p0 $0x1082;
	s9 =	sld [smem:$0x3FAE]  }
0x2f: {  	lr =	sadd.s32 s0, s3;
	s0 =	sld [smem:$0x3FA5]  }
0x30: {  	s3 =	sld [smem:$0x3FA8]  }
0x31: {  	[smem:$0x3FB1] =	sst s10  }
0x32: {  	s10 =	sld [smem:$0x3FAF];
	_ =	sdelay $0x3  }
0x33: {  	p0 =	seq.s32 s10, $0x1;
	s10 =	sld [smem:$0x3FB1];
	_ =	sdelay $0x3  }
0x34: {  	[smem:$0x3FB1] =	sst s10  }
0x35: {  	s10 =	sld [smem:$0x3FB0];
	_ =	sdelay $0x3  }
0x36: {  	p1 =	seq.s32 s10, $0x1;
	s10 =	sld [smem:$0x3FB1];
	_ =	sdelay $0x3  }
0x37: {  	[smem:$0x3FB1] =	sst s10  }
0x38: {  	s10 =	sld [smem:$0x3FB2]  }
0x39: {  	_ = 	snop;
	(pc) =	sbr.ind lr, $3  }
0x3a: {  	_ = 	snop  }
0x3b: {  	_ = 	snop  }
0x3c: {  	p2 =	seq.s32 s10, $0x1;
	s10 =	sld [smem:$0x3FB1]  }
0x3d: {  	_ =	shalt  }
0x3e: {  	_ =	shalt  }
0x3f: {  	_ =	shalt  }
0x40: {  	_ =	shalt  }
0x41: {  	_ =	shalt  }
0x42: {  	_ =	shalt  }
0x43: {  	_ =	shalt  }
0x44: {  	_ =	shalt  }
0x45: {  	_ =	shalt  }
0x46: {  	_ =	shalt  }
0x47: {  	_ =	shalt  }
0x48: {  	_ =	shalt  }
0x49: {  	_ =	shalt  }
0x4a: {  	_ =	shalt  }
0x4b: {  	_ =	shalt  }
0x4c: {  	_ =	shalt  }
0x4d: {  	_ =	shalt  }
0x4e: {  	_ =	shalt  }
0x4f: {  	_ =	shalt  }
0x50: {  	_ =	shalt  }
0x51: {  	_ =	shalt  }
0x52: {  	_ =	shalt  }
0x53: {  	_ =	shalt  }
0x54: {  	_ =	shalt  }
0x55: {  	_ =	shalt  }
0x56: {  	_ =	shalt  }
0x57: {  	_ =	shalt  }
0x58: {  	_ =	shalt  }
0x59: {  	_ =	shalt  }
0x5a: {  	_ =	shalt  }
0x5b: {  	_ =	shalt  }
0x5c: {  	_ =	shalt  }
0x5d: {  	_ =	shalt  }
0x5e: {  	_ =	shalt  }
0x5f: {  	_ =	shalt  }
0x60: {  	_ =	shalt  }
0x61: {  	_ =	shalt  }
0x62: {  	_ =	shalt  }
0x63: {  	_ =	shalt  }
0x64: {  	_ =	shalt  }
0x65: {  	_ =	shalt  }
0x66: {  	_ =	shalt  }
0x67: {  	_ =	shalt  }
0x68: {  	_ =	shalt  }
0x69: {  	_ =	shalt  }
0x6a: {  	_ =	shalt  }
0x6b: {  	_ =	shalt  }
0x6c: {  	_ =	shalt  }
0x6d: {  	_ =	shalt  }
0x6e: {  	_ =	shalt  }
0x6f: {  	_ =	shalt  }
0x70: {  	_ =	shalt  }
0x71: {  	_ =	shalt  }
0x72: {  	_ =	shalt  }
0x73: {  	_ =	shalt  }
0x74: {  	_ =	shalt  }
0x75: {  	_ =	shalt  }
0x76: {  	_ =	shalt  }
0x77: {  	_ =	shalt  }
0x78: {  	_ =	shalt  }
0x79: {  	_ =	shalt  }
0x7a: {  	_ =	shalt  }
0x7b: {  	_ =	shalt  }
0x7c: {  	_ =	shalt  }
0x7d: {  	_ =	shalt  }
0x7e: {  	_ =	shalt  }
0x7f: {  	_ =	shalt  }
0x80: {  	_ =	shalt  }
0x81: {  	_ =	shalt  }
0x82: {  	_ =	shalt  }
0x83: {  	_ =	shalt  }
0x84: {  	_ =	shalt  }
0x85: {  	_ =	shalt  }
0x86: {  	_ =	shalt  }
0x87: {  	_ =	shalt  }
.Lfunc_end0:
.L_simem_size_0:
called_computation.2_lowered:
.L_overlay_start_0:
0x88: {  	s2 =	sld [smem:$0x3FD9]  }
0x89: {  	s3 =	sld [smem:$0x3FFE];
	_ =	sdelay $0x1  }
0x8a: {  	s1 =	srdreg.scid  }
0x8b: {  	s0 =	sand.u32 $0x1, s1  }
0x8c: {  	s17 =	sshll.u32 s0, $0xA;
	s2 =	sadd.s32 s3, s2  }
0x8d: {  	s2 =	sadd.s32 s2, s17  }
0x8e: {  	[smem:$0x3FBD] =	sst s2  }
0x8f: {  	_ = 	snop  }
0x90: {  	s2 =	sld [smem:$0x3FD0];
	(tm) =	ssettm $0x1  }
0x91: {  	s18 =	sld [smem:$0x3FFB];
	_ =	sdelay $0x3  }
0x92: {  	_ =	strace s18  }
0x93: {  	s3 =	sld [smem:$0x3FFC];
	_ =	sdelay $0x3  }
0x94: {  	_ =	strace s3  }
0x95: {  	s3 =	sld [smem:$0x3FFD];
	_ =	sdelay $0x3  }
0x96: {  	_ =	strace s3  }
0x97: {  	_ =	strace $0x8FFFFFFF  }
0x98: {  	s19 =	sld [smem:$0x3FDB];
	_ =	sdelay $0x1  }
0x99: {  	s4 =	simm.s32 $_scs_section_size  }
0x9a: {  	s5 =	simm.s32 $_size__tile_overlayer_lowered;
	s6 =	simm.s32 $_tile_overlayer_lowered  }
0x9b: {  	s22 =	simm.s32 $0x1BFF;
	s21 =	sshll.u32 s6, $0x1;
	s3 =	sadd.s32 s4, s19  }
0x9c: {  	s7 =	simm.s32 $0x0;
	s20 =	sshll.u32 s5, $0x1;
	s5 =	sadd.s32 s21, s3  }
0x9d: {  	[timem:s7], [sflag:s22] =	dma.local [hbm:s5], s20  }
0x9e: {  	_ =	swait.ge [sflag:s22], s20  }
0x9f: {  	s4 =	ssub.s32 $0x0, s20;
	[sflag:s22] =	ssyncset.done $0x0  }
0xa0: {  	[sflag:s22] =	ssyncadd.s32 s4;
	_ =	sdelay $0x1  }
0xa1: {  	s23 =	simm.s32 $0x1B8B  }
0xa2: {  	_ =	swait.ge [sflag:s23], $0x1  }
0xa3: {  	[sflag:s23] =	ssyncset.done $0x0  }
0xa4: {  	s25 =	simm.s32 $0x1B8E;
	s24 =	sld [smem:$0x3FFE];
	[sflag:s23] =	ssyncadd.s32 $0xFFFFFFFF  }
0xa5: {  	s26 =	simm.s32 $execute0_lowered;
	[smem:$0x3FD2] =	sst s25  }
0xa6: {  	s5 =	sshll.u32 s26, $0x1;
	_ =	strace $0x8000004C;
	[dreg:$0x1] =	wrdreg $0xFFFFFFFF  }
0xa7: {  	s28 =	simm.s32 $_size_execute0_lowered;
	s3 =	sadd.s32 s3, s5;
	[dreg:$0x0] =	wrdreg $0x0  }
0xa8: {  	s5 =	sshll.u32 s28, $0x1;
	[dreg:$0x2] =	wrdreg s3  }
0xa9: {  	[dreg:$0x3] =	wrdreg s5  }
0xaa: {  	[dreg:$0x4] =	wrdreg $0xC0  }
0xab: {  	_ =	task [dreg:s7], $0x5FFFF  }
0xac: {  	[dreg:$0x1] =	wrdreg $0xFFFFFFFF  }
0xad: {  	[dreg:$0x0] =	wrdreg $0x60  }
0xae: {  	[dreg:$0x2] =	wrdreg s2  }
0xaf: {  	[dreg:$0x3] =	wrdreg s24  }
0xb0: {  	[dreg:$0x4] =	wrdreg $0x0  }
0xb1: {  	[dreg:$0x5] =	wrdreg $0x9  }
0xb2: {  	_ =	task.clear_ibuf [dreg:s7], $0x6FFFF;
	_ =	strace $0x9000004C  }
0xb3: {  	s29 =	simm.s32 $0x9;
	_ =	strace $0x8000004E  }
0xb4: {  	_ =	swait.ge [sflag:s29], $0x1  }
0xb5: {  	[sflag:s29] =	ssyncadd.s32 $0xFFFFFFFF  }
0xb6: {  	_ =	strace $0x9000004E  }
0xb7: {  	_ =	sfence  }
0xb8: {  	s30 =	sld [smem:$0x0];
	_ =	sdelay $0x2  }
0xb9: {  	s31 =	sshll.u32 s1, $0xD;
	s1 =	sshrl.u32 s1, $0x2  }
0xba: {  	s3 =	sand.u32 $0x4000, s31;
	s1 =	sadd.s32 s1, s30  }
0xbb: {  	s0 =	sor.u32 s3, s0;
	s1 =	sshll.u32 s1, $0x11  }
0xbc: {  	s0 =	sor.u32 s1, s0  }
0xbd: {  	s0 =	sadd.s32 $0x8F2B, s0  }
0xbe: {  	[sflag:s0] =	ssyncadd.remote.s32 $0x1  }
0xbf: {  	_ =	sfence.sel $0xFFFF  }
0xc0: {  	[dreg:$0x0] =	wrdreg $0xFFFFFFFF;
	(pc) =	sbr.abs _section_cstart, $3  }
0xc1: {  	[dreg:$0x1] =	wrdreg $0xFFFFFFFF  }
0xc2: {  	_ =	task.clear_ibuf [dreg:s7], $0x2FFFF;
	_ =	strace $0x9FFFFFFF  }
0xc3: {  	(tm) =	ssettm $0x7FFFFFFF  }
tec
execute0_lowered:
.L_overlay_start_1:
0x0: {  	(tag) =	ssettag $0x1  }
0x1: {  	s2 =	rddreg [dreg:$0x0]  }
0x2: {  	s0 =	srdreg.scid;
	s6 =	rddreg [dreg:$0x1]  }
0x3: {  	s10 =	stileid.u32;
	s3 =	rddreg [dreg:$0x2];
	s4 =	simm.s32 $0x0  }
0x4: {  	s28 =	simm.s32 $0x16080;
	s29 =	simm.s32 $0x1D900;
	s31 =	simm.s32 $0x18880  }
0x5: {  	s30 =	simm.s32 $0x8;
	s12 =	simm.s32 $0x6;
	s7 =	smul.u32 $0x2800, s10  }
0x6: {  	s13 =	simm.s32 $0x0;
	s0 =	sand.u32 $0x1, s0;
	s17 =	smul.u32 $0x2710, s10  }
0x7: {  	[smem:$0x7FF] =	sst s4;
	s16 =	ssub.s32 $0x8C, s10;
	s21 =	smul.u32 $0xA000, s10  }
0x8: {  	s1 =	sshll.u32 s0, $0x4;
	s5 =	smul.u32 $0x138800, s0;
	_ =	strace $0x8000004D  }
0x9: {  	s9 =	ssub.s32 $0x2, s0;
	s0 =	smul.u32 $0x27100, s0;
	s1 =	sor.u32 s10, s1  }
0xa: {  	s15 =	sshrl.u32 s9, $0x1;
	s10 =	simm.s32 $0x4;
	s1 =	smul.u32 $0x2710, s1  }
0xb: {  	s5 =	sadd.s32 s7, s5;
	s9 =	ssub.s32 s9, s15;
	s0 =	sadd.s32 s17, s0  }
0xc: {  	s8 =	sshrl.u32 s5, $0x3;
	s5 =	sadd.s32 $0x3000, s6;
	s20 =	smax.u32 s9, $0x1  }
0xd: {  	s24 =	sadd.s32 $0x190, s0;
	s25 =	sadd.s32 $0x140, s0;
	s0 =	sadd.s32 $0xF0, s0  }
0xe: {  	s9 =	simm.s32 $0x9;
	s1 =	sshrl.u32 s1, $0x3;
	[dreg:$0x8] =	wrdreg s20  }
0xf: {  	s26 =	sshrl.u32 s25, $0x3;
	[dreg:$0xd] =	wrdreg s0;
	s20 =	simm.s32 $0x13880  }
0x10: {  	s25 =	simm.s32 $0x1D880;
	s14 =	sadd.s32 s1, s6;
	s11 =	sadd.s32 s5, s1  }
0x11: {  	s0 =	simm.s32 $0x7;
	s7 =	sadd.s32 $0xCE00, s14;
	[dreg:$0x5] =	wrdreg s11  }
0x12: {  	s6 =	sadd.s32 s8, s6;
	s18 =	sadd.s32 $0xA, s11;
	[dreg:$0x4] =	wrdreg s7  }
0x13: {  	s8 =	sshrl.u32 s16, $0x4;
	s19 =	sadd.s32 $0x14, s11;
	[dreg:$0x6] =	wrdreg s18  }
0x14: {  	s1 =	sshrl.u32 s24, $0x3;
	s22 =	sadd.s32 $0x4CE, s11;
	[dreg:$0x7] =	wrdreg s19  }
0x15: {  	s16 =	simm.s32 $0x1B080;
	s23 =	sadd.s32 $0x4D8, s11;
	[dreg:$0x9] =	wrdreg s22  }
0x16: {  	s24 =	simm.s32 $0x50;
	s1 =	sadd.s32 s1, s5;
	[dreg:$0xa] =	wrdreg s23  }
0x17: {  	s11 =	simm.s32 $0x5;
	s7 =	sshrl.u32 s21, $0x2;
	[dreg:$0xb] =	wrdreg s1  }
0x18: {  	s1 =	sadd.s32 s26, s5;
	s18 =	sadd.s32 $0x16C00, s6;
	s21 =	simm.s32 $0xB  }
0x19: {  	s23 =	simm.s32 $0x1D800;
	s26 =	simm.s32 $0x2;
	s6 =	simm.s32 $0x3  }
0x1a: {  	v0 =	vimm.f32 $0.0e+00;
	s14 =	sadd.s32 s7, s3;
	[dreg:$0xc] =	wrdreg s1;
	s1 =	simm.s32 $0x1  }
.LBB2_1:
0x1b: {  	s7 =	rddreg [dreg:$0x4]  }
0x1c: {  	[tilespmem:s16], [sflag:$0xA] =	stream.linear.gather [hbm4b:s7+s4], $0x2710, $0x38;
	[tilespmem:$0x1D980] =	vst v63  }
0x1d: {  	s15 =	simm.s32 $0x3C0;
	s7 =	simm.s32 $0x70  }
.LBB2_2:
0x1e: {  	p0 =	sne.s32 s15, $0x9FC0;
	[tilespmem:s7+$0x13880] =	vst v0  }
0x1f: {  	[tilespmem:s7+$0x13810] =	vst v0  }
0x20: {  	[tilespmem:s7+$0x13820] =	vst v0  }
.Ltmp0:
0x21: {  	[tilespmem:s7+$0x13830] =	vst v0;
	(pc) =	sbr.rel @p0 .LBB2_2-.Ltmp0, $4  }
0x22: {  	[tilespmem:s7+$0x13840] =	vst v0  }
0x23: {  	[tilespmem:s7+$0x13850] =	vst v0  }
0x24: {  	[tilespmem:s7+$0x13860] =	vst v0  }
0x25: {  	[tilespmem:s7+$0x13870] =	vst v0;
	s7 =	sshra.s32 s15, $0x2;
	s15 =	sadd.s32 $0x200, s15  }
0x26: {  	[tilespmem:s7+$0x13880] =	vst v0  }
0x27: {  	[tilespmem:s7+$0x13810] =	vst v0  }
0x28: {  	[tilespmem:s7+$0x13820] =	vst v0  }
0x29: {  	[tilespmem:s7+$0x13830] =	vst v0  }
0x2a: {  	[tilespmem:s7+$0x13840] =	vst v0  }
0x2b: {  	[tilespmem:s7+$0x13850] =	vst v0;
	p0 =	sne.s32 s8, $0x1  }
.Ltmp1:
0x2c: {  	[tilespmem:s7+$0x13860] =	vst v0;
	(pc) =	sbr.rel @!p0 .LBB2_5-.Ltmp1, $4  }
0x2d: {  	[tilespmem:s7+$0x13870] =	vst v0  }
0x2e: {  	[spmem:s14] =	stream.linear.scatter [tilespmem:s20], [sflag:$0xB], $0x2800, $0x38;
	[tilespmem:$0x1D980] =	vst v63  }
0x2f: {  	_ =	swait.ge [sflag:s21], $0x2800  }
0x30: {  	s7 =	sadd.s32 $0xFFFFFFFF, s8;
	s15 =	smov.u32 s14;
	[sflag:s21] =	ssyncset.done $0x0  }
.LBB2_4:
0x31: {  	p1 =	sne.s32 s7, $0x1;
	[sflag:s21] =	ssyncadd.s32 $0xFFFFD800;
	s15 =	sadd.s32 $0x28000, s15  }
.Ltmp2:
0x32: {  	s7 =	sadd.s32 $0xFFFFFFFF, s7;
	(pc) =	sbr.rel @p1 .LBB2_4-.Ltmp2, $4  }
0x33: {  	_ = 	snop  }
0x34: {  	[spmem:s15] =	stream.linear.scatter [tilespmem:s20], [sflag:$0xB], $0x2800, $0x38;
	[tilespmem:$0x1D980] =	vst v63  }
0x35: {  	_ =	swait.ge [sflag:s21], $0x2800  }
0x36: {  	[sflag:s21] =	ssyncset.done $0x0  }
.LBB2_5:
0x37: {  	[sflag:s21] =	ssyncadd.s32 $0xFFFFD800;
	s7 =	simm.s32 $0xA  }
0x38: {  	_ =	swait.ge [sflag:s7], $0x2710  }
0x39: {  	[sflag:s7] =	ssyncset.done $0x0  }
0x3a: {  	[sflag:s7] =	ssyncadd.s32 $0xFFFFD8F0  }
0x3b: {  	[bflag:$0x0] =	sbarrier.arrive $0xFFFF  }
0x3c: {  	s22 =	simm.s32 $0x0;
	s15 =	rddreg [dreg:$0x5]  }
0x3d: {  	[tilespmem:s23], [sflag:$0x7] =	stream.linear.gather [hbm4b:s15+s22], $0x50, $0x38;
	[tilespmem:$0x1D980] =	vst v63  }
0x3e: {  	_ = 	snop  }
0x3f: {  	[tilespmem:s20], [sflag:$0x1] =	stream.indirect.gather [hbm4b:s2+s24], $0x80, s16, s24, $0xb8;
	[tilespmem:$0x1D980] =	vst v63  }
0x40: {  	s16 =	rddreg [dreg:$0x6]  }
0x41: {  	[tilespmem:s25], [sflag:$0x8] =	stream.linear.gather [hbm4b:s16+s22], $0x50, $0x38;
	[tilespmem:$0x1D980] =	vst v63  }
0x42: {  	s17 =	simm.s32 $0x1B0D0  }
0x43: {  	[tilespmem:s28], [sflag:$0x2] =	stream.indirect.gather [hbm4b:s2+s24], $0x80, s17, s24, $0xb8;
	[tilespmem:$0x1D980] =	vst v63  }
0x44: {  	s19 =	rddreg [dreg:$0x7]  }
0x45: {  	[tilespmem:s29], [sflag:$0x9] =	stream.linear.gather [hbm4b:s19+s22], $0x50, $0x38;
	[tilespmem:$0x1D980] =	vst v63  }
0x46: {  	s22 =	simm.s32 $0x1B120  }
0x47: {  	[tilespmem:s31], [sflag:$0x3] =	stream.indirect.gather [hbm4b:s2+s24], $0x80, s22, s24, $0xb8;
	[tilespmem:$0x1D980] =	vst v63  }
0x48: {  	_ =	swait.ge [sflag:s1], $0x2800  }
0x49: {  	[sflag:s1] =	ssyncset.done $0x0  }
0x4a: {  	[sflag:s1] =	ssyncadd.s32 $0xFFFFD800  }
0x4b: {  	_ =	swait.ge [sflag:s0], $0x50  }
0x4c: {  	[sflag:s0] =	ssyncset.done $0x0  }
0x4d: {  	[sflag:s0] =	ssyncadd.s32 $0xFFFFFFB0  }
0x4e: {  	[spmem:s3] =	stream.indirect.scatter.add.f32 [tilespmem:s20], [sflag:$0x4], $0x80, s23, s24, $0xb8;
	[tilespmem:$0x1D980] =	vst v63  }
0x4f: {  	_ =	swait.ge [sflag:s26], $0x2800  }
0x50: {  	[sflag:s26] =	ssyncset.done $0x0  }
0x51: {  	[sflag:s26] =	ssyncadd.s32 $0xFFFFD800  }
0x52: {  	_ =	swait.ge [sflag:s30], $0x50  }
0x53: {  	[sflag:s30] =	ssyncset.done $0x0  }
0x54: {  	[sflag:s30] =	ssyncadd.s32 $0xFFFFFFB0  }
0x55: {  	[spmem:s3] =	stream.indirect.scatter.add.f32 [tilespmem:s28], [sflag:$0x5], $0x80, s25, s24, $0xb8;
	[tilespmem:$0x1D980] =	vst v63  }
0x56: {  	_ =	swait.ge [sflag:s6], $0x2800  }
0x57: {  	[sflag:s6] =	ssyncset.done $0x0  }
0x58: {  	[sflag:s6] =	ssyncadd.s32 $0xFFFFD800  }
0x59: {  	_ =	swait.ge [sflag:s9], $0x50  }
0x5a: {  	[sflag:s9] =	ssyncset.done $0x0  }
0x5b: {  	[sflag:s9] =	ssyncadd.s32 $0xFFFFFFB0  }
0x5c: {  	[spmem:s3] =	stream.indirect.scatter.add.f32 [tilespmem:s31], [sflag:$0x6], $0x80, s29, s24, $0xb8;
	[tilespmem:$0x1D980] =	vst v63  }
0x5d: {  	_ =	swait.ge [sflag:s10], $0x2800  }
0x5e: {  	s16 =	rddreg [dreg:$0xd]  }
0x5f: {  	[sflag:s10] =	ssyncset.done $0x0;
	s15 =	sshrl.u32 s16, $0x3  }
0x60: {  	[sflag:s10] =	ssyncadd.s32 $0xFFFFD800;
	s7 =	sadd.s32 s5, s15  }
0x61: {  	[tilespmem:s23], [sflag:$0x7] =	stream.linear.gather [hbm4b:s7+s4], $0x50, $0x38;
	[tilespmem:$0x1D980] =	vst v63  }
0x62: {  	s17 =	simm.s32 $0x1B170  }
0x63: {  	[tilespmem:s20], [sflag:$0x1] =	stream.indirect.gather [hbm4b:s2+s24], $0x80, s17, s24, $0xb8;
	[tilespmem:$0x1D980] =	vst v63  }
0x64: {  	_ =	swait.ge [sflag:s11], $0x2800  }
0x65: {  	[sflag:s11] =	ssyncset.done $0x0  }
0x66: {  	s17 =	rddreg [dreg:$0xc];
	[sflag:s11] =	ssyncadd.s32 $0xFFFFD800  }
0x67: {  	[tilespmem:s25], [sflag:$0x8] =	stream.linear.gather [hbm4b:s17+s4], $0x50, $0x38;
	[tilespmem:$0x1D980] =	vst v63  }
0x68: {  	s19 =	simm.s32 $0x1B1C0  }
0x69: {  	[tilespmem:s28], [sflag:$0x2] =	stream.indirect.gather [hbm4b:s2+s24], $0x80, s19, s24, $0xb8;
	[tilespmem:$0x1D980] =	vst v63  }
0x6a: {  	_ =	swait.ge [sflag:s12], $0x2800  }
0x6b: {  	s7 =	sadd.s32 $0xF0, s16;
	[sflag:s12] =	ssyncset.done $0x0  }
0x6c: {  	s16 =	simm.s32 $0x1B210;
	s22 =	rddreg [dreg:$0xb];
	[sflag:s12] =	ssyncadd.s32 $0xFFFFD800  }
0x6d: {  	[tilespmem:s29], [sflag:$0x9] =	stream.linear.gather [hbm4b:s22+s4], $0x50, $0x38;
	[tilespmem:$0x1D980] =	vst v63  }
0x6e: {  	s15 =	sadd.s32 $0x1E, s17;
	s19 =	simm.s32 $0x3C0;
	s22 =	sadd.s32 $0x1E, s22  }
.LBB2_6:
0x6f: {  	[tilespmem:s31], [sflag:$0x3] =	stream.indirect.gather [hbm4b:s2+s24], $0x80, s16, s24, $0xb8;
	[tilespmem:$0x1D980] =	vst v63  }
0x70: {  	s16 =	smov.u32 s19  }
0x71: {  	p1 =	sne.s32 s19, $0x9240;
	s19 =	sadd.s32 $0x3C0, s19;
	_ =	swait.ge [sflag:s1], $0x2800  }
0x72: {  	[sflag:s1] =	ssyncset.done $0x0  }
0x73: {  	[sflag:s1] =	ssyncadd.s32 $0xFFFFD800  }
0x74: {  	_ =	swait.ge [sflag:s0], $0x50  }
0x75: {  	[sflag:s0] =	ssyncset.done $0x0  }
0x76: {  	[sflag:s0] =	ssyncadd.s32 $0xFFFFFFB0  }
0x77: {  	[spmem:s3] =	stream.indirect.scatter.add.f32 [tilespmem:s20], [sflag:$0x4], $0x80, s23, s24, $0xb8;
	[tilespmem:$0x1D980] =	vst v63  }
0x78: {  	_ =	swait.ge [sflag:s26], $0x2800  }
0x79: {  	[sflag:s26] =	ssyncset.done $0x0  }
0x7a: {  	[sflag:s26] =	ssyncadd.s32 $0xFFFFD800  }
0x7b: {  	_ =	swait.ge [sflag:s30], $0x50  }
0x7c: {  	[sflag:s30] =	ssyncset.done $0x0  }
0x7d: {  	[sflag:s30] =	ssyncadd.s32 $0xFFFFFFB0  }
0x7e: {  	[spmem:s3] =	stream.indirect.scatter.add.f32 [tilespmem:s28], [sflag:$0x5], $0x80, s25, s24, $0xb8;
	[tilespmem:$0x1D980] =	vst v63  }
0x7f: {  	_ =	swait.ge [sflag:s6], $0x2800  }
0x80: {  	[sflag:s6] =	ssyncset.done $0x0  }
0x81: {  	[sflag:s6] =	ssyncadd.s32 $0xFFFFD800  }
0x82: {  	_ =	swait.ge [sflag:s9], $0x50  }
0x83: {  	[sflag:s9] =	ssyncset.done $0x0  }
0x84: {  	[sflag:s9] =	ssyncadd.s32 $0xFFFFFFB0  }
0x85: {  	[spmem:s3] =	stream.indirect.scatter.add.f32 [tilespmem:s31], [sflag:$0x6], $0x80, s29, s24, $0xb8;
	[tilespmem:$0x1D980] =	vst v63  }
0x86: {  	_ =	swait.ge [sflag:s10], $0x2800  }
0x87: {  	s17 =	sshrl.u32 s7, $0x3;
	[sflag:s10] =	ssyncset.done $0x0  }
0x88: {  	s17 =	sadd.s32 s5, s17;
	s16 =	sshra.s32 s16, $0x2;
	[sflag:s10] =	ssyncadd.s32 $0xFFFFD800  }
0x89: {  	[tilespmem:s23], [sflag:$0x7] =	stream.linear.gather [hbm4b:s17+s4], $0x50, $0x38;
	[tilespmem:$0x1D980] =	vst v63  }
0x8a: {  	s17 =	sadd.s32 $0x1B170, s16  }
0x8b: {  	[tilespmem:s20], [sflag:$0x1] =	stream.indirect.gather [hbm4b:s2+s24], $0x80, s17, s24, $0xb8;
	[tilespmem:$0x1D980] =	vst v63  }
0x8c: {  	_ =	swait.ge [sflag:s11], $0x2800  }
0x8d: {  	[sflag:s11] =	ssyncset.done $0x0  }
0x8e: {  	[sflag:s11] =	ssyncadd.s32 $0xFFFFD800  }
0x8f: {  	[tilespmem:s25], [sflag:$0x8] =	stream.linear.gather [hbm4b:s15+s4], $0x50, $0x38;
	[tilespmem:$0x1D980] =	vst v63  }
0x90: {  	s17 =	sadd.s32 $0x1B1C0, s16  }
0x91: {  	[tilespmem:s28], [sflag:$0x2] =	stream.indirect.gather [hbm4b:s2+s24], $0x80, s17, s24, $0xb8;
	[tilespmem:$0x1D980] =	vst v63  }
.Ltmp3:
0x92: {  	_ =	swait.ge [sflag:s12], $0x2800;
	(pc) =	sbr.rel @p1 .LBB2_6-.Ltmp3, $4  }
0x93: {  	[sflag:s12] =	ssyncset.done $0x0  }
0x94: {  	s7 =	sadd.s32 $0xF0, s7;
	[sflag:s12] =	ssyncadd.s32 $0xFFFFD800  }
0x95: {  	[tilespmem:s29], [sflag:$0x9] =	stream.linear.gather [hbm4b:s22+s4], $0x50, $0x38;
	[tilespmem:$0x1D980] =	vst v63  }
0x96: {  	s16 =	sadd.s32 $0x1B210, s16;
	s15 =	sadd.s32 $0x1E, s15;
	s22 =	sadd.s32 $0x1E, s22  }
0x97: {  	[tilespmem:s31], [sflag:$0x3] =	stream.indirect.gather [hbm4b:s2+s24], $0x80, s16, s24, $0xb8;
	[tilespmem:$0x1D980] =	vst v63  }
0x98: {  	_ =	swait.ge [sflag:s1], $0x2800  }
0x99: {  	[sflag:s1] =	ssyncset.done $0x0  }
0x9a: {  	[sflag:s1] =	ssyncadd.s32 $0xFFFFD800  }
0x9b: {  	_ =	swait.ge [sflag:s0], $0x50  }
0x9c: {  	[sflag:s0] =	ssyncset.done $0x0  }
0x9d: {  	[sflag:s0] =	ssyncadd.s32 $0xFFFFFFB0  }
0x9e: {  	[spmem:s3] =	stream.indirect.scatter.add.f32 [tilespmem:s20], [sflag:$0x4], $0x80, s23, s24, $0xb8;
	[tilespmem:$0x1D980] =	vst v63  }
0x9f: {  	_ =	swait.ge [sflag:s26], $0x2800  }
0xa0: {  	[sflag:s26] =	ssyncset.done $0x0  }
0xa1: {  	[sflag:s26] =	ssyncadd.s32 $0xFFFFD800  }
0xa2: {  	_ =	swait.ge [sflag:s30], $0x50  }
0xa3: {  	[sflag:s30] =	ssyncset.done $0x0  }
0xa4: {  	[sflag:s30] =	ssyncadd.s32 $0xFFFFFFB0  }
0xa5: {  	[spmem:s3] =	stream.indirect.scatter.add.f32 [tilespmem:s28], [sflag:$0x5], $0x80, s25, s24, $0xb8;
	[tilespmem:$0x1D980] =	vst v63  }
0xa6: {  	_ =	swait.ge [sflag:s6], $0x2800  }
0xa7: {  	[sflag:s6] =	ssyncset.done $0x0  }
0xa8: {  	[sflag:s6] =	ssyncadd.s32 $0xFFFFD800  }
0xa9: {  	_ =	swait.ge [sflag:s9], $0x50  }
0xaa: {  	[sflag:s9] =	ssyncset.done $0x0  }
0xab: {  	[sflag:s9] =	ssyncadd.s32 $0xFFFFFFB0  }
0xac: {  	[spmem:s3] =	stream.indirect.scatter.add.f32 [tilespmem:s31], [sflag:$0x6], $0x80, s29, s24, $0xb8;
	[tilespmem:$0x1D980] =	vst v63  }
0xad: {  	_ =	swait.ge [sflag:s10], $0x2800  }
0xae: {  	[sflag:s10] =	ssyncset.done $0x0  }
0xaf: {  	s7 =	rddreg [dreg:$0x9];
	[sflag:s10] =	ssyncadd.s32 $0xFFFFD800  }
0xb0: {  	[tilespmem:s23], [sflag:$0x7] =	stream.linear.gather [hbm4b:s7+s4], $0x50, $0x38;
	[tilespmem:$0x1D980] =	vst v63  }
0xb1: {  	s17 =	simm.s32 $0x1D6F0  }
0xb2: {  	[tilespmem:s20], [sflag:$0x1] =	stream.indirect.gather [hbm4b:s2+s24], $0x80, s17, s24, $0xb8;
	[tilespmem:$0x1D980] =	vst v63  }
0xb3: {  	_ =	swait.ge [sflag:s11], $0x2800  }
0xb4: {  	[sflag:s11] =	ssyncset.done $0x0  }
0xb5: {  	s19 =	rddreg [dreg:$0xa];
	[sflag:s11] =	ssyncadd.s32 $0xFFFFD800  }
0xb6: {  	[tilespmem:s25], [sflag:$0x8] =	stream.linear.gather [hbm4b:s19+s4], $0x50, $0x38;
	[tilespmem:$0x1D980] =	vst v63  }
0xb7: {  	s22 =	simm.s32 $0x1D740  }
0xb8: {  	[tilespmem:s28], [sflag:$0x2] =	stream.indirect.gather [hbm4b:s2+s24], $0x80, s22, s24, $0xb8;
	[tilespmem:$0x1D980] =	vst v63  }
0xb9: {  	_ =	swait.ge [sflag:s12], $0x2800  }
0xba: {  	[sflag:s12] =	ssyncset.done $0x0  }
0xbb: {  	[sflag:s12] =	ssyncadd.s32 $0xFFFFD800  }
0xbc: {  	_ =	swait.ge [sflag:s1], $0x2800  }
0xbd: {  	[sflag:s1] =	ssyncset.done $0x0  }
0xbe: {  	[sflag:s1] =	ssyncadd.s32 $0xFFFFD800  }
0xbf: {  	_ =	swait.ge [sflag:s0], $0x50  }
0xc0: {  	[sflag:s0] =	ssyncset.done $0x0  }
0xc1: {  	[sflag:s0] =	ssyncadd.s32 $0xFFFFFFB0  }
0xc2: {  	[spmem:s3] =	stream.indirect.scatter.add.f32 [tilespmem:s20], [sflag:$0xB], $0x80, s23, s24, $0xb8;
	[tilespmem:$0x1D980] =	vst v63  }
0xc3: {  	_ =	swait.ge [sflag:s21], $0x2800  }
0xc4: {  	[sflag:s21] =	ssyncset.done $0x0  }
0xc5: {  	[sflag:s21] =	ssyncadd.s32 $0xFFFFD800  }
0xc6: {  	_ =	swait.ge [sflag:s26], $0x2800  }
0xc7: {  	[sflag:s26] =	ssyncset.done $0x0  }
0xc8: {  	[sflag:s26] =	ssyncadd.s32 $0xFFFFD800  }
0xc9: {  	_ =	swait.ge [sflag:s30], $0x50  }
0xca: {  	[sflag:s30] =	ssyncset.done $0x0  }
0xcb: {  	[sflag:s30] =	ssyncadd.s32 $0xFFFFFFB0  }
0xcc: {  	[spmem:s3] =	stream.indirect.scatter.add.f32 [tilespmem:s28], [sflag:$0xB], $0x80, s25, s24, $0xb8;
	[tilespmem:$0x1D980] =	vst v63  }
0xcd: {  	_ =	swait.ge [sflag:s21], $0x2800  }
0xce: {  	[sflag:s21] =	ssyncset.done $0x0  }
0xcf: {  	[sflag:s21] =	ssyncadd.s32 $0xFFFFD800  }
0xd0: {  	[bflag:$0x0] =	sbarrier.arrive $0xFFFF  }
0xd1: {  	[tilespmem:s20], [sflag:$0xB] =	stream.linear.gather [spmem:s14], $0x2800, $0x38;
	[tilespmem:$0x1D980] =	vst v63  }
0xd2: {  	_ =	swait.ge [sflag:s21], $0x2800  }
.Ltmp4:
0xd3: {  	[sflag:s21] =	ssyncset.done $0x0;
	(pc) =	sbr.rel @!p0 .LBB2_9-.Ltmp4, $4  }
0xd4: {  	[sflag:s21] =	ssyncadd.s32 $0xFFFFD800  }
0xd5: {  	[hbm4b:s18+s4] =	stream.linear.scatter [tilespmem:s20], [sflag:$0xB], $0x2800, $0x38;
	[tilespmem:$0x1D980] =	vst v63  }
0xd6: {  	s15 =	smov.u32 s14;
	_ =	swait.ge [sflag:s21], $0x2800  }
0xd7: {  	s7 =	sadd.s32 $0xFFFFFFFF, s8;
	s19 =	smov.u32 s18;
	[sflag:s21] =	ssyncset.done $0x0  }
.LBB2_8:
0xd8: {  	[sflag:s21] =	ssyncadd.s32 $0xFFFFD800;
	s15 =	sadd.s32 $0x28000, s15;
	s19 =	sadd.s32 $0x5000, s19  }
0xd9: {  	[tilespmem:s20], [sflag:$0xB] =	stream.linear.gather [spmem:s15], $0x2800, $0x38;
	[tilespmem:$0x1D980] =	vst v63  }
0xda: {  	p0 =	sne.s32 s7, $0x1;
	s7 =	sadd.s32 $0xFFFFFFFF, s7;
	_ =	swait.ge [sflag:s21], $0x2800  }
.Ltmp5:
0xdb: {  	[sflag:s21] =	ssyncset.done $0x0;
	(pc) =	sbr.rel @p0 .LBB2_8-.Ltmp5, $4  }
0xdc: {  	[sflag:s21] =	ssyncadd.s32 $0xFFFFD800  }
0xdd: {  	[hbm4b:s19+s4] =	stream.linear.scatter [tilespmem:s20], [sflag:$0xB], $0x2800, $0x38;
	[tilespmem:$0x1D980] =	vst v63  }
0xde: {  	_ =	swait.ge [sflag:s21], $0x2800  }
0xdf: {  	[sflag:s21] =	ssyncset.done $0x0  }
.LBB2_9:
0xe0: {  	s13 =	sadd.s32 $0x1, s13;
	s7 =	rddreg [dreg:$0x8]  }
0xe1: {  	p0 =	sne.s32 s13, s7  }
.Ltmp6:
0xe2: {  	_ = 	snop;
	(pc) =	sbr.rel @p0 .LBB2_1-.Ltmp6, $2  }
0xe3: {  	_ =	sdelay $0x2  }
0xe4: {  	[sflag:s21] =	ssyncadd.s32 $0xFFFFD800;
	s16 =	simm.s32 $0x1B080  }
0xe5: {  	_ =	sfence.sel $0x180000  }
0xe6: {  	[bflag:$0x0] =	sbarrier.arrive $0xFFFF  }
0xe7: {  	_ =	strace $0x9000004D  }
0xe8: {  	s0 =	stileid.u32;
	[bflag:$0x2] =	sbarrier.arrive $0xFFFF  }
0xe9: {  	p0 =	sne.s32 s0, $0x0;
	s0 =	rddreg [dreg:$0x3]  }
0xea: {  	s0 =	sadd.s32 @!p0 $0x100000, s0  }
0xeb: {  	[sflag:s0] =	ssyncadd.tile.s32 @!p0 $0x1;
	_ =	shalt  }
.Lfunc_end2:
_tile_overlayer_lowered:
.L_overlay_start_2:
0xec: {  	(tag) =	ssettag $0x2  }
0xed: {  	s0 =	rddreg [dreg:$0x0];
	s2 =	stileid.u32  }
0xee: {  	s1 =	rddreg [dreg:$0x1];
	p0 =	sne.s32 s2, $0x0  }
0xef: {  	s3 =	rddreg [dreg:$0x2];
	[bflag:$0x3] =	sbarrier.arrive $0xFFFF;
	s2 =	simm.s32 @!p0 $0x1C0B  }
0xf0: {  	[timem:s3], [sflag:s2] =	dma.local @!p0 [hbm:s0], s1  }
0xf1: {  	s0 =	simm.s32 @!p0 $0xB  }
0xf2: {  	_ =	swait.ge @!p0 [sflag:s0], s1  }
0xf3: {  	s1 =	ssub.s32 @!p0 $0x0, s1;
	[sflag:s0] =	ssyncset.done @!p0 $0x0  }
0xf4: {  	[sflag:s0] =	ssyncadd.s32 @!p0 s1  }
0xf5: {  	[bflag:$0x3] =	sbarrier.arrive $0xFFFF  }
0xf6: {  	_ =	shalt  }

// kernel: kernel.18.cloned.1.call-start
scs
__scs_entry_jumppad:
0x0: {  	(pc) =	sbr.rel $0x88, $3  }
0x1: {  	(tag) =	ssettag $0x0;
	lr =	simm.s32 $0x1  }
0x2: {  	[smem:$0x3F96] =	sst lr;
	_ =	strace $0xD0000000  }
0x3: {  	_ = 	snop  }
0x4: {  	_ = 	snop  }
0x5: {  	_ = 	snop  }
0x6: {  	_ = 	snop  }
0x7: {  	_ = 	snop  }
__scs_overlays_trampoline_lowered:
0x8: {  	[smem:$0x3FA5] =	sst s0  }
0x9: {  	[smem:$0x3FA6] =	sst s1  }
0xa: {  	[smem:$0x3FA7] =	sst s2  }
0xb: {  	[smem:$0x3FA8] =	sst s3  }
0xc: {  	[smem:$0x3FA9] =	sst s4  }
0xd: {  	[smem:$0x3FAA] =	sst s5  }
0xe: {  	[smem:$0x3FAB] =	sst s6  }
0xf: {  	[smem:$0x3FAC] =	sst s7  }
0x10: {  	[smem:$0x3FAD] =	sst s8  }
0x11: {  	[smem:$0x3FAE] =	sst s9;
	s0 =	simm.s32 @!p0 $0x0  }
0x12: {  	s1 =	sld [smem:$0x3F94];
	s0 =	simm.s32 @p0 $0x1  }
0x13: {  	[smem:$0x3FAF] =	sst s0;
	s0 =	simm.s32 @!p1 $0x0  }
0x14: {  	s2 =	sld [smem:$0x3F93];
	s0 =	simm.s32 @p1 $0x1  }
0x15: {  	[smem:$0x3FB0] =	sst s0;
	s0 =	simm.s32 @!p2 $0x0  }
0x16: {  	s3 =	sld [smem:$0x3FDB];
	s0 =	simm.s32 @p2 $0x1  }
0x17: {  	s4 =	simm.s32 $0x1BF5;
	[smem:$0x3FB2] =	sst s0  }
0x18: {  	s0 =	sld [smem:$0x3F95];
	_ =	swait.ge [sflag:s4], $0x0  }
0x19: {  	s7 =	sld [smem:$0x3F96]  }
0x1a: {  	s8 =	sadd.s32 $0xFFFFE003, lr  }
0x1b: {  	s9 =	sadd.s32 $0xFFFFFEF7, lr;
	s5 =	simm.s32 $0xFFFFFFFF;
	p2 =	slt.u32 s8, $0xFFFFF086  }
0x1c: {  	p1 =	slt.u32 s9, $0xF7A;
	s5 =	simm.s32 @!p2 $0x0  }
0x1d: {  	s5 =	simm.s32 @p1 $0x1;
	p0 =	seq.s32 s7, s2  }
0x1e: {  	s7 =	smul.u32 @!p0 $0xF7A, s2;
	p2 =	seq.s32 @!p0 s5, $0x0  }
0x1f: {  	s9 =	smul.u32 $0xF7A, s1;
	s8 =	simm.s32 @!p0 $0x1BF5;
	p2 =	por !p2, p0  }
0x20: {  	[sflag:s8] =	ssyncset.s32 @!p0 $0xFFFFF086;
	s6 =	sadd.s32 @!p0 s3, s7;
	s7 =	simm.s32 @!p0 $0x108  }
0x21: {  	s3 =	sadd.s32 s3, s9;
	s6 =	sadd.s32 @!p0 $0x88, s6;
	s7 =	simm.s32 @p2 $0x1082  }
0x22: {  	[simem:s7], [sflag:s8] =	dma.local @!p0 [hbm:s6], $0xF7A  }
0x23: {  	s9 =	sor.u32 $0xD0000000, s2;
	s6 =	simm.s32 $0x108;
	_ =	swait.ge @!p0 [sflag:s8], $0x0  }
0x24: {  	s3 =	sadd.s32 $0x88, s3;
	s6 =	simm.s32 @!p1 $0x1082;
	[sflag:s4] =	ssyncset.s32 $0xFFFFF086  }
0x25: {  	[simem:s6], [sflag:s4] =	dma.local [hbm:s3], $0xF7A  }
0x26: {  	[smem:$0x3F96] =	sst s1;
	(tag) =	ssettag s2;
	_ =	strace s9  }
0x27: {  	s1 =	sld [smem:$0x3FA6]  }
0x28: {  	s2 =	sld [smem:$0x3FA7]  }
0x29: {  	s4 =	sld [smem:$0x3FA9]  }
0x2a: {  	p0 =	seq.s32 s5, $0x0;
	s5 =	sld [smem:$0x3FAA]  }
0x2b: {  	s6 =	sld [smem:$0x3FAB]  }
0x2c: {  	s7 =	sld [smem:$0x3FAC]  }
0x2d: {  	s3 =	simm.s32 $0x108;
	s8 =	sld [smem:$0x3FAD]  }
0x2e: {  	s3 =	simm.s32 @!p0 $0x1082;
	s9 =	sld [smem:$0x3FAE]  }
0x2f: {  	lr =	sadd.s32 s0, s3;
	s0 =	sld [smem:$0x3FA5]  }
0x30: {  	s3 =	sld [smem:$0x3FA8]  }
0x31: {  	[smem:$0x3FB1] =	sst s10  }
0x32: {  	s10 =	sld [smem:$0x3FAF];
	_ =	sdelay $0x3  }
0x33: {  	p0 =	seq.s32 s10, $0x1;
	s10 =	sld [smem:$0x3FB1];
	_ =	sdelay $0x3  }
0x34: {  	[smem:$0x3FB1] =	sst s10  }
0x35: {  	s10 =	sld [smem:$0x3FB0];
	_ =	sdelay $0x3  }
0x36: {  	p1 =	seq.s32 s10, $0x1;
	s10 =	sld [smem:$0x3FB1];
	_ =	sdelay $0x3  }
0x37: {  	[smem:$0x3FB1] =	sst s10  }
0x38: {  	s10 =	sld [smem:$0x3FB2]  }
0x39: {  	_ = 	snop;
	(pc) =	sbr.ind lr, $3  }
0x3a: {  	_ = 	snop  }
0x3b: {  	_ = 	snop  }
0x3c: {  	p2 =	seq.s32 s10, $0x1;
	s10 =	sld [smem:$0x3FB1]  }
0x3d: {  	_ =	shalt  }
0x3e: {  	_ =	shalt  }
0x3f: {  	_ =	shalt  }
0x40: {  	_ =	shalt  }
0x41: {  	_ =	shalt  }
0x42: {  	_ =	shalt  }
0x43: {  	_ =	shalt  }
0x44: {  	_ =	shalt  }
0x45: {  	_ =	shalt  }
0x46: {  	_ =	shalt  }
0x47: {  	_ =	shalt  }
0x48: {  	_ =	shalt  }
0x49: {  	_ =	shalt  }
0x4a: {  	_ =	shalt  }
0x4b: {  	_ =	shalt  }
0x4c: {  	_ =	shalt  }
0x4d: {  	_ =	shalt  }
0x4e: {  	_ =	shalt  }
0x4f: {  	_ =	shalt  }
0x50: {  	_ =	shalt  }
0x51: {  	_ =	shalt  }
0x52: {  	_ =	shalt  }
0x53: {  	_ =	shalt  }
0x54: {  	_ =	shalt  }
0x55: {  	_ =	shalt  }
0x56: {  	_ =	shalt  }
0x57: {  	_ =	shalt  }
0x58: {  	_ =	shalt  }
0x59: {  	_ =	shalt  }
0x5a: {  	_ =	shalt  }
0x5b: {  	_ =	shalt  }
0x5c: {  	_ =	shalt  }
0x5d: {  	_ =	shalt  }
0x5e: {  	_ =	shalt  }
0x5f: {  	_ =	shalt  }
0x60: {  	_ =	shalt  }
0x61: {  	_ =	shalt  }
0x62: {  	_ =	shalt  }
0x63: {  	_ =	shalt  }
0x64: {  	_ =	shalt  }
0x65: {  	_ =	shalt  }
0x66: {  	_ =	shalt  }
0x67: {  	_ =	shalt  }
0x68: {  	_ =	shalt  }
0x69: {  	_ =	shalt  }
0x6a: {  	_ =	shalt  }
0x6b: {  	_ =	shalt  }
0x6c: {  	_ =	shalt  }
0x6d: {  	_ =	shalt  }
0x6e: {  	_ =	shalt  }
0x6f: {  	_ =	shalt  }
0x70: {  	_ =	shalt  }
0x71: {  	_ =	shalt  }
0x72: {  	_ =	shalt  }
0x73: {  	_ =	shalt  }
0x74: {  	_ =	shalt  }
0x75: {  	_ =	shalt  }
0x76: {  	_ =	shalt  }
0x77: {  	_ =	shalt  }
0x78: {  	_ =	shalt  }
0x79: {  	_ =	shalt  }
0x7a: {  	_ =	shalt  }
0x7b: {  	_ =	shalt  }
0x7c: {  	_ =	shalt  }
0x7d: {  	_ =	shalt  }
0x7e: {  	_ =	shalt  }
0x7f: {  	_ =	shalt  }
0x80: {  	_ =	shalt  }
0x81: {  	_ =	shalt  }
0x82: {  	_ =	shalt  }
0x83: {  	_ =	shalt  }
0x84: {  	_ =	shalt  }
0x85: {  	_ =	shalt  }
0x86: {  	_ =	shalt  }
0x87: {  	_ =	shalt  }
.Lfunc_end0:
.L_simem_size_0:
called_computation.3_lowered:
.L_overlay_start_0:
0x88: {  	s2 =	sld [smem:$0x3FD9]  }
0x89: {  	s3 =	sld [smem:$0x3FFE];
	_ =	sdelay $0x1  }
0x8a: {  	s1 =	srdreg.scid  }
0x8b: {  	s0 =	sand.u32 $0x1, s1  }
0x8c: {  	s17 =	sshll.u32 s0, $0xA;
	s2 =	sadd.s32 s3, s2  }
0x8d: {  	s2 =	sadd.s32 s2, s17  }
0x8e: {  	[smem:$0x3FBD] =	sst s2  }
0x8f: {  	_ = 	snop  }
0x90: {  	s2 =	sld [smem:$0x3FD0];
	(tm) =	ssettm $0x1  }
0x91: {  	s18 =	sld [smem:$0x3FFB];
	_ =	sdelay $0x3  }
0x92: {  	_ =	strace s18  }
0x93: {  	s3 =	sld [smem:$0x3FFC];
	_ =	sdelay $0x3  }
0x94: {  	_ =	strace s3  }
0x95: {  	s3 =	sld [smem:$0x3FFD];
	_ =	sdelay $0x3  }
0x96: {  	_ =	strace s3  }
0x97: {  	_ =	strace $0x8FFFFFFF  }
0x98: {  	s19 =	sld [smem:$0x3FDB];
	_ =	sdelay $0x1  }
0x99: {  	s4 =	simm.s32 $_scs_section_size  }
0x9a: {  	s5 =	simm.s32 $_size__tile_overlayer_lowered;
	s6 =	simm.s32 $_tile_overlayer_lowered  }
0x9b: {  	s22 =	simm.s32 $0x1BFF;
	s21 =	sshll.u32 s6, $0x1;
	s3 =	sadd.s32 s4, s19  }
0x9c: {  	s7 =	simm.s32 $0x0;
	s20 =	sshll.u32 s5, $0x1;
	s5 =	sadd.s32 s21, s3  }
0x9d: {  	[timem:s7], [sflag:s22] =	dma.local [hbm:s5], s20  }
0x9e: {  	_ =	swait.ge [sflag:s22], s20  }
0x9f: {  	s4 =	ssub.s32 $0x0, s20;
	[sflag:s22] =	ssyncset.done $0x0  }
0xa0: {  	[sflag:s22] =	ssyncadd.s32 s4;
	_ =	sdelay $0x1  }
0xa1: {  	s23 =	simm.s32 $0x1B8B  }
0xa2: {  	_ =	swait.ge [sflag:s23], $0x1  }
0xa3: {  	[sflag:s23] =	ssyncset.done $0x0  }
0xa4: {  	s25 =	simm.s32 $0x1B8E;
	s24 =	sld [smem:$0x3FFE];
	[sflag:s23] =	ssyncadd.s32 $0xFFFFFFFF  }
0xa5: {  	s26 =	simm.s32 $execute0_lowered;
	[smem:$0x3FD2] =	sst s25  }
0xa6: {  	s5 =	sshll.u32 s26, $0x1;
	_ =	strace $0x8000004F;
	[dreg:$0x1] =	wrdreg $0xFFFFFFFF  }
0xa7: {  	s28 =	simm.s32 $_size_execute0_lowered;
	s3 =	sadd.s32 s3, s5;
	[dreg:$0x0] =	wrdreg $0x0  }
0xa8: {  	s5 =	sshll.u32 s28, $0x1;
	[dreg:$0x2] =	wrdreg s3  }
0xa9: {  	[dreg:$0x3] =	wrdreg s5  }
0xaa: {  	[dreg:$0x4] =	wrdreg $0xC0  }
0xab: {  	_ =	task [dreg:s7], $0x5FFFF  }
0xac: {  	[dreg:$0x1] =	wrdreg $0xFFFFFFFF  }
0xad: {  	[dreg:$0x0] =	wrdreg $0x60  }
0xae: {  	[dreg:$0x2] =	wrdreg s2  }
0xaf: {  	[dreg:$0x3] =	wrdreg s24  }
0xb0: {  	[dreg:$0x4] =	wrdreg $0x0  }
0xb1: {  	[dreg:$0x5] =	wrdreg $0x9  }
0xb2: {  	_ =	task.clear_ibuf [dreg:s7], $0x6FFFF;
	_ =	strace $0x9000004F  }
0xb3: {  	s29 =	simm.s32 $0x9;
	_ =	strace $0x80000051  }
0xb4: {  	_ =	swait.ge [sflag:s29], $0x1  }
0xb5: {  	[sflag:s29] =	ssyncadd.s32 $0xFFFFFFFF  }
0xb6: {  	_ =	strace $0x90000051  }
0xb7: {  	_ =	sfence  }
0xb8: {  	s30 =	sld [smem:$0x0];
	_ =	sdelay $0x2  }
0xb9: {  	s31 =	sshll.u32 s1, $0xD;
	s1 =	sshrl.u32 s1, $0x2  }
0xba: {  	s3 =	sand.u32 $0x4000, s31;
	s1 =	sadd.s32 s1, s30  }
0xbb: {  	s0 =	sor.u32 s3, s0;
	s1 =	sshll.u32 s1, $0x11  }
0xbc: {  	s0 =	sor.u32 s1, s0  }
0xbd: {  	s0 =	sadd.s32 $0x8F2B, s0  }
0xbe: {  	[sflag:s0] =	ssyncadd.remote.s32 $0x1  }
0xbf: {  	_ =	sfence.sel $0xFFFF  }
0xc0: {  	[dreg:$0x0] =	wrdreg $0xFFFFFFFF;
	(pc) =	sbr.abs _section_cstart, $3  }
0xc1: {  	[dreg:$0x1] =	wrdreg $0xFFFFFFFF  }
0xc2: {  	_ =	task.clear_ibuf [dreg:s7], $0x2FFFF;
	_ =	strace $0x9FFFFFFF  }
0xc3: {  	(tm) =	ssettm $0x7FFFFFFF  }
tec
execute0_lowered:
.L_overlay_start_1:
0x0: {  	(tag) =	ssettag $0x1  }
0x1: {  	s2 =	rddreg [dreg:$0x0]  }
0x2: {  	s0 =	srdreg.scid;
	s6 =	rddreg [dreg:$0x1]  }
0x3: {  	s10 =	stileid.u32;
	s3 =	rddreg [dreg:$0x2];
	s4 =	simm.s32 $0x0  }
0x4: {  	s28 =	simm.s32 $0x16080;
	s29 =	simm.s32 $0x1D900;
	s31 =	simm.s32 $0x18880  }
0x5: {  	s30 =	simm.s32 $0x8;
	s12 =	simm.s32 $0x6;
	s7 =	smul.u32 $0x2800, s10  }
0x6: {  	s13 =	simm.s32 $0x0;
	s0 =	sand.u32 $0x1, s0;
	s17 =	smul.u32 $0x2710, s10  }
0x7: {  	[smem:$0x7FF] =	sst s4;
	s16 =	ssub.s32 $0x8C, s10;
	s21 =	smul.u32 $0xA000, s10  }
0x8: {  	s1 =	sshll.u32 s0, $0x4;
	s5 =	smul.u32 $0x138800, s0;
	_ =	strace $0x80000050  }
0x9: {  	s9 =	ssub.s32 $0x2, s0;
	s0 =	smul.u32 $0x27100, s0;
	s1 =	sor.u32 s10, s1  }
0xa: {  	s15 =	sshrl.u32 s9, $0x1;
	s10 =	simm.s32 $0x4;
	s1 =	smul.u32 $0x2710, s1  }
0xb: {  	s5 =	sadd.s32 s7, s5;
	s9 =	ssub.s32 s9, s15;
	s0 =	sadd.s32 s17, s0  }
0xc: {  	s8 =	sshrl.u32 s5, $0x3;
	s5 =	sadd.s32 $0x3000, s6;
	s20 =	smax.u32 s9, $0x1  }
0xd: {  	s24 =	sadd.s32 $0x190, s0;
	s25 =	sadd.s32 $0x140, s0;
	s0 =	sadd.s32 $0xF0, s0  }
0xe: {  	s9 =	simm.s32 $0x9;
	s1 =	sshrl.u32 s1, $0x3;
	[dreg:$0x8] =	wrdreg s20  }
0xf: {  	s26 =	sshrl.u32 s25, $0x3;
	[dreg:$0xd] =	wrdreg s0;
	s20 =	simm.s32 $0x13880  }
0x10: {  	s25 =	simm.s32 $0x1D880;
	s14 =	sadd.s32 s1, s6;
	s11 =	sadd.s32 s5, s1  }
0x11: {  	s0 =	simm.s32 $0x7;
	s7 =	sadd.s32 $0xCE00, s14;
	[dreg:$0x5] =	wrdreg s11  }
0x12: {  	s6 =	sadd.s32 s8, s6;
	s18 =	sadd.s32 $0xA, s11;
	[dreg:$0x4] =	wrdreg s7  }
0x13: {  	s8 =	sshrl.u32 s16, $0x4;
	s19 =	sadd.s32 $0x14, s11;
	[dreg:$0x6] =	wrdreg s18  }
0x14: {  	s1 =	sshrl.u32 s24, $0x3;
	s22 =	sadd.s32 $0x4CE, s11;
	[dreg:$0x7] =	wrdreg s19  }
0x15: {  	s16 =	simm.s32 $0x1B080;
	s23 =	sadd.s32 $0x4D8, s11;
	[dreg:$0x9] =	wrdreg s22  }
0x16: {  	s24 =	simm.s32 $0x50;
	s1 =	sadd.s32 s1, s5;
	[dreg:$0xa] =	wrdreg s23  }
0x17: {  	s11 =	simm.s32 $0x5;
	s7 =	sshrl.u32 s21, $0x2;
	[dreg:$0xb] =	wrdreg s1  }
0x18: {  	s1 =	sadd.s32 s26, s5;
	s18 =	sadd.s32 $0x16C00, s6;
	s21 =	simm.s32 $0xB  }
0x19: {  	s23 =	simm.s32 $0x1D800;
	s26 =	simm.s32 $0x2;
	s6 =	simm.s32 $0x3  }
0x1a: {  	v0 =	vimm.f32 $0.0e+00;
	s14 =	sadd.s32 s7, s3;
	[dreg:$0xc] =	wrdreg s1;
	s1 =	simm.s32 $0x1  }
.LBB2_1:
0x1b: {  	s7 =	rddreg [dreg:$0x4]  }
0x1c: {  	[tilespmem:s16], [sflag:$0xA] =	stream.linear.gather [hbm4b:s7+s4], $0x2710, $0x38;
	[tilespmem:$0x1D980] =	vst v63  }
0x1d: {  	s15 =	simm.s32 $0x3C0;
	s7 =	simm.s32 $0x70  }
.LBB2_2:
0x1e: {  	p0 =	sne.s32 s15, $0x9FC0;
	[tilespmem:s7+$0x13880] =	vst v0  }
0x1f: {  	[tilespmem:s7+$0x13810] =	vst v0  }
0x20: {  	[tilespmem:s7+$0x13820] =	vst v0  }
.Ltmp0:
0x21: {  	[tilespmem:s7+$0x13830] =	vst v0;
	(pc) =	sbr.rel @p0 .LBB2_2-.Ltmp0, $4  }
0x22: {  	[tilespmem:s7+$0x13840] =	vst v0  }
0x23: {  	[tilespmem:s7+$0x13850] =	vst v0  }
0x24: {  	[tilespmem:s7+$0x13860] =	vst v0  }
0x25: {  	[tilespmem:s7+$0x13870] =	vst v0;
	s7 =	sshra.s32 s15, $0x2;
	s15 =	sadd.s32 $0x200, s15  }
0x26: {  	[tilespmem:s7+$0x13880] =	vst v0  }
0x27: {  	[tilespmem:s7+$0x13810] =	vst v0  }
0x28: {  	[tilespmem:s7+$0x13820] =	vst v0  }
0x29: {  	[tilespmem:s7+$0x13830] =	vst v0  }
0x2a: {  	[tilespmem:s7+$0x13840] =	vst v0  }
0x2b: {  	[tilespmem:s7+$0x13850] =	vst v0;
	p0 =	sne.s32 s8, $0x1  }
.Ltmp1:
0x2c: {  	[tilespmem:s7+$0x13860] =	vst v0;
	(pc) =	sbr.rel @!p0 .LBB2_5-.Ltmp1, $4  }
0x2d: {  	[tilespmem:s7+$0x13870] =	vst v0  }
0x2e: {  	[spmem:s14] =	stream.linear.scatter [tilespmem:s20], [sflag:$0xB], $0x2800, $0x38;
	[tilespmem:$0x1D980] =	vst v63  }
0x2f: {  	_ =	swait.ge [sflag:s21], $0x2800  }
0x30: {  	s7 =	sadd.s32 $0xFFFFFFFF, s8;
	s15 =	smov.u32 s14;
	[sflag:s21] =	ssyncset.done $0x0  }
.LBB2_4:
0x31: {  	p1 =	sne.s32 s7, $0x1;
	[sflag:s21] =	ssyncadd.s32 $0xFFFFD800;
	s15 =	sadd.s32 $0x28000, s15  }
.Ltmp2:
0x32: {  	s7 =	sadd.s32 $0xFFFFFFFF, s7;
	(pc) =	sbr.rel @p1 .LBB2_4-.Ltmp2, $4  }
0x33: {  	_ = 	snop  }
0x34: {  	[spmem:s15] =	stream.linear.scatter [tilespmem:s20], [sflag:$0xB], $0x2800, $0x38;
	[tilespmem:$0x1D980] =	vst v63  }
0x35: {  	_ =	swait.ge [sflag:s21], $0x2800  }
0x36: {  	[sflag:s21] =	ssyncset.done $0x0  }
.LBB2_5:
0x37: {  	[sflag:s21] =	ssyncadd.s32 $0xFFFFD800;
	s7 =	simm.s32 $0xA  }
0x38: {  	_ =	swait.ge [sflag:s7], $0x2710  }
0x39: {  	[sflag:s7] =	ssyncset.done $0x0  }
0x3a: {  	[sflag:s7] =	ssyncadd.s32 $0xFFFFD8F0  }
0x3b: {  	[bflag:$0x0] =	sbarrier.arrive $0xFFFF  }
0x3c: {  	s22 =	simm.s32 $0x0;
	s15 =	rddreg [dreg:$0x5]  }
0x3d: {  	[tilespmem:s23], [sflag:$0x7] =	stream.linear.gather [hbm4b:s15+s22], $0x50, $0x38;
	[tilespmem:$0x1D980] =	vst v63  }
0x3e: {  	_ = 	snop  }
0x3f: {  	[tilespmem:s20], [sflag:$0x1] =	stream.indirect.gather [hbm4b:s2+s24], $0x80, s16, s24, $0xb8;
	[tilespmem:$0x1D980] =	vst v63  }
0x40: {  	s16 =	rddreg [dreg:$0x6]  }
0x41: {  	[tilespmem:s25], [sflag:$0x8] =	stream.linear.gather [hbm4b:s16+s22], $0x50, $0x38;
	[tilespmem:$0x1D980] =	vst v63  }
0x42: {  	s17 =	simm.s32 $0x1B0D0  }
0x43: {  	[tilespmem:s28], [sflag:$0x2] =	stream.indirect.gather [hbm4b:s2+s24], $0x80, s17, s24, $0xb8;
	[tilespmem:$0x1D980] =	vst v63  }
0x44: {  	s19 =	rddreg [dreg:$0x7]  }
0x45: {  	[tilespmem:s29], [sflag:$0x9] =	stream.linear.gather [hbm4b:s19+s22], $0x50, $0x38;
	[tilespmem:$0x1D980] =	vst v63  }
0x46: {  	s22 =	simm.s32 $0x1B120  }
0x47: {  	[tilespmem:s31], [sflag:$0x3] =	stream.indirect.gather [hbm4b:s2+s24], $0x80, s22, s24, $0xb8;
	[tilespmem:$0x1D980] =	vst v63  }
0x48: {  	_ =	swait.ge [sflag:s1], $0x2800  }
0x49: {  	[sflag:s1] =	ssyncset.done $0x0  }
0x4a: {  	[sflag:s1] =	ssyncadd.s32 $0xFFFFD800  }
0x4b: {  	_ =	swait.ge [sflag:s0], $0x50  }
0x4c: {  	[sflag:s0] =	ssyncset.done $0x0  }
0x4d: {  	[sflag:s0] =	ssyncadd.s32 $0xFFFFFFB0  }
0x4e: {  	[spmem:s3] =	stream.indirect.scatter.add.f32 [tilespmem:s20], [sflag:$0x4], $0x80, s23, s24, $0xb8;
	[tilespmem:$0x1D980] =	vst v63  }
0x4f: {  	_ =	swait.ge [sflag:s26], $0x2800  }
0x50: {  	[sflag:s26] =	ssyncset.done $0x0  }
0x51: {  	[sflag:s26] =	ssyncadd.s32 $0xFFFFD800  }
0x52: {  	_ =	swait.ge [sflag:s30], $0x50  }
0x53: {  	[sflag:s30] =	ssyncset.done $0x0  }
0x54: {  	[sflag:s30] =	ssyncadd.s32 $0xFFFFFFB0  }
0x55: {  	[spmem:s3] =	stream.indirect.scatter.add.f32 [tilespmem:s28], [sflag:$0x5], $0x80, s25, s24, $0xb8;
	[tilespmem:$0x1D980] =	vst v63  }
0x56: {  	_ =	swait.ge [sflag:s6], $0x2800  }
0x57: {  	[sflag:s6] =	ssyncset.done $0x0  }
0x58: {  	[sflag:s6] =	ssyncadd.s32 $0xFFFFD800  }
0x59: {  	_ =	swait.ge [sflag:s9], $0x50  }
0x5a: {  	[sflag:s9] =	ssyncset.done $0x0  }
0x5b: {  	[sflag:s9] =	ssyncadd.s32 $0xFFFFFFB0  }
0x5c: {  	[spmem:s3] =	stream.indirect.scatter.add.f32 [tilespmem:s31], [sflag:$0x6], $0x80, s29, s24, $0xb8;
	[tilespmem:$0x1D980] =	vst v63  }
0x5d: {  	_ =	swait.ge [sflag:s10], $0x2800  }
0x5e: {  	s16 =	rddreg [dreg:$0xd]  }
0x5f: {  	[sflag:s10] =	ssyncset.done $0x0;
	s15 =	sshrl.u32 s16, $0x3  }
0x60: {  	[sflag:s10] =	ssyncadd.s32 $0xFFFFD800;
	s7 =	sadd.s32 s5, s15  }
0x61: {  	[tilespmem:s23], [sflag:$0x7] =	stream.linear.gather [hbm4b:s7+s4], $0x50, $0x38;
	[tilespmem:$0x1D980] =	vst v63  }
0x62: {  	s17 =	simm.s32 $0x1B170  }
0x63: {  	[tilespmem:s20], [sflag:$0x1] =	stream.indirect.gather [hbm4b:s2+s24], $0x80, s17, s24, $0xb8;
	[tilespmem:$0x1D980] =	vst v63  }
0x64: {  	_ =	swait.ge [sflag:s11], $0x2800  }
0x65: {  	[sflag:s11] =	ssyncset.done $0x0  }
0x66: {  	s17 =	rddreg [dreg:$0xc];
	[sflag:s11] =	ssyncadd.s32 $0xFFFFD800  }
0x67: {  	[tilespmem:s25], [sflag:$0x8] =	stream.linear.gather [hbm4b:s17+s4], $0x50, $0x38;
	[tilespmem:$0x1D980] =	vst v63  }
0x68: {  	s19 =	simm.s32 $0x1B1C0  }
0x69: {  	[tilespmem:s28], [sflag:$0x2] =	stream.indirect.gather [hbm4b:s2+s24], $0x80, s19, s24, $0xb8;
	[tilespmem:$0x1D980] =	vst v63  }
0x6a: {  	_ =	swait.ge [sflag:s12], $0x2800  }
0x6b: {  	s7 =	sadd.s32 $0xF0, s16;
	[sflag:s12] =	ssyncset.done $0x0  }
0x6c: {  	s16 =	simm.s32 $0x1B210;
	s22 =	rddreg [dreg:$0xb];
	[sflag:s12] =	ssyncadd.s32 $0xFFFFD800  }
0x6d: {  	[tilespmem:s29], [sflag:$0x9] =	stream.linear.gather [hbm4b:s22+s4], $0x50, $0x38;
	[tilespmem:$0x1D980] =	vst v63  }
0x6e: {  	s15 =	sadd.s32 $0x1E, s17;
	s19 =	simm.s32 $0x3C0;
	s22 =	sadd.s32 $0x1E, s22  }
.LBB2_6:
0x6f: {  	[tilespmem:s31], [sflag:$0x3] =	stream.indirect.gather [hbm4b:s2+s24], $0x80, s16, s24, $0xb8;
	[tilespmem:$0x1D980] =	vst v63  }
0x70: {  	s16 =	smov.u32 s19  }
0x71: {  	p1 =	sne.s32 s19, $0x9240;
	s19 =	sadd.s32 $0x3C0, s19;
	_ =	swait.ge [sflag:s1], $0x2800  }
0x72: {  	[sflag:s1] =	ssyncset.done $0x0  }
0x73: {  	[sflag:s1] =	ssyncadd.s32 $0xFFFFD800  }
0x74: {  	_ =	swait.ge [sflag:s0], $0x50  }
0x75: {  	[sflag:s0] =	ssyncset.done $0x0  }
0x76: {  	[sflag:s0] =	ssyncadd.s32 $0xFFFFFFB0  }
0x77: {  	[spmem:s3] =	stream.indirect.scatter.add.f32 [tilespmem:s20], [sflag:$0x4], $0x80, s23, s24, $0xb8;
	[tilespmem:$0x1D980] =	vst v63  }
0x78: {  	_ =	swait.ge [sflag:s26], $0x2800  }
0x79: {  	[sflag:s26] =	ssyncset.done $0x0  }
0x7a: {  	[sflag:s26] =	ssyncadd.s32 $0xFFFFD800  }
0x7b: {  	_ =	swait.ge [sflag:s30], $0x50  }
0x7c: {  	[sflag:s30] =	ssyncset.done $0x0  }
0x7d: {  	[sflag:s30] =	ssyncadd.s32 $0xFFFFFFB0  }
0x7e: {  	[spmem:s3] =	stream.indirect.scatter.add.f32 [tilespmem:s28], [sflag:$0x5], $0x80, s25, s24, $0xb8;
	[tilespmem:$0x1D980] =	vst v63  }
0x7f: {  	_ =	swait.ge [sflag:s6], $0x2800  }
0x80: {  	[sflag:s6] =	ssyncset.done $0x0  }
0x81: {  	[sflag:s6] =	ssyncadd.s32 $0xFFFFD800  }
0x82: {  	_ =	swait.ge [sflag:s9], $0x50  }
0x83: {  	[sflag:s9] =	ssyncset.done $0x0  }
0x84: {  	[sflag:s9] =	ssyncadd.s32 $0xFFFFFFB0  }
0x85: {  	[spmem:s3] =	stream.indirect.scatter.add.f32 [tilespmem:s31], [sflag:$0x6], $0x80, s29, s24, $0xb8;
	[tilespmem:$0x1D980] =	vst v63  }
0x86: {  	_ =	swait.ge [sflag:s10], $0x2800  }
0x87: {  	s17 =	sshrl.u32 s7, $0x3;
	[sflag:s10] =	ssyncset.done $0x0  }
0x88: {  	s17 =	sadd.s32 s5, s17;
	s16 =	sshra.s32 s16, $0x2;
	[sflag:s10] =	ssyncadd.s32 $0xFFFFD800  }
0x89: {  	[tilespmem:s23], [sflag:$0x7] =	stream.linear.gather [hbm4b:s17+s4], $0x50, $0x38;
	[tilespmem:$0x1D980] =	vst v63  }
0x8a: {  	s17 =	sadd.s32 $0x1B170, s16  }
0x8b: {  	[tilespmem:s20], [sflag:$0x1] =	stream.indirect.gather [hbm4b:s2+s24], $0x80, s17, s24, $0xb8;
	[tilespmem:$0x1D980] =	vst v63  }
0x8c: {  	_ =	swait.ge [sflag:s11], $0x2800  }
0x8d: {  	[sflag:s11] =	ssyncset.done $0x0  }
0x8e: {  	[sflag:s11] =	ssyncadd.s32 $0xFFFFD800  }
0x8f: {  	[tilespmem:s25], [sflag:$0x8] =	stream.linear.gather [hbm4b:s15+s4], $0x50, $0x38;
	[tilespmem:$0x1D980] =	vst v63  }
0x90: {  	s17 =	sadd.s32 $0x1B1C0, s16  }
0x91: {  	[tilespmem:s28], [sflag:$0x2] =	stream.indirect.gather [hbm4b:s2+s24], $0x80, s17, s24, $0xb8;
	[tilespmem:$0x1D980] =	vst v63  }
.Ltmp3:
0x92: {  	_ =	swait.ge [sflag:s12], $0x2800;
	(pc) =	sbr.rel @p1 .LBB2_6-.Ltmp3, $4  }
0x93: {  	[sflag:s12] =	ssyncset.done $0x0  }
0x94: {  	s7 =	sadd.s32 $0xF0, s7;
	[sflag:s12] =	ssyncadd.s32 $0xFFFFD800  }
0x95: {  	[tilespmem:s29], [sflag:$0x9] =	stream.linear.gather [hbm4b:s22+s4], $0x50, $0x38;
	[tilespmem:$0x1D980] =	vst v63  }
0x96: {  	s16 =	sadd.s32 $0x1B210, s16;
	s15 =	sadd.s32 $0x1E, s15;
	s22 =	sadd.s32 $0x1E, s22  }
0x97: {  	[tilespmem:s31], [sflag:$0x3] =	stream.indirect.gather [hbm4b:s2+s24], $0x80, s16, s24, $0xb8;
	[tilespmem:$0x1D980] =	vst v63  }
0x98: {  	_ =	swait.ge [sflag:s1], $0x2800  }
0x99: {  	[sflag:s1] =	ssyncset.done $0x0  }
0x9a: {  	[sflag:s1] =	ssyncadd.s32 $0xFFFFD800  }
0x9b: {  	_ =	swait.ge [sflag:s0], $0x50  }
0x9c: {  	[sflag:s0] =	ssyncset.done $0x0  }
0x9d: {  	[sflag:s0] =	ssyncadd.s32 $0xFFFFFFB0  }
0x9e: {  	[spmem:s3] =	stream.indirect.scatter.add.f32 [tilespmem:s20], [sflag:$0x4], $0x80, s23, s24, $0xb8;
	[tilespmem:$0x1D980] =	vst v63  }
0x9f: {  	_ =	swait.ge [sflag:s26], $0x2800  }
0xa0: {  	[sflag:s26] =	ssyncset.done $0x0  }
0xa1: {  	[sflag:s26] =	ssyncadd.s32 $0xFFFFD800  }
0xa2: {  	_ =	swait.ge [sflag:s30], $0x50  }
0xa3: {  	[sflag:s30] =	ssyncset.done $0x0  }
0xa4: {  	[sflag:s30] =	ssyncadd.s32 $0xFFFFFFB0  }
0xa5: {  	[spmem:s3] =	stream.indirect.scatter.add.f32 [tilespmem:s28], [sflag:$0x5], $0x80, s25, s24, $0xb8;
	[tilespmem:$0x1D980] =	vst v63  }
0xa6: {  	_ =	swait.ge [sflag:s6], $0x2800  }
0xa7: {  	[sflag:s6] =	ssyncset.done $0x0  }
0xa8: {  	[sflag:s6] =	ssyncadd.s32 $0xFFFFD800  }
0xa9: {  	_ =	swait.ge [sflag:s9], $0x50  }
0xaa: {  	[sflag:s9] =	ssyncset.done $0x0  }
0xab: {  	[sflag:s9] =	ssyncadd.s32 $0xFFFFFFB0  }
0xac: {  	[spmem:s3] =	stream.indirect.scatter.add.f32 [tilespmem:s31], [sflag:$0x6], $0x80, s29, s24, $0xb8;
	[tilespmem:$0x1D980] =	vst v63  }
0xad: {  	_ =	swait.ge [sflag:s10], $0x2800  }
0xae: {  	[sflag:s10] =	ssyncset.done $0x0  }
0xaf: {  	s7 =	rddreg [dreg:$0x9];
	[sflag:s10] =	ssyncadd.s32 $0xFFFFD800  }
0xb0: {  	[tilespmem:s23], [sflag:$0x7] =	stream.linear.gather [hbm4b:s7+s4], $0x50, $0x38;
	[tilespmem:$0x1D980] =	vst v63  }
0xb1: {  	s17 =	simm.s32 $0x1D6F0  }
0xb2: {  	[tilespmem:s20], [sflag:$0x1] =	stream.indirect.gather [hbm4b:s2+s24], $0x80, s17, s24, $0xb8;
	[tilespmem:$0x1D980] =	vst v63  }
0xb3: {  	_ =	swait.ge [sflag:s11], $0x2800  }
0xb4: {  	[sflag:s11] =	ssyncset.done $0x0  }
0xb5: {  	s19 =	rddreg [dreg:$0xa];
	[sflag:s11] =	ssyncadd.s32 $0xFFFFD800  }
0xb6: {  	[tilespmem:s25], [sflag:$0x8] =	stream.linear.gather [hbm4b:s19+s4], $0x50, $0x38;
	[tilespmem:$0x1D980] =	vst v63  }
0xb7: {  	s22 =	simm.s32 $0x1D740  }
0xb8: {  	[tilespmem:s28], [sflag:$0x2] =	stream.indirect.gather [hbm4b:s2+s24], $0x80, s22, s24, $0xb8;
	[tilespmem:$0x1D980] =	vst v63  }
0xb9: {  	_ =	swait.ge [sflag:s12], $0x2800  }
0xba: {  	[sflag:s12] =	ssyncset.done $0x0  }
0xbb: {  	[sflag:s12] =	ssyncadd.s32 $0xFFFFD800  }
0xbc: {  	_ =	swait.ge [sflag:s1], $0x2800  }
0xbd: {  	[sflag:s1] =	ssyncset.done $0x0  }
0xbe: {  	[sflag:s1] =	ssyncadd.s32 $0xFFFFD800  }
0xbf: {  	_ =	swait.ge [sflag:s0], $0x50  }
0xc0: {  	[sflag:s0] =	ssyncset.done $0x0  }
0xc1: {  	[sflag:s0] =	ssyncadd.s32 $0xFFFFFFB0  }
0xc2: {  	[spmem:s3] =	stream.indirect.scatter.add.f32 [tilespmem:s20], [sflag:$0xB], $0x80, s23, s24, $0xb8;
	[tilespmem:$0x1D980] =	vst v63  }
0xc3: {  	_ =	swait.ge [sflag:s21], $0x2800  }
0xc4: {  	[sflag:s21] =	ssyncset.done $0x0  }
0xc5: {  	[sflag:s21] =	ssyncadd.s32 $0xFFFFD800  }
0xc6: {  	_ =	swait.ge [sflag:s26], $0x2800  }
0xc7: {  	[sflag:s26] =	ssyncset.done $0x0  }
0xc8: {  	[sflag:s26] =	ssyncadd.s32 $0xFFFFD800  }
0xc9: {  	_ =	swait.ge [sflag:s30], $0x50  }
0xca: {  	[sflag:s30] =	ssyncset.done $0x0  }
0xcb: {  	[sflag:s30] =	ssyncadd.s32 $0xFFFFFFB0  }
0xcc: {  	[spmem:s3] =	stream.indirect.scatter.add.f32 [tilespmem:s28], [sflag:$0xB], $0x80, s25, s24, $0xb8;
	[tilespmem:$0x1D980] =	vst v63  }
0xcd: {  	_ =	swait.ge [sflag:s21], $0x2800  }
0xce: {  	[sflag:s21] =	ssyncset.done $0x0  }
0xcf: {  	[sflag:s21] =	ssyncadd.s32 $0xFFFFD800  }
0xd0: {  	[bflag:$0x0] =	sbarrier.arrive $0xFFFF  }
0xd1: {  	[tilespmem:s20], [sflag:$0xB] =	stream.linear.gather [spmem:s14], $0x2800, $0x38;
	[tilespmem:$0x1D980] =	vst v63  }
0xd2: {  	_ =	swait.ge [sflag:s21], $0x2800  }
.Ltmp4:
0xd3: {  	[sflag:s21] =	ssyncset.done $0x0;
	(pc) =	sbr.rel @!p0 .LBB2_9-.Ltmp4, $4  }
0xd4: {  	[sflag:s21] =	ssyncadd.s32 $0xFFFFD800  }
0xd5: {  	[hbm4b:s18+s4] =	stream.linear.scatter [tilespmem:s20], [sflag:$0xB], $0x2800, $0x38;
	[tilespmem:$0x1D980] =	vst v63  }
0xd6: {  	s15 =	smov.u32 s14;
	_ =	swait.ge [sflag:s21], $0x2800  }
0xd7: {  	s7 =	sadd.s32 $0xFFFFFFFF, s8;
	s19 =	smov.u32 s18;
	[sflag:s21] =	ssyncset.done $0x0  }
.LBB2_8:
0xd8: {  	[sflag:s21] =	ssyncadd.s32 $0xFFFFD800;
	s15 =	sadd.s32 $0x28000, s15;
	s19 =	sadd.s32 $0x5000, s19  }
0xd9: {  	[tilespmem:s20], [sflag:$0xB] =	stream.linear.gather [spmem:s15], $0x2800, $0x38;
	[tilespmem:$0x1D980] =	vst v63  }
0xda: {  	p0 =	sne.s32 s7, $0x1;
	s7 =	sadd.s32 $0xFFFFFFFF, s7;
	_ =	swait.ge [sflag:s21], $0x2800  }
.Ltmp5:
0xdb: {  	[sflag:s21] =	ssyncset.done $0x0;
	(pc) =	sbr.rel @p0 .LBB2_8-.Ltmp5, $4  }
0xdc: {  	[sflag:s21] =	ssyncadd.s32 $0xFFFFD800  }
0xdd: {  	[hbm4b:s19+s4] =	stream.linear.scatter [tilespmem:s20], [sflag:$0xB], $0x2800, $0x38;
	[tilespmem:$0x1D980] =	vst v63  }
0xde: {  	_ =	swait.ge [sflag:s21], $0x2800  }
0xdf: {  	[sflag:s21] =	ssyncset.done $0x0  }
.LBB2_9:
0xe0: {  	s13 =	sadd.s32 $0x1, s13;
	s7 =	rddreg [dreg:$0x8]  }
0xe1: {  	p0 =	sne.s32 s13, s7  }
.Ltmp6:
0xe2: {  	_ = 	snop;
	(pc) =	sbr.rel @p0 .LBB2_1-.Ltmp6, $2  }
0xe3: {  	_ =	sdelay $0x2  }
0xe4: {  	[sflag:s21] =	ssyncadd.s32 $0xFFFFD800;
	s16 =	simm.s32 $0x1B080  }
0xe5: {  	_ =	sfence.sel $0x180000  }
0xe6: {  	[bflag:$0x0] =	sbarrier.arrive $0xFFFF  }
0xe7: {  	_ =	strace $0x90000050  }
0xe8: {  	s0 =	stileid.u32;
	[bflag:$0x2] =	sbarrier.arrive $0xFFFF  }
0xe9: {  	p0 =	sne.s32 s0, $0x0;
	s0 =	rddreg [dreg:$0x3]  }
0xea: {  	s0 =	sadd.s32 @!p0 $0x100000, s0  }
0xeb: {  	[sflag:s0] =	ssyncadd.tile.s32 @!p0 $0x1;
	_ =	shalt  }
.Lfunc_end2:
_tile_overlayer_lowered:
.L_overlay_start_2:
0xec: {  	(tag) =	ssettag $0x2  }
0xed: {  	s0 =	rddreg [dreg:$0x0];
	s2 =	stileid.u32  }
0xee: {  	s1 =	rddreg [dreg:$0x1];
	p0 =	sne.s32 s2, $0x0  }
0xef: {  	s3 =	rddreg [dreg:$0x2];
	[bflag:$0x3] =	sbarrier.arrive $0xFFFF;
	s2 =	simm.s32 @!p0 $0x1C0B  }
0xf0: {  	[timem:s3], [sflag:s2] =	dma.local @!p0 [hbm:s0], s1  }
0xf1: {  	s0 =	simm.s32 @!p0 $0xB  }
0xf2: {  	_ =	swait.ge @!p0 [sflag:s0], s1  }
0xf3: {  	s1 =	ssub.s32 @!p0 $0x0, s1;
	[sflag:s0] =	ssyncset.done @!p0 $0x0  }
0xf4: {  	[sflag:s0] =	ssyncadd.s32 @!p0 s1  }
0xf5: {  	[bflag:$0x3] =	sbarrier.arrive $0xFFFF  }
0xf6: {  	_ =	shalt  }

// kernel: kernel.9.cloned.1.call-start
scs
__scs_entry_jumppad:
0x0: {  	(pc) =	sbr.rel $0x88, $3  }
0x1: {  	(tag) =	ssettag $0x0;
	lr =	simm.s32 $0x1  }
0x2: {  	[smem:$0x3F96] =	sst lr;
	_ =	strace $0xD0000000  }
0x3: {  	_ = 	snop  }
0x4: {  	_ = 	snop  }
0x5: {  	_ = 	snop  }
0x6: {  	_ = 	snop  }
0x7: {  	_ = 	snop  }
__scs_overlays_trampoline_lowered:
0x8: {  	[smem:$0x3FA5] =	sst s0  }
0x9: {  	[smem:$0x3FA6] =	sst s1  }
0xa: {  	[smem:$0x3FA7] =	sst s2  }
0xb: {  	[smem:$0x3FA8] =	sst s3  }
0xc: {  	[smem:$0x3FA9] =	sst s4  }
0xd: {  	[smem:$0x3FAA] =	sst s5  }
0xe: {  	[smem:$0x3FAB] =	sst s6  }
0xf: {  	[smem:$0x3FAC] =	sst s7  }
0x10: {  	[smem:$0x3FAD] =	sst s8  }
0x11: {  	[smem:$0x3FAE] =	sst s9;
	s0 =	simm.s32 @!p0 $0x0  }
0x12: {  	s1 =	sld [smem:$0x3F94];
	s0 =	simm.s32 @p0 $0x1  }
0x13: {  	[smem:$0x3FAF] =	sst s0;
	s0 =	simm.s32 @!p1 $0x0  }
0x14: {  	s2 =	sld [smem:$0x3F93];
	s0 =	simm.s32 @p1 $0x1  }
0x15: {  	[smem:$0x3FB0] =	sst s0;
	s0 =	simm.s32 @!p2 $0x0  }
0x16: {  	s3 =	sld [smem:$0x3FDB];
	s0 =	simm.s32 @p2 $0x1  }
0x17: {  	s4 =	simm.s32 $0x1BF5;
	[smem:$0x3FB2] =	sst s0  }
0x18: {  	s0 =	sld [smem:$0x3F95];
	_ =	swait.ge [sflag:s4], $0x0  }
0x19: {  	s7 =	sld [smem:$0x3F96]  }
0x1a: {  	s8 =	sadd.s32 $0xFFFFE003, lr  }
0x1b: {  	s9 =	sadd.s32 $0xFFFFFEF7, lr;
	s5 =	simm.s32 $0xFFFFFFFF;
	p2 =	slt.u32 s8, $0xFFFFF086  }
0x1c: {  	p1 =	slt.u32 s9, $0xF7A;
	s5 =	simm.s32 @!p2 $0x0  }
0x1d: {  	s5 =	simm.s32 @p1 $0x1;
	p0 =	seq.s32 s7, s2  }
0x1e: {  	s7 =	smul.u32 @!p0 $0xF7A, s2;
	p2 =	seq.s32 @!p0 s5, $0x0  }
0x1f: {  	s9 =	smul.u32 $0xF7A, s1;
	s8 =	simm.s32 @!p0 $0x1BF5;
	p2 =	por !p2, p0  }
0x20: {  	[sflag:s8] =	ssyncset.s32 @!p0 $0xFFFFF086;
	s6 =	sadd.s32 @!p0 s3, s7;
	s7 =	simm.s32 @!p0 $0x108  }
0x21: {  	s3 =	sadd.s32 s3, s9;
	s6 =	sadd.s32 @!p0 $0x88, s6;
	s7 =	simm.s32 @p2 $0x1082  }
0x22: {  	[simem:s7], [sflag:s8] =	dma.local @!p0 [hbm:s6], $0xF7A  }
0x23: {  	s9 =	sor.u32 $0xD0000000, s2;
	s6 =	simm.s32 $0x108;
	_ =	swait.ge @!p0 [sflag:s8], $0x0  }
0x24: {  	s3 =	sadd.s32 $0x88, s3;
	s6 =	simm.s32 @!p1 $0x1082;
	[sflag:s4] =	ssyncset.s32 $0xFFFFF086  }
0x25: {  	[simem:s6], [sflag:s4] =	dma.local [hbm:s3], $0xF7A  }
0x26: {  	[smem:$0x3F96] =	sst s1;
	(tag) =	ssettag s2;
	_ =	strace s9  }
0x27: {  	s1 =	sld [smem:$0x3FA6]  }
0x28: {  	s2 =	sld [smem:$0x3FA7]  }
0x29: {  	s4 =	sld [smem:$0x3FA9]  }
0x2a: {  	p0 =	seq.s32 s5, $0x0;
	s5 =	sld [smem:$0x3FAA]  }
0x2b: {  	s6 =	sld [smem:$0x3FAB]  }
0x2c: {  	s7 =	sld [smem:$0x3FAC]  }
0x2d: {  	s3 =	simm.s32 $0x108;
	s8 =	sld [smem:$0x3FAD]  }
0x2e: {  	s3 =	simm.s32 @!p0 $0x1082;
	s9 =	sld [smem:$0x3FAE]  }
0x2f: {  	lr =	sadd.s32 s0, s3;
	s0 =	sld [smem:$0x3FA5]  }
0x30: {  	s3 =	sld [smem:$0x3FA8]  }
0x31: {  	[smem:$0x3FB1] =	sst s10  }
0x32: {  	s10 =	sld [smem:$0x3FAF];
	_ =	sdelay $0x3  }
0x33: {  	p0 =	seq.s32 s10, $0x1;
	s10 =	sld [smem:$0x3FB1];
	_ =	sdelay $0x3  }
0x34: {  	[smem:$0x3FB1] =	sst s10  }
0x35: {  	s10 =	sld [smem:$0x3FB0];
	_ =	sdelay $0x3  }
0x36: {  	p1 =	seq.s32 s10, $0x1;
	s10 =	sld [smem:$0x3FB1];
	_ =	sdelay $0x3  }
0x37: {  	[smem:$0x3FB1] =	sst s10  }
0x38: {  	s10 =	sld [smem:$0x3FB2]  }
0x39: {  	_ = 	snop;
	(pc) =	sbr.ind lr, $3  }
0x3a: {  	_ = 	snop  }
0x3b: {  	_ = 	snop  }
0x3c: {  	p2 =	seq.s32 s10, $0x1;
	s10 =	sld [smem:$0x3FB1]  }
0x3d: {  	_ =	shalt  }
0x3e: {  	_ =	shalt  }
0x3f: {  	_ =	shalt  }
0x40: {  	_ =	shalt  }
0x41: {  	_ =	shalt  }
0x42: {  	_ =	shalt  }
0x43: {  	_ =	shalt  }
0x44: {  	_ =	shalt  }
0x45: {  	_ =	shalt  }
0x46: {  	_ =	shalt  }
0x47: {  	_ =	shalt  }
0x48: {  	_ =	shalt  }
0x49: {  	_ =	shalt  }
0x4a: {  	_ =	shalt  }
0x4b: {  	_ =	shalt  }
0x4c: {  	_ =	shalt  }
0x4d: {  	_ =	shalt  }
0x4e: {  	_ =	shalt  }
0x4f: {  	_ =	shalt  }
0x50: {  	_ =	shalt  }
0x51: {  	_ =	shalt  }
0x52: {  	_ =	shalt  }
0x53: {  	_ =	shalt  }
0x54: {  	_ =	shalt  }
0x55: {  	_ =	shalt  }
0x56: {  	_ =	shalt  }
0x57: {  	_ =	shalt  }
0x58: {  	_ =	shalt  }
0x59: {  	_ =	shalt  }
0x5a: {  	_ =	shalt  }
0x5b: {  	_ =	shalt  }
0x5c: {  	_ =	shalt  }
0x5d: {  	_ =	shalt  }
0x5e: {  	_ =	shalt  }
0x5f: {  	_ =	shalt  }
0x60: {  	_ =	shalt  }
0x61: {  	_ =	shalt  }
0x62: {  	_ =	shalt  }
0x63: {  	_ =	shalt  }
0x64: {  	_ =	shalt  }
0x65: {  	_ =	shalt  }
0x66: {  	_ =	shalt  }
0x67: {  	_ =	shalt  }
0x68: {  	_ =	shalt  }
0x69: {  	_ =	shalt  }
0x6a: {  	_ =	shalt  }
0x6b: {  	_ =	shalt  }
0x6c: {  	_ =	shalt  }
0x6d: {  	_ =	shalt  }
0x6e: {  	_ =	shalt  }
0x6f: {  	_ =	shalt  }
0x70: {  	_ =	shalt  }
0x71: {  	_ =	shalt  }
0x72: {  	_ =	shalt  }
0x73: {  	_ =	shalt  }
0x74: {  	_ =	shalt  }
0x75: {  	_ =	shalt  }
0x76: {  	_ =	shalt  }
0x77: {  	_ =	shalt  }
0x78: {  	_ =	shalt  }
0x79: {  	_ =	shalt  }
0x7a: {  	_ =	shalt  }
0x7b: {  	_ =	shalt  }
0x7c: {  	_ =	shalt  }
0x7d: {  	_ =	shalt  }
0x7e: {  	_ =	shalt  }
0x7f: {  	_ =	shalt  }
0x80: {  	_ =	shalt  }
0x81: {  	_ =	shalt  }
0x82: {  	_ =	shalt  }
0x83: {  	_ =	shalt  }
0x84: {  	_ =	shalt  }
0x85: {  	_ =	shalt  }
0x86: {  	_ =	shalt  }
0x87: {  	_ =	shalt  }
.Lfunc_end0:
.L_simem_size_0:
called_computation_lowered:
.L_overlay_start_0:
0x88: {  	s2 =	sld [smem:$0x3FD9]  }
0x89: {  	s3 =	sld [smem:$0x3FFE];
	_ =	sdelay $0x1  }
0x8a: {  	s1 =	srdreg.scid  }
0x8b: {  	s0 =	sand.u32 $0x1, s1  }
0x8c: {  	s17 =	sshll.u32 s0, $0xA;
	s2 =	sadd.s32 s3, s2  }
0x8d: {  	s2 =	sadd.s32 s2, s17  }
0x8e: {  	[smem:$0x3FBD] =	sst s2  }
0x8f: {  	_ = 	snop  }
0x90: {  	(tm) =	ssettm $0x1  }
0x91: {  	s18 =	sld [smem:$0x3FFB];
	_ =	sdelay $0x3  }
0x92: {  	_ =	strace s18  }
0x93: {  	s2 =	sld [smem:$0x3FFC];
	_ =	sdelay $0x3  }
0x94: {  	_ =	strace s2  }
0x95: {  	s2 =	sld [smem:$0x3FFD];
	_ =	sdelay $0x3  }
0x96: {  	_ =	strace s2  }
0x97: {  	_ =	strace $0x8FFFFFFF  }
0x98: {  	s19 =	sld [smem:$0x3FDB];
	_ =	sdelay $0x1  }
0x99: {  	s20 =	simm.s32 $_scs_section_size  }
0x9a: {  	s4 =	simm.s32 $_size__tile_overlayer_lowered;
	s5 =	simm.s32 $_tile_overlayer_lowered  }
0x9b: {  	s6 =	simm.s32 $0x1BFF;
	s21 =	sshll.u32 s5, $0x1;
	s3 =	sadd.s32 s20, s19  }
0x9c: {  	s22 =	simm.s32 $0x0;
	s4 =	sshll.u32 s4, $0x1;
	s5 =	sadd.s32 s21, s3  }
0x9d: {  	[timem:s22], [sflag:s6] =	dma.local [hbm:s5], s4  }
0x9e: {  	_ =	swait.ge [sflag:s6], s4  }
0x9f: {  	s4 =	ssub.s32 $0x0, s4;
	[sflag:s6] =	ssyncset.done $0x0  }
0xa0: {  	[sflag:s6] =	ssyncadd.s32 s4;
	_ =	sdelay $0x1  }
0xa1: {  	s23 =	simm.s32 $0x1B8B  }
0xa2: {  	_ =	swait.ge [sflag:s23], $0x1  }
0xa3: {  	[sflag:s23] =	ssyncset.done $0x0  }
0xa4: {  	[sflag:s23] =	ssyncadd.s32 $0xFFFFFFFF  }
0xa5: {  	s4 =	sld [smem:$0x0]  }
0xa6: {  	s5 =	sand.u32 $0xFFFFFFFE, s1  }
0xa7: {  	p0 =	sne.s32 s1, s5  }
0xa8: {  	s5 =	sshll.u32 @p0 s5, $0xE  }
0xa9: {  	s5 =	sadd.s32 @p0 $0x11B8D, s5;
	s6 =	sshll.u32 @p0 s4, $0x11  }
0xaa: {  	s5 =	sor.u32 @p0 s6, s5  }
0xab: {  	[sflag:s5] =	ssyncadd.remote.s32 @p0 $0x1;
	_ =	sdelay $0x1  }
0xac: {  	s5 =	simm.s32 @p0 $0x1B8D  }
0xad: {  	_ =	swait.eq @p0 [sflag:s5], $0x1  }
0xae: {  	[sflag:s5] =	ssyncadd.s32 @p0 $0xFFFFFFFF  }
0xaf: {  	s6 =	sshll.u32 @!p0 s1, $0xE  }
0xb0: {  	s6 =	sor.u32 @!p0 $0x4000, s6;
	s5 =	simm.s32 @!p0 $0x1B8D  }
0xb1: {  	s4 =	sshll.u32 @!p0 s4, $0x11;
	s6 =	sadd.s32 @!p0 $0x11B8D, s6;
	_ =	swait.eq @!p0 [sflag:s5], $0x1  }
0xb2: {  	s4 =	sor.u32 @!p0 s4, s6;
	[sflag:s5] =	ssyncadd.s32 @!p0 $0xFFFFFFFF  }
0xb3: {  	s25 =	simm.s32 $0x1B8E;
	s24 =	sld [smem:$0x3FFE];
	[sflag:s4] =	ssyncadd.remote.s32 @!p0 $0x1  }
0xb4: {  	s26 =	simm.s32 $execute0_lowered;
	[smem:$0x3FD2] =	sst s25  }
0xb5: {  	s5 =	sshll.u32 s26, $0x1;
	_ =	strace $0x80000049;
	[dreg:$0x1] =	wrdreg $0xFFFFFFFF  }
0xb6: {  	s28 =	simm.s32 $_size_execute0_lowered;
	s3 =	sadd.s32 s3, s5;
	[dreg:$0x0] =	wrdreg $0x0  }
0xb7: {  	s5 =	sshll.u32 s28, $0x1;
	[dreg:$0x2] =	wrdreg s3  }
0xb8: {  	[dreg:$0x3] =	wrdreg s5  }
0xb9: {  	[dreg:$0x4] =	wrdreg $0xC0  }
0xba: {  	_ =	task [dreg:s22], $0x5FFFF  }
0xbb: {  	[dreg:$0x1] =	wrdreg $0xFFFFFFFF  }
0xbc: {  	[dreg:$0x0] =	wrdreg $0x60  }
0xbd: {  	[dreg:$0x2] =	wrdreg s24  }
0xbe: {  	[dreg:$0x3] =	wrdreg $0x0  }
0xbf: {  	[dreg:$0x4] =	wrdreg $0x9  }
0xc0: {  	_ =	task.clear_ibuf [dreg:s22], $0x5FFFF;
	_ =	strace $0x90000049  }
0xc1: {  	s29 =	simm.s32 $0x9;
	_ =	strace $0x8000004B  }
0xc2: {  	_ =	swait.ge [sflag:s29], $0x1  }
0xc3: {  	[sflag:s29] =	ssyncadd.s32 $0xFFFFFFFF  }
0xc4: {  	_ =	strace $0x9000004B  }
0xc5: {  	_ =	sfence  }
0xc6: {  	s30 =	sld [smem:$0x0];
	_ =	sdelay $0x2  }
0xc7: {  	s31 =	sshll.u32 s1, $0xD;
	s1 =	sshrl.u32 s1, $0x2  }
0xc8: {  	s4 =	sand.u32 $0x4000, s31;
	s1 =	sadd.s32 s1, s30  }
0xc9: {  	s0 =	sor.u32 s4, s0;
	s1 =	sshll.u32 s1, $0x11  }
0xca: {  	s0 =	sor.u32 s1, s0  }
0xcb: {  	s0 =	sadd.s32 $0x8F2B, s0  }
0xcc: {  	[sflag:s0] =	ssyncadd.remote.s32 $0x1  }
0xcd: {  	_ =	sfence.sel $0xFFFF  }
0xce: {  	[dreg:$0x0] =	wrdreg $0xFFFFFFFF;
	(pc) =	sbr.abs _section_cstart, $3  }
0xcf: {  	[dreg:$0x1] =	wrdreg $0xFFFFFFFF  }
0xd0: {  	_ =	task.clear_ibuf [dreg:s22], $0x2FFFF;
	_ =	strace $0x9FFFFFFF  }
0xd1: {  	(tm) =	ssettm $0x7FFFFFFF  }
tec
execute0_lowered:
.L_overlay_start_1:
0x0: {  	(tag) =	ssettag $0x1  }
0x1: {  	s0 =	rddreg [dreg:$0x0]  }
0x2: {  	s1 =	rddreg [dreg:$0x1];
	s2 =	srdreg.scid  }
0x3: {  	s3 =	simm.s32 $0x0;
	s12 =	stileid.u32;
	s17 =	simm.s32 $0x13880  }
0x4: {  	s18 =	simm.s32 $0x7;
	s19 =	simm.s32 $0x16080;
	s20 =	simm.s32 $0x16100  }
0x5: {  	s21 =	simm.s32 $0x16180;
	s22 =	simm.s32 $0x1;
	s23 =	simm.s32 $0x50  }
0x6: {  	s24 =	simm.s32 $0x2;
	s28 =	simm.s32 $0x5;
	s29 =	simm.s32 $0x6  }
0x7: {  	s30 =	simm.s32 $0x0;
	s2 =	sand.u32 $0x1, s2;
	s5 =	smul.u32 $0x2800, s12  }
0x8: {  	[smem:$0x7FF] =	sst s3;
	s26 =	ssub.s32 $0x8C, s12;
	s11 =	smul.u32 $0x2710, s12  }
0x9: {  	s4 =	smul.u32 $0x138800, s2;
	_ =	strace $0x8000004A;
	s6 =	sshll.u32 s2, $0x4  }
0xa: {  	s25 =	ssub.s32 $0x2, s2;
	s2 =	smul.u32 $0x27100, s2;
	s6 =	sor.u32 s12, s6  }
0xb: {  	s8 =	sshrl.u32 s25, $0x1;
	s12 =	smul.u32 $0xA000, s12;
	s4 =	sadd.s32 s5, s4  }
0xc: {  	s6 =	smul.u32 $0x2710, s6;
	s9 =	ssub.s32 s25, s8;
	s5 =	sshrl.u32 s26, $0x4  }
0xd: {  	s2 =	sadd.s32 s11, s2;
	s25 =	simm.s32 $0x3;
	s26 =	simm.s32 $0x4  }
0xe: {  	s7 =	sshrl.u32 s4, $0x3;
	s4 =	sadd.s32 $0x3000, s0;
	s9 =	smax.u32 s9, $0x1  }
0xf: {  	s13 =	sadd.s32 $0x190, s2;
	s14 =	sadd.s32 $0x140, s2;
	s12 =	sshrl.u32 s12, $0x2  }
0x10: {  	s15 =	sadd.s32 $0xF0, s2;
	s0 =	sadd.s32 s7, s0;
	s6 =	sshrl.u32 s6, $0x3  }
0x11: {  	s13 =	sshrl.u32 s13, $0x3;
	s14 =	sshrl.u32 s14, $0x3;
	s12 =	sadd.s32 s12, s1  }
0x12: {  	s6 =	sadd.s32 s4, s6;
	s13 =	sadd.s32 s13, s4;
	s14 =	sadd.s32 s14, s4  }
0x13: {  	s2 =	sadd.s32 $0x64E00, s0;
	s31 =	sadd.s32 $0xA, s6;
	s8 =	sadd.s32 $0x14, s6  }
0x14: {  	v0 =	vimm.f32 $0.0e+00;
	v1 =	vimm.f32 $1.000000000e+00;
	s10 =	sadd.s32 $0x4CE, s6;
	s11 =	sadd.s32 $0x4D8, s6;
	[dreg:$0x3] =	wrdreg s31  }
.LBB2_1:
0x15: {  	s0 =	simm.s32 $0x70;
	s16 =	simm.s32 $0x3C0  }
.LBB2_2:
0x16: {  	p0 =	sne.s32 s16, $0x9FC0;
	[tilespmem:s0+$0x13880] =	vst v0  }
0x17: {  	[tilespmem:s0+$0x13810] =	vst v0  }
0x18: {  	[tilespmem:s0+$0x13820] =	vst v0  }
.Ltmp0:
0x19: {  	[tilespmem:s0+$0x13830] =	vst v0;
	(pc) =	sbr.rel @p0 .LBB2_2-.Ltmp0, $4  }
0x1a: {  	[tilespmem:s0+$0x13840] =	vst v0  }
0x1b: {  	[tilespmem:s0+$0x13850] =	vst v0  }
0x1c: {  	[tilespmem:s0+$0x13860] =	vst v0  }
0x1d: {  	[tilespmem:s0+$0x13870] =	vst v0;
	s0 =	sshra.s32 s16, $0x2;
	s16 =	sadd.s32 $0x200, s16  }
0x1e: {  	[tilespmem:s0+$0x13880] =	vst v0  }
0x1f: {  	[tilespmem:s0+$0x13810] =	vst v0  }
0x20: {  	[tilespmem:s0+$0x13820] =	vst v0  }
0x21: {  	[tilespmem:s0+$0x13830] =	vst v0  }
0x22: {  	[tilespmem:s0+$0x13840] =	vst v0  }
0x23: {  	[tilespmem:s0+$0x13850] =	vst v0  }
0x24: {  	[tilespmem:s0+$0x13860] =	vst v0  }
0x25: {  	[tilespmem:s0+$0x13870] =	vst v0;
	s0 =	smov.u32 s12;
	s16 =	smov.u32 s5  }
.LBB2_4:
0x26: {  	p0 =	sne.s32 s16, $0x1  }
.Ltmp1:
0x27: {  	_ = 	snop;
	(pc) =	sbr.rel @p0 .LBB2_4-.Ltmp1, $4  }
0x28: {  	[spmem:s0] =	stream.linear.scatter [tilespmem:s17], [sflag:$0x7], $0x2800, $0x38;
	[tilespmem:$0x16200] =	vst v63  }
0x29: {  	_ =	swait.ge [sflag:s18], $0x2800  }
0x2a: {  	[sflag:s18] =	ssyncset.done $0x0  }
0x2b: {  	s0 =	sadd.s32 $0x28000, s0;
	s16 =	sadd.s32 $0xFFFFFFFF, s16;
	[sflag:s18] =	ssyncadd.s32 $0xFFFFD800  }
0x2c: {  	s0 =	simm.s32 $0x70;
	s16 =	simm.s32 $0x3C0  }
.LBB2_6:
0x2d: {  	p0 =	sne.s32 s16, $0x9FC0;
	[tilespmem:s0+$0x13880] =	vst v1  }
0x2e: {  	[tilespmem:s0+$0x13810] =	vst v1  }
0x2f: {  	[tilespmem:s0+$0x13820] =	vst v1  }
.Ltmp2:
0x30: {  	[tilespmem:s0+$0x13830] =	vst v1;
	(pc) =	sbr.rel @p0 .LBB2_6-.Ltmp2, $4  }
0x31: {  	[tilespmem:s0+$0x13840] =	vst v1  }
0x32: {  	[tilespmem:s0+$0x13850] =	vst v1  }
0x33: {  	[tilespmem:s0+$0x13860] =	vst v1  }
0x34: {  	[tilespmem:s0+$0x13870] =	vst v1;
	s0 =	sshra.s32 s16, $0x2;
	s16 =	sadd.s32 $0x200, s16  }
0x35: {  	[tilespmem:s0+$0x13880] =	vst v1  }
0x36: {  	[tilespmem:s0+$0x13810] =	vst v1  }
0x37: {  	[tilespmem:s0+$0x13820] =	vst v1  }
0x38: {  	[tilespmem:s0+$0x13830] =	vst v1  }
0x39: {  	[tilespmem:s0+$0x13840] =	vst v1  }
0x3a: {  	[tilespmem:s0+$0x13850] =	vst v1  }
0x3b: {  	[tilespmem:s0+$0x13860] =	vst v1  }
0x3c: {  	[tilespmem:s0+$0x13870] =	vst v1  }
0x3d: {  	s16 =	simm.s32 $0x0;
	[bflag:$0x0] =	sbarrier.arrive $0xFFFF  }
0x3e: {  	[tilespmem:s19], [sflag:$0x1] =	stream.linear.gather [hbm4b:s6+s16], $0x50, $0x38;
	[tilespmem:$0x16200] =	vst v63  }
0x3f: {  	s7 =	rddreg [dreg:$0x3]  }
0x40: {  	[tilespmem:s20], [sflag:$0x2] =	stream.linear.gather [hbm4b:s7+s16], $0x50, $0x38;
	[tilespmem:$0x16200] =	vst v63  }
0x41: {  	_ = 	snop  }
0x42: {  	[tilespmem:s21], [sflag:$0x3] =	stream.linear.gather [hbm4b:s8+s16], $0x50, $0x38;
	[tilespmem:$0x16200] =	vst v63  }
0x43: {  	_ =	swait.ge [sflag:s22], $0x50  }
0x44: {  	[sflag:s22] =	ssyncset.done $0x0  }
0x45: {  	[sflag:s22] =	ssyncadd.s32 $0xFFFFFFB0  }
0x46: {  	[spmem:s1] =	stream.indirect.scatter.add.f32 [tilespmem:s17], [sflag:$0x4], $0x80, s19, s23, $0xb8;
	[tilespmem:$0x16200] =	vst v63  }
0x47: {  	_ =	swait.ge [sflag:s24], $0x50  }
0x48: {  	[sflag:s24] =	ssyncset.done $0x0  }
0x49: {  	[sflag:s24] =	ssyncadd.s32 $0xFFFFFFB0  }
0x4a: {  	[spmem:s1] =	stream.indirect.scatter.add.f32 [tilespmem:s17], [sflag:$0x5], $0x80, s20, s23, $0xb8;
	[tilespmem:$0x16200] =	vst v63  }
0x4b: {  	_ =	swait.ge [sflag:s25], $0x50  }
0x4c: {  	[sflag:s25] =	ssyncset.done $0x0  }
0x4d: {  	[sflag:s25] =	ssyncadd.s32 $0xFFFFFFB0  }
0x4e: {  	[spmem:s1] =	stream.indirect.scatter.add.f32 [tilespmem:s17], [sflag:$0x6], $0x80, s21, s23, $0xb8;
	[tilespmem:$0x16200] =	vst v63  }
0x4f: {  	_ =	swait.ge [sflag:s26], $0x2800  }
0x50: {  	s7 =	sshrl.u32 s15, $0x3;
	[sflag:s26] =	ssyncset.done $0x0  }
0x51: {  	s0 =	sadd.s32 s4, s7;
	[sflag:s26] =	ssyncadd.s32 $0xFFFFD800  }
0x52: {  	[tilespmem:s19], [sflag:$0x1] =	stream.linear.gather [hbm4b:s0+s3], $0x50, $0x38;
	[tilespmem:$0x16200] =	vst v63  }
0x53: {  	_ =	swait.ge [sflag:s28], $0x2800  }
0x54: {  	[sflag:s28] =	ssyncset.done $0x0  }
0x55: {  	s16 =	sadd.s32 $0x0, s14;
	[sflag:s28] =	ssyncadd.s32 $0xFFFFD800  }
0x56: {  	[tilespmem:s20], [sflag:$0x2] =	stream.linear.gather [hbm4b:s16+s3], $0x50, $0x38;
	[tilespmem:$0x16200] =	vst v63  }
0x57: {  	_ =	swait.ge [sflag:s29], $0x2800  }
0x58: {  	s31 =	simm.s32 $0x1E;
	[sflag:s29] =	ssyncset.done $0x0  }
0x59: {  	s0 =	sadd.s32 $0xF0, s15;
	s16 =	sadd.s32 $0x0, s13;
	[sflag:s29] =	ssyncadd.s32 $0xFFFFD800  }
.LBB2_8:
0x5a: {  	[tilespmem:s21], [sflag:$0x3] =	stream.linear.gather [hbm4b:s16+s3], $0x50, $0x38;
	[tilespmem:$0x16200] =	vst v63  }
0x5b: {  	s16 =	smov.u32 s31  }
0x5c: {  	p0 =	sne.s32 s31, $0x492;
	s31 =	sadd.s32 $0x1E, s31;
	_ =	swait.ge [sflag:s22], $0x50  }
0x5d: {  	[sflag:s22] =	ssyncset.done $0x0  }
0x5e: {  	[sflag:s22] =	ssyncadd.s32 $0xFFFFFFB0  }
0x5f: {  	[spmem:s1] =	stream.indirect.scatter.add.f32 [tilespmem:s17], [sflag:$0x4], $0x80, s19, s23, $0xb8;
	[tilespmem:$0x16200] =	vst v63  }
0x60: {  	_ =	swait.ge [sflag:s24], $0x50  }
0x61: {  	[sflag:s24] =	ssyncset.done $0x0  }
0x62: {  	[sflag:s24] =	ssyncadd.s32 $0xFFFFFFB0  }
0x63: {  	[spmem:s1] =	stream.indirect.scatter.add.f32 [tilespmem:s17], [sflag:$0x5], $0x80, s20, s23, $0xb8;
	[tilespmem:$0x16200] =	vst v63  }
0x64: {  	_ =	swait.ge [sflag:s25], $0x50  }
0x65: {  	[sflag:s25] =	ssyncset.done $0x0  }
0x66: {  	[sflag:s25] =	ssyncadd.s32 $0xFFFFFFB0  }
0x67: {  	[spmem:s1] =	stream.indirect.scatter.add.f32 [tilespmem:s17], [sflag:$0x6], $0x80, s21, s23, $0xb8;
	[tilespmem:$0x16200] =	vst v63  }
0x68: {  	_ =	swait.ge [sflag:s26], $0x2800  }
0x69: {  	s7 =	sshrl.u32 s0, $0x3;
	[sflag:s26] =	ssyncset.done $0x0  }
0x6a: {  	s7 =	sadd.s32 s4, s7;
	[sflag:s26] =	ssyncadd.s32 $0xFFFFD800  }
0x6b: {  	[tilespmem:s19], [sflag:$0x1] =	stream.linear.gather [hbm4b:s7+s3], $0x50, $0x38;
	[tilespmem:$0x16200] =	vst v63  }
0x6c: {  	_ =	swait.ge [sflag:s28], $0x2800  }
0x6d: {  	[sflag:s28] =	ssyncset.done $0x0  }
.Ltmp3:
0x6e: {  	s7 =	sadd.s32 s16, s14;
	[sflag:s28] =	ssyncadd.s32 $0xFFFFD800;
	(pc) =	sbr.rel @p0 .LBB2_8-.Ltmp3, $4  }
0x6f: {  	[tilespmem:s20], [sflag:$0x2] =	stream.linear.gather [hbm4b:s7+s3], $0x50, $0x38;
	[tilespmem:$0x16200] =	vst v63  }
0x70: {  	_ =	swait.ge [sflag:s29], $0x2800  }
0x71: {  	[sflag:s29] =	ssyncset.done $0x0  }
0x72: {  	s0 =	sadd.s32 $0xF0, s0;
	s16 =	sadd.s32 s16, s13;
	[sflag:s29] =	ssyncadd.s32 $0xFFFFD800  }
0x73: {  	[tilespmem:s21], [sflag:$0x3] =	stream.linear.gather [hbm4b:s16+s3], $0x50, $0x38;
	[tilespmem:$0x16200] =	vst v63  }
0x74: {  	_ =	swait.ge [sflag:s22], $0x50  }
0x75: {  	[sflag:s22] =	ssyncset.done $0x0  }
0x76: {  	[sflag:s22] =	ssyncadd.s32 $0xFFFFFFB0  }
0x77: {  	[spmem:s1] =	stream.indirect.scatter.add.f32 [tilespmem:s17], [sflag:$0x4], $0x80, s19, s23, $0xb8;
	[tilespmem:$0x16200] =	vst v63  }
0x78: {  	_ =	swait.ge [sflag:s24], $0x50  }
0x79: {  	[sflag:s24] =	ssyncset.done $0x0  }
0x7a: {  	[sflag:s24] =	ssyncadd.s32 $0xFFFFFFB0  }
0x7b: {  	[spmem:s1] =	stream.indirect.scatter.add.f32 [tilespmem:s17], [sflag:$0x5], $0x80, s20, s23, $0xb8;
	[tilespmem:$0x16200] =	vst v63  }
0x7c: {  	_ =	swait.ge [sflag:s25], $0x50  }
0x7d: {  	[sflag:s25] =	ssyncset.done $0x0  }
0x7e: {  	[sflag:s25] =	ssyncadd.s32 $0xFFFFFFB0  }
0x7f: {  	[spmem:s1] =	stream.indirect.scatter.add.f32 [tilespmem:s17], [sflag:$0x6], $0x80, s21, s23, $0xb8;
	[tilespmem:$0x16200] =	vst v63  }
0x80: {  	_ =	swait.ge [sflag:s26], $0x2800  }
0x81: {  	[sflag:s26] =	ssyncset.done $0x0  }
0x82: {  	[sflag:s26] =	ssyncadd.s32 $0xFFFFD800  }
0x83: {  	[tilespmem:s19], [sflag:$0x1] =	stream.linear.gather [hbm4b:s10+s3], $0x50, $0x38;
	[tilespmem:$0x16200] =	vst v63  }
0x84: {  	_ =	swait.ge [sflag:s28], $0x2800  }
0x85: {  	[sflag:s28] =	ssyncset.done $0x0  }
0x86: {  	[sflag:s28] =	ssyncadd.s32 $0xFFFFD800  }
0x87: {  	[tilespmem:s20], [sflag:$0x2] =	stream.linear.gather [hbm4b:s11+s3], $0x50, $0x38;
	[tilespmem:$0x16200] =	vst v63  }
0x88: {  	_ =	swait.ge [sflag:s29], $0x2800  }
0x89: {  	[sflag:s29] =	ssyncset.done $0x0  }
0x8a: {  	[sflag:s29] =	ssyncadd.s32 $0xFFFFD800  }
0x8b: {  	_ =	swait.ge [sflag:s22], $0x50  }
0x8c: {  	[sflag:s22] =	ssyncset.done $0x0  }
0x8d: {  	[sflag:s22] =	ssyncadd.s32 $0xFFFFFFB0  }
0x8e: {  	[spmem:s1] =	stream.indirect.scatter.add.f32 [tilespmem:s17], [sflag:$0x7], $0x80, s19, s23, $0xb8;
	[tilespmem:$0x16200] =	vst v63  }
0x8f: {  	_ =	swait.ge [sflag:s18], $0x2800  }
0x90: {  	[sflag:s18] =	ssyncset.done $0x0  }
0x91: {  	[sflag:s18] =	ssyncadd.s32 $0xFFFFD800  }
0x92: {  	_ =	swait.ge [sflag:s24], $0x50  }
0x93: {  	[sflag:s24] =	ssyncset.done $0x0  }
0x94: {  	[sflag:s24] =	ssyncadd.s32 $0xFFFFFFB0  }
0x95: {  	[spmem:s1] =	stream.indirect.scatter.add.f32 [tilespmem:s17], [sflag:$0x7], $0x80, s20, s23, $0xb8;
	[tilespmem:$0x16200] =	vst v63  }
0x96: {  	_ =	swait.ge [sflag:s18], $0x2800  }
0x97: {  	[sflag:s18] =	ssyncset.done $0x0  }
0x98: {  	[sflag:s18] =	ssyncadd.s32 $0xFFFFD800  }
0x99: {  	[bflag:$0x0] =	sbarrier.arrive $0xFFFF  }
0x9a: {  	[tilespmem:s17], [sflag:$0x7] =	stream.linear.gather [spmem:s12], $0x2800, $0x38;
	[tilespmem:$0x16200] =	vst v63  }
0x9b: {  	p0 =	sne.s32 s5, $0x1;
	_ =	swait.ge [sflag:s18], $0x2800  }
.Ltmp4:
0x9c: {  	[sflag:s18] =	ssyncset.done $0x0;
	(pc) =	sbr.rel @!p0 .LBB2_11-.Ltmp4, $4  }
0x9d: {  	[sflag:s18] =	ssyncadd.s32 $0xFFFFD800  }
0x9e: {  	[hbm4b:s2+s3] =	stream.linear.scatter [tilespmem:s17], [sflag:$0x7], $0x2800, $0x38;
	[tilespmem:$0x16200] =	vst v63  }
0x9f: {  	s0 =	sadd.s32 $0xFFFFFFFF, s5;
	_ =	swait.ge [sflag:s18], $0x2800  }
0xa0: {  	s31 =	smov.u32 s12;
	s16 =	smov.u32 s2;
	[sflag:s18] =	ssyncset.done $0x0  }
.LBB2_10:
0xa1: {  	[sflag:s18] =	ssyncadd.s32 $0xFFFFD800;
	s31 =	sadd.s32 $0x28000, s31;
	s16 =	sadd.s32 $0x5000, s16  }
0xa2: {  	[tilespmem:s17], [sflag:$0x7] =	stream.linear.gather [spmem:s31], $0x2800, $0x38;
	[tilespmem:$0x16200] =	vst v63  }
0xa3: {  	p0 =	sne.s32 s0, $0x1;
	s0 =	sadd.s32 $0xFFFFFFFF, s0;
	_ =	swait.ge [sflag:s18], $0x2800  }
.Ltmp5:
0xa4: {  	[sflag:s18] =	ssyncset.done $0x0;
	(pc) =	sbr.rel @p0 .LBB2_10-.Ltmp5, $4  }
0xa5: {  	[sflag:s18] =	ssyncadd.s32 $0xFFFFD800  }
0xa6: {  	[hbm4b:s16+s3] =	stream.linear.scatter [tilespmem:s17], [sflag:$0x7], $0x2800, $0x38;
	[tilespmem:$0x16200] =	vst v63  }
0xa7: {  	_ =	swait.ge [sflag:s18], $0x2800  }
0xa8: {  	[sflag:s18] =	ssyncset.done $0x0  }
.LBB2_11:
0xa9: {  	s30 =	sadd.s32 $0x1, s30  }
0xaa: {  	p0 =	sne.s32 s30, s9  }
.Ltmp6:
0xab: {  	_ = 	snop;
	(pc) =	sbr.rel @p0 .LBB2_1-.Ltmp6, $2  }
0xac: {  	_ =	sdelay $0x2  }
0xad: {  	[sflag:s18] =	ssyncadd.s32 $0xFFFFD800  }
0xae: {  	_ =	sfence.sel $0x180000  }
0xaf: {  	[bflag:$0x0] =	sbarrier.arrive $0xFFFF  }
0xb0: {  	_ =	strace $0x9000004A  }
0xb1: {  	s0 =	stileid.u32;
	[bflag:$0x2] =	sbarrier.arrive $0xFFFF  }
0xb2: {  	p0 =	sne.s32 s0, $0x0;
	s0 =	rddreg [dreg:$0x2]  }
0xb3: {  	s0 =	sadd.s32 @!p0 $0x100000, s0  }
0xb4: {  	[sflag:s0] =	ssyncadd.tile.s32 @!p0 $0x1;
	_ =	shalt  }
.Lfunc_end2:
_tile_overlayer_lowered:
.L_overlay_start_2:
0xb5: {  	(tag) =	ssettag $0x2  }
0xb6: {  	s0 =	rddreg [dreg:$0x0];
	s2 =	stileid.u32  }
0xb7: {  	s1 =	rddreg [dreg:$0x1];
	p0 =	sne.s32 s2, $0x0  }
0xb8: {  	s3 =	rddreg [dreg:$0x2];
	[bflag:$0x3] =	sbarrier.arrive $0xFFFF;
	s2 =	simm.s32 @!p0 $0x1C07  }
0xb9: {  	[timem:s3], [sflag:s2] =	dma.local @!p0 [hbm:s0], s1  }
0xba: {  	s0 =	simm.s32 @!p0 $0x7  }
0xbb: {  	_ =	swait.ge @!p0 [sflag:s0], s1  }
0xbc: {  	s1 =	ssub.s32 @!p0 $0x0, s1;
	[sflag:s0] =	ssyncset.done @!p0 $0x0  }
0xbd: {  	[sflag:s0] =	ssyncadd.s32 @!p0 s1  }
0xbe: {  	[bflag:$0x3] =	sbarrier.arrive $0xFFFF  }
0xbf: {  	_ =	shalt  }

</sc_bundles>
